<compile_context>
chip_gen: v7x
topology: tpu7x:2x2x1
jax: 0.10.2.dev20260603
libtpu: 0.0.44.dev20260713+nightly
codegen_flags: <defaults>
</compile_context>

<pallas_src>
import functools

import jax
import jax.numpy as jnp
from jax import lax
from jax.experimental import pallas as pl
from jax.experimental.pallas import tpu as pltpu
from jax.experimental.pallas import tpu_sc as plsc

N = 10000
E = 320000
DIN = 128
DOUT = 128
G = 16

NC = 2
NS = 16
LANES = 16
K = 80
ZR = 8


BN = 1000
NB = N // BN

@functools.lru_cache(maxsize=None)
def _mesh():
    return plsc.VectorSubcoreMesh(
        core_axis_name="c", subcore_axis_name="s",
        num_cores=NC, num_subcores=NS)

_f32 = jnp.float32


def _zero_shared(zbuf, shared, s, width):
    @pl.loop(0, ZR)
    def _(i):
        @pl.loop(0, width // LANES)
        def _(j):
            zbuf[i, pl.ds(j * LANES, LANES)] = jnp.zeros((LANES,), _f32)

    @pl.loop(0, 78)
    def _(d):
        pltpu.sync_copy(zbuf, shared.at[pl.ds(s * 624 + d * ZR, ZR)])

    @pl.when(s == NS - 1)
    def _():
        pltpu.sync_copy(zbuf, shared.at[pl.ds(9984, 8)])
        pltpu.sync_copy(zbuf, shared.at[pl.ds(9992, 8)])


HR = 80


def _sc_degree(dst):
    epw = E // (NC * NS)
    import dataclasses

    @functools.partial(
        pl.kernel,
        out_type=jax.ShapeDtypeStruct((NC * HR, 128), _f32),
        mesh=_mesh(),
        scratch_types=[
            pltpu.VMEM((epw,), jnp.int32),
            pltpu.VMEM((HR, 128), _f32),
            pltpu.VMEM((HR,), jnp.int32),
            pltpu.VMEM_SHARED((HR, 128), _f32),
        ],
        compiler_params=dataclasses.replace(pltpu.CompilerParams(),
                                            needs_layout_passes=False),
    )
    def deg_kernel(dst_hbm, out_hbm, idx_v, hist, iotab, shared):
        c = lax.axis_index("c")
        s = lax.axis_index("s")

        @pl.loop(0, HR)
        def _(i):
            @pl.loop(0, 8)
            def _(j):
                hist[i, pl.ds(j * LANES, LANES)] = jnp.zeros((LANES,), _f32)

        @pl.loop(0, HR // LANES)
        def _(i):
            iotab[pl.ds(i * LANES, LANES)] = (
                lax.iota(jnp.int32, LANES) + i * LANES)

        plsc.subcore_barrier()

        @pl.when(s == 0)
        def _():
            pltpu.sync_copy(hist, shared)

        pltpu.sync_copy(dst_hbm.at[c * NS + s], idx_v)
        plsc.subcore_barrier()

        ones = jnp.ones((LANES,), _f32)

        @pl.loop(0, epw // LANES)
        def _(t):
            iv = idx_v[pl.ds(t * LANES, LANES)]
            row = lax.shift_right_logical(iv, 7)
            lane = lax.bitwise_and(iv, 127)
            plsc.addupdate_scatter(hist, [row, lane], ones)

        plsc.subcore_barrier()
        pltpu.sync_copy(hist, shared.at[iotab], add=True)
        plsc.subcore_barrier()

        @pl.when(s == 0)
        def _():
            pltpu.sync_copy(shared, out_hbm.at[pl.ds(c * HR, HR)])

    return deg_kernel(dst.reshape(NC * NS, epw))


@functools.lru_cache(maxsize=None)
def _make_agg(width, col_split, nblk):
    epw = E // NS if col_split else E // (NC * NS)
    TB = epw // K // nblk

    @functools.partial(
        pl.kernel,
        out_type=jax.ShapeDtypeStruct((NC * N, width), _f32),
        mesh=_mesh(),
        scratch_types=[
            pltpu.VMEM((TB, K), jnp.int32),
            pltpu.VMEM((TB, K), jnp.int32),
            pltpu.VMEM((K, width), _f32),
            pltpu.VMEM((K, width), _f32),
            pltpu.VMEM((K, width), _f32),
            pltpu.VMEM((K, width), _f32),
            pltpu.VMEM((ZR, width), _f32),
            pltpu.VMEM_SHARED((N, width), _f32),
            pltpu.SemaphoreType.DMA,
            pltpu.SemaphoreType.DMA,
            pltpu.SemaphoreType.DMA,
            pltpu.SemaphoreType.DMA,
            pltpu.SemaphoreType.DMA,
            pltpu.SemaphoreType.DMA,
            pltpu.SemaphoreType.DMA,
            pltpu.SemaphoreType.DMA,
        ],
    )
    def agg_kernel(g_hbm, src_hbm, dst_hbm, out_hbm,
                   sidx, didx, rows0, rows1, rows2, rows3, zbuf, shared,
                   gsem0, gsem1, gsem2, gsem3, ssem0, ssem1, ssem2, ssem3):
        c = lax.axis_index("c")
        s = lax.axis_index("s")
        _zero_shared(zbuf, shared, s, width)

        w = s if col_split else c * NS + s
        bufs = [(rows0, gsem0, ssem0), (rows1, gsem1, ssem1),
                (rows2, gsem2, ssem2), (rows3, gsem3, ssem3)]
        NBUF = len(bufs)

        def gather(t, rows, sem):
            pltpu.async_copy(g_hbm.at[sidx.at[t]], rows, sem)

        def gather_wait(t, rows, sem):
            pltpu.make_async_copy(g_hbm.at[sidx.at[t]], rows, sem).wait()

        def scat(t, rows, sem):
            pltpu.async_copy(rows, shared.at[didx.at[t]], sem, add=True)

        def scat_wait(t, rows, sem):
            pltpu.make_async_copy(rows, shared.at[didx.at[t]], sem).wait()

        plsc.subcore_barrier()

        @pl.loop(0, nblk)
        def _(blk):
            pltpu.sync_copy(src_hbm.at[w, blk], sidx)
            pltpu.sync_copy(dst_hbm.at[w, blk], didx)
            if col_split:
                off = c * N

                @pl.loop(0, TB)
                def _(t):
                    @pl.loop(0, K // LANES)
                    def _(j):
                        sidx[t, pl.ds(j * LANES, LANES)] = (
                            sidx[t, pl.ds(j * LANES, LANES)] + off)

            @pl.loop(0, TB // NBUF)
            def _(u):
                for i, (rows, gsem, ssem) in enumerate(bufs):
                    t = NBUF * u + i

                    @pl.when(u > 0)
                    def _():
                        scat_wait(t, rows, ssem)
                    gather(t, rows, gsem)
                for i, (rows, gsem, ssem) in enumerate(bufs):
                    t = NBUF * u + i
                    gather_wait(t, rows, gsem)
                    scat(t, rows, ssem)

            for i, (rows, _, ssem) in enumerate(bufs):
                scat_wait(i, rows, ssem)

            for i in range(TB % NBUF):
                t = TB - (TB % NBUF) + i
                rows, gsem, ssem = bufs[i]
                gather(t, rows, gsem)
                gather_wait(t, rows, gsem)
                scat(t, rows, ssem)
                scat_wait(t, rows, ssem)

        plsc.subcore_barrier()

        @pl.when(s == 0)
        def _():
            pltpu.sync_copy(shared, out_hbm.at[pl.ds(c * N, N)])

    return agg_kernel


def _tc_prep_body(x_ref, w_ref, dega_ref, degb_ref, out_ref):
    x = x_ref[...]
    xn = x / jnp.clip(jnp.sum(x, axis=-1, keepdims=True), 1.0, None)
    deg = dega_ref[...] + degb_ref[...] + 1.0
    dinv = lax.rsqrt(deg)
    h = lax.dot_general(xn, w_ref[...], (((1,), (0,)), ((), ())),
                        preferred_element_type=_f32,
                        precision=lax.Precision.HIGHEST)
    out_ref[0, :, :] = dinv * h


def _tc_prep(x, W1, dega, degb):
    return pl.pallas_call(
        _tc_prep_body,
        grid=(NB, 2),
        in_specs=[
            pl.BlockSpec((BN, DIN), lambda i, c: (i, 0)),
            pl.BlockSpec((DIN, DOUT), lambda i, c: (0, c)),
            pl.BlockSpec((BN, 1), lambda i, c: (i, 0)),
            pl.BlockSpec((BN, 1), lambda i, c: (i, 0)),
        ],
        out_specs=pl.BlockSpec((1, BN, DOUT), lambda i, c: (c, i, 0)),
        out_shape=jax.ShapeDtypeStruct((2, N, DOUT), _f32),
    )(x, W1, dega, degb)


def _tc_mid_body(agga_ref, aggb_ref, g1a_ref, g1b_ref, dega_ref, degb_ref,
                 b1_ref, w2a_ref, w2b_ref, out_ref):
    deg = dega_ref[...] + degb_ref[...] + 1.0
    dinv = lax.rsqrt(deg)
    b1 = b1_ref[...]
    z1a = jnp.maximum(dinv * (agga_ref[...] + g1a_ref[...]) + b1[0:1, :], 0.0)
    z1b = jnp.maximum(dinv * (aggb_ref[...] + g1b_ref[...]) + b1[1:2, :], 0.0)
    dn = (((1,), (0,)), ((), ()))
    h2 = (lax.dot_general(z1a, w2a_ref[0], dn, preferred_element_type=_f32,
                          precision=lax.Precision.HIGHEST)
          + lax.dot_general(z1b, w2b_ref[0], dn, preferred_element_type=_f32,
                            precision=lax.Precision.HIGHEST))
    out_ref[...] = dinv * h2


def _tc_mid(agg1, g1f, dega, degb, b1, W2):
    w2r = W2.reshape(2, DOUT, DOUT)
    b1r = b1.reshape(2, DOUT)
    return pl.pallas_call(
        _tc_mid_body,
        grid=(NB,),
        in_specs=[
            pl.BlockSpec((BN, DOUT), lambda i: (i, 0)),
            pl.BlockSpec((BN, DOUT), lambda i: (i + NB, 0)),
            pl.BlockSpec((BN, DOUT), lambda i: (i, 0)),
            pl.BlockSpec((BN, DOUT), lambda i: (i + NB, 0)),
            pl.BlockSpec((BN, 1), lambda i: (i, 0)),
            pl.BlockSpec((BN, 1), lambda i: (i, 0)),
            pl.BlockSpec((2, DOUT), lambda i: (0, 0)),
            pl.BlockSpec((1, DOUT, DOUT), lambda i: (0, 0, 0)),
            pl.BlockSpec((1, DOUT, DOUT), lambda i: (1, 0, 0)),
        ],
        out_specs=pl.BlockSpec((BN, DOUT), lambda i: (i, 0)),
        out_shape=jax.ShapeDtypeStruct((N, DOUT), _f32),
    )(agg1, agg1, g1f, g1f, dega, degb, b1r, w2r, w2r)


def _tc_final_body(agga_ref, aggb_ref, g2_ref, dega_ref, degb_ref,
                   b2_ref, bat_ref, out_ref, s_acc, c_acc):
    i = pl.program_id(0)

    @pl.when(i == 0)
    def _():
        s_acc[...] = jnp.zeros((G, DOUT), _f32)
        c_acc[...] = jnp.zeros((G, DOUT), _f32)

    deg = dega_ref[...] + degb_ref[...] + 1.0
    dinv = lax.rsqrt(deg)
    z2 = jnp.maximum(
        dinv * (agga_ref[...] + aggb_ref[...] + g2_ref[...]) + b2_ref[...],
        0.0)
    gids = lax.broadcasted_iota(jnp.int32, (BN, G), 1).astype(_f32)
    onehot = jnp.where(bat_ref[...] == gids, 1.0, 0.0)
    dn = (((0,), (0,)), ((), ()))
    s_acc[...] += lax.dot_general(onehot, z2, dn,
                                  preferred_element_type=_f32,
                                  precision=lax.Precision.HIGHEST)
    c_acc[...] += jnp.sum(onehot, axis=0)[:, None]

    @pl.when(i == pl.num_programs(0) - 1)
    def _():
        out_ref[...] = s_acc[...] / jnp.clip(c_acc[...], 1.0, None)


def _tc_final(agg2, g2, dega, degb, b2, batchf):
    return pl.pallas_call(
        _tc_final_body,
        grid=(NB,),
        in_specs=[
            pl.BlockSpec((BN, DOUT), lambda i: (i, 0)),
            pl.BlockSpec((BN, DOUT), lambda i: (i + NB, 0)),
            pl.BlockSpec((BN, DOUT), lambda i: (i, 0)),
            pl.BlockSpec((BN, 1), lambda i: (i, 0)),
            pl.BlockSpec((BN, 1), lambda i: (i, 0)),
            pl.BlockSpec((1, DOUT), lambda i: (0, 0)),
            pl.BlockSpec((BN, 1), lambda i: (i, 0)),
        ],
        out_specs=pl.BlockSpec((G, DOUT), lambda i: (0, 0)),
        out_shape=jax.ShapeDtypeStruct((G, DOUT), _f32),
        scratch_shapes=[pltpu.VMEM((G, DOUT), _f32),
                        pltpu.VMEM((G, DOUT), _f32)],
    )(agg2, agg2, g2, dega, degb, b2.reshape(1, DOUT), batchf)


def _agg_l1(g1f, src, dst):
    shp = (NS, 10, E // NS // K // 10, K)
    return _make_agg(DOUT, True, 10)(g1f, src.reshape(shp), dst.reshape(shp))


def _agg_l2(g2, src, dst):
    shp = (NC * NS, 5, E // (NC * NS) // K // 5, K)
    return _make_agg(DOUT, False, 5)(g2, src.reshape(shp), dst.reshape(shp))


def kernel(x, edge_index, batch, W1, b1, W2, b2):
    src = edge_index[0]
    dst = edge_index[1]
    batchf = batch.astype(_f32).reshape(N, 1)

    degp = _sc_degree(dst)
    degf = degp.reshape(2, HR * 128)
    dega = degf[0, :N].reshape(N, 1)
    degb = degf[1, :N].reshape(N, 1)
    g1 = _tc_prep(x, W1, dega, degb)
    g1f = g1.reshape(2 * N, DOUT)
    agg1 = _agg_l1(g1f, src, dst)
    g2 = _tc_mid(agg1, g1f, dega, degb, b1, W2)
    agg2 = _agg_l2(g2, src, dst)
    return _tc_final(agg2, g2, dega, degb, b2, batchf)

# --- scband reference (transcript-rebuilt; emitter-appended) ---
"""Pipeline reference for scband-graph-embedder-87763361726596 (READ-ONLY COPY).

The authoritative reference and input builder live on the scoring server;
editing this copy changes nothing except your own understanding.
"""

import jax, jax.numpy as jnp
import numpy as np

N = 10000
E = 320000
DIN = 128
DOUT = 128
G = 16


def setup_inputs(seed: int = 0) -> dict:
    key = jax.random.key(seed)
    ks = jax.random.split(key, 6)
    x = jax.random.uniform(ks[0], (N, DIN), dtype=jnp.float32)
    edge_index = jax.random.randint(ks[1], (2, E), 0, N, dtype=jnp.int32)
    batch = jnp.sort(jax.random.randint(ks[2], (N,), 0, G, dtype=jnp.int32))
    W1 = jax.random.normal(ks[3], (DIN, 2 * DOUT), dtype=jnp.float32) * (1.0 / np.sqrt(DIN))
    b1 = jnp.zeros((2 * DOUT,), dtype=jnp.float32)
    W2 = jax.random.normal(ks[4], (2 * DOUT, DOUT), dtype=jnp.float32) * (1.0 / np.sqrt(2 * DOUT))
    b2 = jnp.zeros((DOUT,), dtype=jnp.float32)
    return {"x": x, "edge_index": edge_index, "batch": batch, "W1": W1, "b1": b1, "W2": W2, "b2": b2}


def _gcn_conv(x, edge_index, W, b):
    # GCNConv: D^{-1/2} (A + I) D^{-1/2} X W + b  (add self-loops, symmetric normalization)
    loop = jnp.arange(N, dtype=edge_index.dtype)
    src = jnp.concatenate([edge_index[0], loop])
    dst = jnp.concatenate([edge_index[1], loop])
    deg = jnp.zeros((N,), dtype=x.dtype).at[dst].add(1.0)
    deg_inv_sqrt = jnp.where(deg > 0, 1.0 / jnp.sqrt(deg), 0.0)
    norm = deg_inv_sqrt[src] * deg_inv_sqrt[dst]
    h = x @ W
    msgs = h[src] * norm[:, None]
    out = jnp.zeros((N, W.shape[1]), dtype=x.dtype).at[dst].add(msgs)
    return out + b


def reference(x, edge_index, batch, W1, b1, W2, b2):
    # T.NormalizeFeatures(): row-normalize by sum, clamped at 1
    x = x / jnp.clip(jnp.sum(x, axis=-1, keepdims=True), 1.0, None)
    # (NormalizeScale acts on data.pos which is absent here)
    h = jax.nn.relu(_gcn_conv(x, edge_index, W1, b1))
    h = jax.nn.relu(_gcn_conv(h, edge_index, W2, b2))
    # global_mean_pool over batch assignment
    s = jax.ops.segment_sum(h, batch, num_segments=G)
    cnt = jax.ops.segment_sum(jnp.ones((N, 1), dtype=h.dtype), batch, num_segments=G)
    return s / jnp.clip(cnt, 1.0, None)

if __name__ == "__main__":
    import jax
    _d = setup_inputs()
    print(jax.jit(kernel)(*tuple(_d.values())))

</pallas_src>

<mosaic_0001>
#map = affine_map<(d0, d1) -> (0, 0)>
module attributes {stable_mosaic.version = 14 : i64} {
  func.func @deg_kernel(%arg0: i32, %arg1: i32, %arg2: memref<32x10000xi32, #tpu.memory_space<hbm>>, %arg3: memref<160x128xf32, #tpu.memory_space<hbm>>, %arg4: memref<10000xi32, #tpu.memory_space<vmem>>, %arg5: memref<80x128xf32, #tpu.memory_space<vmem>>, %arg6: memref<80xi32, #tpu.memory_space<vmem>>, %arg7: memref<80x128xf32, #tpu.memory_space<vmem_shared>>) attributes {dimension_semantics = [#tpu.dimension_semantics<core_parallel>, #tpu.dimension_semantics<subcore_parallel>], iteration_bounds = array<i64: 2, 16>, scalar_prefetch = 0 : i64, scratch_operands = 4 : i64, tpu.core_type = #tpu.core_type<sc_vector_subcore>, window_params = [{transform_indices = #map}, {transform_indices = #map}]} {
    %scan3A = arith.constant 0 : i32
    %scan3A_0 = arith.constant 80 : i32
    %scan3A_1 = arith.addi %scan3A, %scan3A_0 : i32
    %scan3A_2 = arith.constant 1 : i32
    scf.for %scan3A_26 = %scan3A to %scan3A_1 step %scan3A_2  : i32 {
      %mul3A_27 = arith.constant 1 : i32
      %mul3A_28 = arith.muli %scan3A_26, %mul3A_27 : i32
      %add3A_29 = arith.constant 0 : i32
      %add3A_30 = arith.addi %add3A_29, %mul3A_28 : i32
      %scan3A_31 = arith.constant 0 : i32
      %scan3A_32 = arith.constant 8 : i32
      %scan3A_33 = arith.addi %scan3A_31, %scan3A_32 : i32
      %scan3A_34 = arith.constant 1 : i32
      scf.for %scan3A_36 = %scan3A_31 to %scan3A_33 step %scan3A_34  : i32 {
        %mul3A_37 = arith.constant 1 : i32
        %mul3A_38 = arith.muli %scan3A_36, %mul3A_37 : i32
        %add3A_39 = arith.constant 0 : i32
        %add3A_40 = arith.addi %add3A_39, %mul3A_38 : i32
        %broadcast_in_dim3A_41 = arith.constant 0.000000e+00 : f32
        %broadcast_in_dim3A_42 = vector.broadcast %broadcast_in_dim3A_41 : f32 to vector<16xf32>
        %mul3A_43 = arith.constant 16 : i32
        %mul3A_44 = arith.muli %add3A_40, %mul3A_43 : i32
        %swap3A = arith.index_cast %add3A_30 : i32 to index
        %swap3A_45 = arith.index_cast %mul3A_44 : i32 to index
        %swap3A_46 = tpu.vector_load %arg5[%swap3A, %swap3A_45] {strides = array<i32>} : memref<80x128xf32, #tpu.memory_space<vmem>>, vector<16xf32>,
        tpu.vector_store %arg5[%swap3A, %swap3A_45], %broadcast_in_dim3A_42 {strides = array<i32>} : memref<80x128xf32, #tpu.memory_space<vmem>>, vector<16xf32>,
      }
      %scan3A_35 = arith.constant 8 : i32
    }
    %scan3A_3 = arith.constant 80 : i32
    %scan3A_4 = arith.constant 0 : i32
    %scan3A_5 = arith.constant 5 : i32
    %scan3A_6 = arith.addi %scan3A_4, %scan3A_5 : i32
    %scan3A_7 = arith.constant 1 : i32
    scf.for %scan3A_26 = %scan3A_4 to %scan3A_6 step %scan3A_7  : i32 {
      %mul3A_27 = arith.constant 1 : i32
      %mul3A_28 = arith.muli %scan3A_26, %mul3A_27 : i32
      %add3A_29 = arith.constant 0 : i32
      %add3A_30 = arith.addi %add3A_29, %mul3A_28 : i32
      %iota3A = tpu.iota {dimensions = array<i32: 0>} : vector<16xi32>
      %mul3A_31 = arith.constant 16 : i32
      %mul3A_32 = arith.muli %add3A_30, %mul3A_31 : i32
      %add3A_33 = vector.broadcast %mul3A_32 : i32 to vector<16xi32>
      %add3A_34 = arith.addi %iota3A, %add3A_33 : vector<16xi32>
      %mul3A_35 = arith.constant 16 : i32
      %mul3A_36 = arith.muli %add3A_30, %mul3A_35 : i32
      %swap3A = arith.index_cast %mul3A_36 : i32 to index
      %swap3A_37 = tpu.vector_load %arg6[%swap3A] {strides = array<i32>} : memref<80xi32, #tpu.memory_space<vmem>>, vector<16xi32>,
      tpu.vector_store %arg6[%swap3A], %add3A_34 {strides = array<i32>} : memref<80xi32, #tpu.memory_space<vmem>>, vector<16xi32>,
    }
    %scan3A_8 = arith.constant 5 : i32
    %barrier3A = arith.constant 0 : index
    tpu.barrier barrier_id(%barrier3A)
    %eq3A = arith.constant 0 : i32
    %eq3A_9 = arith.cmpi eq, %arg1, %eq3A : i32
    %convert_element_type3A = arith.extui %eq3A_9 : i1 to i32
    %cond3A = arith.constant 0 : i32
    %cond3A_10 = arith.cmpi ne, %convert_element_type3A, %cond3A : i32
    scf.if %cond3A_10 {
      "tpu.region"() ({
        %run_scoped3A = tpu.sem_alloc : memref<!tpu.dma_semaphore, #tpu.memory_space<semaphore_mem>>
        tpu.enqueue_dma source(%arg5 : memref<80x128xf32, #tpu.memory_space<vmem>>) target(%arg7 : memref<80x128xf32, #tpu.memory_space<vmem_shared>>) target_semaphore(%run_scoped3A : memref<!tpu.dma_semaphore, #tpu.memory_space<semaphore_mem>>)
        tpu.wait_dma2 semaphore(%run_scoped3A : memref<!tpu.dma_semaphore, #tpu.memory_space<semaphore_mem>>) src(%arg5 : memref<80x128xf32, #tpu.memory_space<vmem>>) dst(%arg7 : memref<80x128xf32, #tpu.memory_space<vmem_shared>>)
        tpu.yield
      }) : () -> ()
    } else {
    }
    %mul3A = arith.constant 16 : i32
    %mul3A_11 = arith.muli %arg0, %mul3A : i32
    %add3A = arith.addi %mul3A_11, %arg1 : i32
    "tpu.region"() ({
      %run_scoped3A = tpu.sem_alloc : memref<!tpu.dma_semaphore, #tpu.memory_space<semaphore_mem>>
      %dma_start3A = arith.constant 0 : i32
      %dma_start3A_26 = tpu.memref_slice %arg2[%add3A, %dma_start3A] : memref<32x10000xi32, #tpu.memory_space<hbm>> -> memref<1x10000xi32, #tpu.memory_space<hbm>>
      %dma_start3A_27 = tpu.memref_squeeze %dma_start3A_26 : memref<1x10000xi32, #tpu.memory_space<hbm>> -> memref<10000xi32, #tpu.memory_space<hbm>>
      %dma_start3A_28 = arith.constant 0 : i32
      %dma_start3A_29 = tpu.memref_slice %arg2[%add3A, %dma_start3A_28] : memref<32x10000xi32, #tpu.memory_space<hbm>> -> memref<1x10000xi32, #tpu.memory_space<hbm>>
      %dma_start3A_30 = tpu.memref_squeeze %dma_start3A_29 : memref<1x10000xi32, #tpu.memory_space<hbm>> -> memref<10000xi32, #tpu.memory_space<hbm>>
      tpu.enqueue_dma source(%dma_start3A_30 : memref<10000xi32, #tpu.memory_space<hbm>>) target(%arg4 : memref<10000xi32, #tpu.memory_space<vmem>>) target_semaphore(%run_scoped3A : memref<!tpu.dma_semaphore, #tpu.memory_space<semaphore_mem>>)
      %dma_wait3A = arith.constant 0 : i32
      %dma_wait3A_31 = tpu.memref_slice %arg2[%add3A, %dma_wait3A] : memref<32x10000xi32, #tpu.memory_space<hbm>> -> memref<1x10000xi32, #tpu.memory_space<hbm>>
      %dma_wait3A_32 = tpu.memref_squeeze %dma_wait3A_31 : memref<1x10000xi32, #tpu.memory_space<hbm>> -> memref<10000xi32, #tpu.memory_space<hbm>>
      %dma_wait3A_33 = arith.constant 0 : i32
      %dma_wait3A_34 = tpu.memref_slice %arg2[%add3A, %dma_wait3A_33] : memref<32x10000xi32, #tpu.memory_space<hbm>> -> memref<1x10000xi32, #tpu.memory_space<hbm>>
      %dma_wait3A_35 = tpu.memref_squeeze %dma_wait3A_34 : memref<1x10000xi32, #tpu.memory_space<hbm>> -> memref<10000xi32, #tpu.memory_space<hbm>>
      tpu.wait_dma2 semaphore(%run_scoped3A : memref<!tpu.dma_semaphore, #tpu.memory_space<semaphore_mem>>) src(%dma_wait3A_35 : memref<10000xi32, #tpu.memory_space<hbm>>) dst(%arg4 : memref<10000xi32, #tpu.memory_space<vmem>>)
      tpu.yield
    }) : () -> ()
    %barrier3A_12 = arith.constant 0 : index
    tpu.barrier barrier_id(%barrier3A_12)
    %broadcast_in_dim3A = arith.constant 1.000000e+00 : f32
    %broadcast_in_dim3A_13 = vector.broadcast %broadcast_in_dim3A : f32 to vector<16xf32>
    %scan3A_14 = arith.constant 0 : i32
    %scan3A_15 = arith.constant 625 : i32
    %scan3A_16 = arith.addi %scan3A_14, %scan3A_15 : i32
    %scan3A_17 = arith.constant 1 : i32
    scf.for %scan3A_26 = %scan3A_14 to %scan3A_16 step %scan3A_17  : i32 {
      %mul3A_27 = arith.constant 1 : i32
      %mul3A_28 = arith.muli %scan3A_26, %mul3A_27 : i32
      %add3A_29 = arith.constant 0 : i32
      %add3A_30 = arith.addi %add3A_29, %mul3A_28 : i32
      %mul3A_31 = arith.constant 16 : i32
      %mul3A_32 = arith.muli %add3A_30, %mul3A_31 : i32
      %get3A = arith.index_cast %mul3A_32 : i32 to index
      %get3A_33 = tpu.vector_load %arg4[%get3A] {strides = array<i32>} : memref<10000xi32, #tpu.memory_space<vmem>>, vector<16xi32>,
      %shift_right_logical3A = arith.constant 7 : i32
      %shift_right_logical3A_34 = vector.broadcast %shift_right_logical3A : i32 to vector<16xi32>
      %shift_right_logical3A_35 = arith.shrui %get3A_33, %shift_right_logical3A_34 : vector<16xi32>
      %and3A = arith.constant 127 : i32
      %and3A_36 = vector.broadcast %and3A : i32 to vector<16xi32>
      %and3A_37 = arith.andi %get3A_33, %and3A_36 : vector<16xi32>
      tpu.vector_store_idx %arg5[%shift_right_logical3A_35, %and3A_37], %broadcast_in_dim3A_13 {add = true} : memref<80x128xf32, #tpu.memory_space<vmem>>[vector<16xi32>, vector<16xi32>], vector<16xf32>,
    }
    %scan3A_18 = arith.constant 625 : i32
    %barrier3A_19 = arith.constant 0 : index
    tpu.barrier barrier_id(%barrier3A_19)
    "tpu.region"() ({
      %run_scoped3A = tpu.sem_alloc : memref<!tpu.dma_semaphore, #tpu.memory_space<semaphore_mem>>
      %dma_start3A = arith.constant 0 : i32
      %dma_start3A_26 = arith.constant 0 : i32
      %dma_start3A_27 = tpu.memref_slice %arg7[%dma_start3A, %dma_start3A_26] : memref<80x128xf32, #tpu.memory_space<vmem_shared>> -> memref<80x128xf32, #tpu.memory_space<vmem_shared>>
      tpu.enqueue_indirect_dma source(%arg5 : memref<80x128xf32, #tpu.memory_space<vmem>>) target(%dma_start3A_27 : memref<80x128xf32, #tpu.memory_space<vmem_shared>>) offsets(%arg6 : memref<80xi32, #tpu.memory_space<vmem>>) semaphore(%run_scoped3A : memref<!tpu.dma_semaphore, #tpu.memory_space<semaphore_mem>>) {add = true}
      %dma_wait3A = arith.constant 0 : i32
      %dma_wait3A_28 = arith.constant 0 : i32
      %dma_wait3A_29 = tpu.memref_slice %arg7[%dma_wait3A, %dma_wait3A_28] : memref<80x128xf32, #tpu.memory_space<vmem_shared>> -> memref<80x128xf32, #tpu.memory_space<vmem_shared>>
      tpu.wait_indirect_dma semaphore(%run_scoped3A : memref<!tpu.dma_semaphore, #tpu.memory_space<semaphore_mem>>) src(%arg5 : memref<80x128xf32, #tpu.memory_space<vmem>>) dst(%dma_wait3A_29 : memref<80x128xf32, #tpu.memory_space<vmem_shared>>)
      tpu.yield
    }) : () -> ()
    %barrier3A_20 = arith.constant 0 : index
    tpu.barrier barrier_id(%barrier3A_20)
    %eq3A_21 = arith.constant 0 : i32
    %eq3A_22 = arith.cmpi eq, %arg1, %eq3A_21 : i32
    %convert_element_type3A_23 = arith.extui %eq3A_22 : i1 to i32
    %cond3A_24 = arith.constant 0 : i32
    %cond3A_25 = arith.cmpi ne, %convert_element_type3A_23, %cond3A_24 : i32
    scf.if %cond3A_25 {
      %mul3A_26 = arith.constant 80 : i32
      %mul3A_27 = arith.muli %arg0, %mul3A_26 : i32
      "tpu.region"() ({
        %run_scoped3A = tpu.sem_alloc : memref<!tpu.dma_semaphore, #tpu.memory_space<semaphore_mem>>
        %dma_start3A = arith.constant 0 : i32
        %dma_start3A_28 = tpu.memref_slice %arg3[%mul3A_27, %dma_start3A] : memref<160x128xf32, #tpu.memory_space<hbm>> -> memref<80x128xf32, #tpu.memory_space<hbm>>
        tpu.enqueue_dma source(%arg7 : memref<80x128xf32, #tpu.memory_space<vmem_shared>>) target(%dma_start3A_28 : memref<80x128xf32, #tpu.memory_space<hbm>>) target_semaphore(%run_scoped3A : memref<!tpu.dma_semaphore, #tpu.memory_space<semaphore_mem>>)
        %dma_wait3A = arith.constant 0 : i32
        %dma_wait3A_29 = tpu.memref_slice %arg3[%mul3A_27, %dma_wait3A] : memref<160x128xf32, #tpu.memory_space<hbm>> -> memref<80x128xf32, #tpu.memory_space<hbm>>
        tpu.wait_dma2 semaphore(%run_scoped3A : memref<!tpu.dma_semaphore, #tpu.memory_space<semaphore_mem>>) src(%arg7 : memref<80x128xf32, #tpu.memory_space<vmem_shared>>) dst(%dma_wait3A_29 : memref<80x128xf32, #tpu.memory_space<hbm>>)
        tpu.yield
      }) : () -> ()
    } else {
    }
    return
  }
}

#map = affine_map<(d0, d1) -> (0, 0)>
#map1 = affine_map<(d0, d1) -> (0, 0, 0, 0)>
module attributes {stable_mosaic.version = 14 : i64} {
  func.func @agg_kernel(%arg0: i32, %arg1: i32, %arg2: memref<20000x128xf32, #tpu.memory_space<hbm>>, %arg3: memref<16x10x25x80xi32, #tpu.memory_space<hbm>>, %arg4: memref<16x10x25x80xi32, #tpu.memory_space<hbm>>, %arg5: memref<20000x128xf32, #tpu.memory_space<hbm>>, %arg6: memref<25x80xi32, #tpu.memory_space<vmem>>, %arg7: memref<25x80xi32, #tpu.memory_space<vmem>>, %arg8: memref<80x128xf32, #tpu.memory_space<vmem>>, %arg9: memref<80x128xf32, #tpu.memory_space<vmem>>, %arg10: memref<80x128xf32, #tpu.memory_space<vmem>>, %arg11: memref<80x128xf32, #tpu.memory_space<vmem>>, %arg12: memref<8x128xf32, #tpu.memory_space<vmem>>, %arg13: memref<10000x128xf32, #tpu.memory_space<vmem_shared>>, %arg14: memref<!tpu.dma_semaphore, #tpu.memory_space<semaphore_mem>>, %arg15: memref<!tpu.dma_semaphore, #tpu.memory_space<semaphore_mem>>, %arg16: memref<!tpu.dma_semaphore, #tpu.memory_space<semaphore_mem>>, %arg17: memref<!tpu.dma_semaphore, #tpu.memory_space<semaphore_mem>>, %arg18: memref<!tpu.dma_semaphore, #tpu.memory_space<semaphore_mem>>, %arg19: memref<!tpu.dma_semaphore, #tpu.memory_space<semaphore_mem>>, %arg20: memref<!tpu.dma_semaphore, #tpu.memory_space<semaphore_mem>>, %arg21: memref<!tpu.dma_semaphore, #tpu.memory_space<semaphore_mem>>) attributes {dimension_semantics = [#tpu.dimension_semantics<core_parallel>, #tpu.dimension_semantics<subcore_parallel>], iteration_bounds = array<i64: 2, 16>, scalar_prefetch = 0 : i64, scratch_operands = 16 : i64, tpu.core_type = #tpu.core_type<sc_vector_subcore>, window_params = [{transform_indices = #map}, {transform_indices = #map1}, {transform_indices = #map1}, {transform_indices = #map}]} {
    %scan3A = arith.constant 0 : i32
    %scan3A_0 = arith.constant 8 : i32
    %scan3A_1 = arith.addi %scan3A, %scan3A_0 : i32
    %scan3A_2 = arith.constant 1 : i32
    scf.for %scan3A_22 = %scan3A to %scan3A_1 step %scan3A_2  : i32 {
      %mul3A = arith.constant 1 : i32
      %mul3A_23 = arith.muli %scan3A_22, %mul3A : i32
      %add3A = arith.constant 0 : i32
      %add3A_24 = arith.addi %add3A, %mul3A_23 : i32
      %scan3A_25 = arith.constant 0 : i32
      %scan3A_26 = arith.constant 8 : i32
      %scan3A_27 = arith.addi %scan3A_25, %scan3A_26 : i32
      %scan3A_28 = arith.constant 1 : i32
      scf.for %scan3A_30 = %scan3A_25 to %scan3A_27 step %scan3A_28  : i32 {
        %mul3A_31 = arith.constant 1 : i32
        %mul3A_32 = arith.muli %scan3A_30, %mul3A_31 : i32
        %add3A_33 = arith.constant 0 : i32
        %add3A_34 = arith.addi %add3A_33, %mul3A_32 : i32
        %broadcast_in_dim3A = arith.constant 0.000000e+00 : f32
        %broadcast_in_dim3A_35 = vector.broadcast %broadcast_in_dim3A : f32 to vector<16xf32>
        %mul3A_36 = arith.constant 16 : i32
        %mul3A_37 = arith.muli %add3A_34, %mul3A_36 : i32
        %swap3A = arith.index_cast %add3A_24 : i32 to index
        %swap3A_38 = arith.index_cast %mul3A_37 : i32 to index
        %swap3A_39 = tpu.vector_load %arg12[%swap3A, %swap3A_38] {strides = array<i32>} : memref<8x128xf32, #tpu.memory_space<vmem>>, vector<1x16xf32>,
        %swap3A_40 = vector.shape_cast %swap3A_39 : vector<1x16xf32> to vector<16xf32>
        %swap3A_41 = vector.shape_cast %broadcast_in_dim3A_35 : vector<16xf32> to vector<1x16xf32>
        tpu.vector_store %arg12[%swap3A, %swap3A_38], %swap3A_41 {strides = array<i32>} : memref<8x128xf32, #tpu.memory_space<vmem>>, vector<1x16xf32>,
      }
      %scan3A_29 = arith.constant 8 : i32
    }
    %scan3A_3 = arith.constant 8 : i32
    %scan3A_4 = arith.constant 0 : i32
    %scan3A_5 = arith.constant 78 : i32
    %scan3A_6 = arith.addi %scan3A_4, %scan3A_5 : i32
    %scan3A_7 = arith.constant 1 : i32
    scf.for %scan3A_22 = %scan3A_4 to %scan3A_6 step %scan3A_7  : i32 {
      %mul3A = arith.constant 1 : i32
      %mul3A_23 = arith.muli %scan3A_22, %mul3A : i32
      %add3A = arith.constant 0 : i32
      %add3A_24 = arith.addi %add3A, %mul3A_23 : i32
      %mul3A_25 = arith.constant 624 : i32
      %mul3A_26 = arith.muli %arg1, %mul3A_25 : i32
      %mul3A_27 = arith.constant 8 : i32
      %mul3A_28 = arith.muli %add3A_24, %mul3A_27 : i32
      %add3A_29 = arith.addi %mul3A_26, %mul3A_28 : i32
      "tpu.region"() ({
        %run_scoped3A = tpu.sem_alloc : memref<!tpu.dma_semaphore, #tpu.memory_space<semaphore_mem>>
        %dma_start3A = arith.constant 0 : i32
        %dma_start3A_30 = tpu.memref_slice %arg13[%add3A_29, %dma_start3A] : memref<10000x128xf32, #tpu.memory_space<vmem_shared>> -> memref<8x128xf32, #tpu.memory_space<vmem_shared>>
        %dma_start3A_31 = arith.constant 0 : i32
        %dma_start3A_32 = tpu.memref_slice %arg13[%add3A_29, %dma_start3A_31] : memref<10000x128xf32, #tpu.memory_space<vmem_shared>> -> memref<8x128xf32, #tpu.memory_space<vmem_shared>>
        tpu.enqueue_dma source(%arg12 : memref<8x128xf32, #tpu.memory_space<vmem>>) target(%dma_start3A_32 : memref<8x128xf32, #tpu.memory_space<vmem_shared>>) target_semaphore(%run_scoped3A : memref<!tpu.dma_semaphore, #tpu.memory_space<semaphore_mem>>)
        %dma_wait3A = arith.constant 0 : i32
        %dma_wait3A_33 = tpu.memref_slice %arg13[%add3A_29, %dma_wait3A] : memref<10000x128xf32, #tpu.memory_space<vmem_shared>> -> memref<8x128xf32, #tpu.memory_space<vmem_shared>>
        %dma_wait3A_34 = arith.constant 0 : i32
        %dma_wait3A_35 = tpu.memref_slice %arg13[%add3A_29, %dma_wait3A_34] : memref<10000x128xf32, #tpu.memory_space<vmem_shared>> -> memref<8x128xf32, #tpu.memory_space<vmem_shared>>
        tpu.wait_dma2 semaphore(%run_scoped3A : memref<!tpu.dma_semaphore, #tpu.memory_space<semaphore_mem>>) src(%arg12 : memref<8x128xf32, #tpu.memory_space<vmem>>) dst(%dma_wait3A_35 : memref<8x128xf32, #tpu.memory_space<vmem_shared>>)
        tpu.yield
      }) : () -> ()
    }
    %scan3A_8 = arith.constant 78 : i32
    %eq3A = arith.constant 15 : i32
    %eq3A_9 = arith.cmpi eq, %arg1, %eq3A : i32
    %convert_element_type3A = arith.extui %eq3A_9 : i1 to i32
    %cond3A = arith.constant 0 : i32
    %cond3A_10 = arith.cmpi ne, %convert_element_type3A, %cond3A : i32
    scf.if %cond3A_10 {
      "tpu.region"() ({
        %run_scoped3A = tpu.sem_alloc : memref<!tpu.dma_semaphore, #tpu.memory_space<semaphore_mem>>
        %dma_start3A = arith.constant 9984 : i32
        %dma_start3A_22 = arith.constant 0 : i32
        %dma_start3A_23 = tpu.memref_slice %arg13[%dma_start3A, %dma_start3A_22] : memref<10000x128xf32, #tpu.memory_space<vmem_shared>> -> memref<8x128xf32, #tpu.memory_space<vmem_shared>>
        %dma_start3A_24 = arith.constant 9984 : i32
        %dma_start3A_25 = arith.constant 0 : i32
        %dma_start3A_26 = tpu.memref_slice %arg13[%dma_start3A_24, %dma_start3A_25] : memref<10000x128xf32, #tpu.memory_space<vmem_shared>> -> memref<8x128xf32, #tpu.memory_space<vmem_shared>>
        tpu.enqueue_dma source(%arg12 : memref<8x128xf32, #tpu.memory_space<vmem>>) target(%dma_start3A_26 : memref<8x128xf32, #tpu.memory_space<vmem_shared>>) target_semaphore(%run_scoped3A : memref<!tpu.dma_semaphore, #tpu.memory_space<semaphore_mem>>)
        %dma_wait3A = arith.constant 9984 : i32
        %dma_wait3A_27 = arith.constant 0 : i32
        %dma_wait3A_28 = tpu.memref_slice %arg13[%dma_wait3A, %dma_wait3A_27] : memref<10000x128xf32, #tpu.memory_space<vmem_shared>> -> memref<8x128xf32, #tpu.memory_space<vmem_shared>>
        %dma_wait3A_29 = arith.constant 9984 : i32
        %dma_wait3A_30 = arith.constant 0 : i32
        %dma_wait3A_31 = tpu.memref_slice %arg13[%dma_wait3A_29, %dma_wait3A_30] : memref<10000x128xf32, #tpu.memory_space<vmem_shared>> -> memref<8x128xf32, #tpu.memory_space<vmem_shared>>
        tpu.wait_dma2 semaphore(%run_scoped3A : memref<!tpu.dma_semaphore, #tpu.memory_space<semaphore_mem>>) src(%arg12 : memref<8x128xf32, #tpu.memory_space<vmem>>) dst(%dma_wait3A_31 : memref<8x128xf32, #tpu.memory_space<vmem_shared>>)
        tpu.yield
      }) : () -> ()
      "tpu.region"() ({
        %run_scoped3A = tpu.sem_alloc : memref<!tpu.dma_semaphore, #tpu.memory_space<semaphore_mem>>
        %dma_start3A = arith.constant 9992 : i32
        %dma_start3A_22 = arith.constant 0 : i32
        %dma_start3A_23 = tpu.memref_slice %arg13[%dma_start3A, %dma_start3A_22] : memref<10000x128xf32, #tpu.memory_space<vmem_shared>> -> memref<8x128xf32, #tpu.memory_space<vmem_shared>>
        %dma_start3A_24 = arith.constant 9992 : i32
        %dma_start3A_25 = arith.constant 0 : i32
        %dma_start3A_26 = tpu.memref_slice %arg13[%dma_start3A_24, %dma_start3A_25] : memref<10000x128xf32, #tpu.memory_space<vmem_shared>> -> memref<8x128xf32, #tpu.memory_space<vmem_shared>>
        tpu.enqueue_dma source(%arg12 : memref<8x128xf32, #tpu.memory_space<vmem>>) target(%dma_start3A_26 : memref<8x128xf32, #tpu.memory_space<vmem_shared>>) target_semaphore(%run_scoped3A : memref<!tpu.dma_semaphore, #tpu.memory_space<semaphore_mem>>)
        %dma_wait3A = arith.constant 9992 : i32
        %dma_wait3A_27 = arith.constant 0 : i32
        %dma_wait3A_28 = tpu.memref_slice %arg13[%dma_wait3A, %dma_wait3A_27] : memref<10000x128xf32, #tpu.memory_space<vmem_shared>> -> memref<8x128xf32, #tpu.memory_space<vmem_shared>>
        %dma_wait3A_29 = arith.constant 9992 : i32
        %dma_wait3A_30 = arith.constant 0 : i32
        %dma_wait3A_31 = tpu.memref_slice %arg13[%dma_wait3A_29, %dma_wait3A_30] : memref<10000x128xf32, #tpu.memory_space<vmem_shared>> -> memref<8x128xf32, #tpu.memory_space<vmem_shared>>
        tpu.wait_dma2 semaphore(%run_scoped3A : memref<!tpu.dma_semaphore, #tpu.memory_space<semaphore_mem>>) src(%arg12 : memref<8x128xf32, #tpu.memory_space<vmem>>) dst(%dma_wait3A_31 : memref<8x128xf32, #tpu.memory_space<vmem_shared>>)
        tpu.yield
      }) : () -> ()
    } else {
    }
    %barrier3A = arith.constant 0 : index
    tpu.barrier barrier_id(%barrier3A)
    %scan3A_11 = arith.constant 0 : i32
    %scan3A_12 = arith.constant 10 : i32
    %scan3A_13 = arith.addi %scan3A_11, %scan3A_12 : i32
    %scan3A_14 = arith.constant 1 : i32
    scf.for %scan3A_22 = %scan3A_11 to %scan3A_13 step %scan3A_14  : i32 {
      %mul3A = arith.constant 1 : i32
      %mul3A_23 = arith.muli %scan3A_22, %mul3A : i32
      %add3A = arith.constant 0 : i32
      %add3A_24 = arith.addi %add3A, %mul3A_23 : i32
      "tpu.region"() ({
        %run_scoped3A = tpu.sem_alloc : memref<!tpu.dma_semaphore, #tpu.memory_space<semaphore_mem>>
        %dma_start3A_91 = arith.constant 0 : i32
        %dma_start3A_92 = arith.constant 0 : i32
        %dma_start3A_93 = tpu.memref_slice %arg3[%arg1, %add3A_24, %dma_start3A_91, %dma_start3A_92] : memref<16x10x25x80xi32, #tpu.memory_space<hbm>> -> memref<1x1x25x80xi32, #tpu.memory_space<hbm>>
        %dma_start3A_94 = tpu.memref_squeeze %dma_start3A_93 : memref<1x1x25x80xi32, #tpu.memory_space<hbm>> -> memref<25x80xi32, #tpu.memory_space<hbm>>
        %dma_start3A_95 = arith.constant 0 : i32
        %dma_start3A_96 = arith.constant 0 : i32
        %dma_start3A_97 = tpu.memref_slice %arg3[%arg1, %add3A_24, %dma_start3A_95, %dma_start3A_96] : memref<16x10x25x80xi32, #tpu.memory_space<hbm>> -> memref<1x1x25x80xi32, #tpu.memory_space<hbm>>
        %dma_start3A_98 = tpu.memref_squeeze %dma_start3A_97 : memref<1x1x25x80xi32, #tpu.memory_space<hbm>> -> memref<25x80xi32, #tpu.memory_space<hbm>>
        tpu.enqueue_dma source(%dma_start3A_98 : memref<25x80xi32, #tpu.memory_space<hbm>>) target(%arg6 : memref<25x80xi32, #tpu.memory_space<vmem>>) target_semaphore(%run_scoped3A : memref<!tpu.dma_semaphore, #tpu.memory_space<semaphore_mem>>)
        %dma_wait3A_99 = arith.constant 0 : i32
        %dma_wait3A_100 = arith.constant 0 : i32
        %dma_wait3A_101 = tpu.memref_slice %arg3[%arg1, %add3A_24, %dma_wait3A_99, %dma_wait3A_100] : memref<16x10x25x80xi32, #tpu.memory_space<hbm>> -> memref<1x1x25x80xi32, #tpu.memory_space<hbm>>
        %dma_wait3A_102 = tpu.memref_squeeze %dma_wait3A_101 : memref<1x1x25x80xi32, #tpu.memory_space<hbm>> -> memref<25x80xi32, #tpu.memory_space<hbm>>
        %dma_wait3A_103 = arith.constant 0 : i32
        %dma_wait3A_104 = arith.constant 0 : i32
        %dma_wait3A_105 = tpu.memref_slice %arg3[%arg1, %add3A_24, %dma_wait3A_103, %dma_wait3A_104] : memref<16x10x25x80xi32, #tpu.memory_space<hbm>> -> memref<1x1x25x80xi32, #tpu.memory_space<hbm>>
        %dma_wait3A_106 = tpu.memref_squeeze %dma_wait3A_105 : memref<1x1x25x80xi32, #tpu.memory_space<hbm>> -> memref<25x80xi32, #tpu.memory_space<hbm>>
        tpu.wait_dma2 semaphore(%run_scoped3A : memref<!tpu.dma_semaphore, #tpu.memory_space<semaphore_mem>>) src(%dma_wait3A_106 : memref<25x80xi32, #tpu.memory_space<hbm>>) dst(%arg6 : memref<25x80xi32, #tpu.memory_space<vmem>>)
        tpu.yield
      }) : () -> ()
      "tpu.region"() ({
        %run_scoped3A = tpu.sem_alloc : memref<!tpu.dma_semaphore, #tpu.memory_space<semaphore_mem>>
        %dma_start3A_91 = arith.constant 0 : i32
        %dma_start3A_92 = arith.constant 0 : i32
        %dma_start3A_93 = tpu.memref_slice %arg4[%arg1, %add3A_24, %dma_start3A_91, %dma_start3A_92] : memref<16x10x25x80xi32, #tpu.memory_space<hbm>> -> memref<1x1x25x80xi32, #tpu.memory_space<hbm>>
        %dma_start3A_94 = tpu.memref_squeeze %dma_start3A_93 : memref<1x1x25x80xi32, #tpu.memory_space<hbm>> -> memref<25x80xi32, #tpu.memory_space<hbm>>
        %dma_start3A_95 = arith.constant 0 : i32
        %dma_start3A_96 = arith.constant 0 : i32
        %dma_start3A_97 = tpu.memref_slice %arg4[%arg1, %add3A_24, %dma_start3A_95, %dma_start3A_96] : memref<16x10x25x80xi32, #tpu.memory_space<hbm>> -> memref<1x1x25x80xi32, #tpu.memory_space<hbm>>
        %dma_start3A_98 = tpu.memref_squeeze %dma_start3A_97 : memref<1x1x25x80xi32, #tpu.memory_space<hbm>> -> memref<25x80xi32, #tpu.memory_space<hbm>>
        tpu.enqueue_dma source(%dma_start3A_98 : memref<25x80xi32, #tpu.memory_space<hbm>>) target(%arg7 : memref<25x80xi32, #tpu.memory_space<vmem>>) target_semaphore(%run_scoped3A : memref<!tpu.dma_semaphore, #tpu.memory_space<semaphore_mem>>)
        %dma_wait3A_99 = arith.constant 0 : i32
        %dma_wait3A_100 = arith.constant 0 : i32
        %dma_wait3A_101 = tpu.memref_slice %arg4[%arg1, %add3A_24, %dma_wait3A_99, %dma_wait3A_100] : memref<16x10x25x80xi32, #tpu.memory_space<hbm>> -> memref<1x1x25x80xi32, #tpu.memory_space<hbm>>
        %dma_wait3A_102 = tpu.memref_squeeze %dma_wait3A_101 : memref<1x1x25x80xi32, #tpu.memory_space<hbm>> -> memref<25x80xi32, #tpu.memory_space<hbm>>
        %dma_wait3A_103 = arith.constant 0 : i32
        %dma_wait3A_104 = arith.constant 0 : i32
        %dma_wait3A_105 = tpu.memref_slice %arg4[%arg1, %add3A_24, %dma_wait3A_103, %dma_wait3A_104] : memref<16x10x25x80xi32, #tpu.memory_space<hbm>> -> memref<1x1x25x80xi32, #tpu.memory_space<hbm>>
        %dma_wait3A_106 = tpu.memref_squeeze %dma_wait3A_105 : memref<1x1x25x80xi32, #tpu.memory_space<hbm>> -> memref<25x80xi32, #tpu.memory_space<hbm>>
        tpu.wait_dma2 semaphore(%run_scoped3A : memref<!tpu.dma_semaphore, #tpu.memory_space<semaphore_mem>>) src(%dma_wait3A_106 : memref<25x80xi32, #tpu.memory_space<hbm>>) dst(%arg7 : memref<25x80xi32, #tpu.memory_space<vmem>>)
        tpu.yield
      }) : () -> ()
      %mul3A_25 = arith.constant 10000 : i32
      %mul3A_26 = arith.muli %arg0, %mul3A_25 : i32
      %scan3A_27 = arith.constant 0 : i32
      %scan3A_28 = arith.constant 25 : i32
      %scan3A_29 = arith.addi %scan3A_27, %scan3A_28 : i32
      %scan3A_30 = arith.constant 1 : i32
      scf.for %scan3A_91 = %scan3A_27 to %scan3A_29 step %scan3A_30  : i32 {
        %mul3A_92 = arith.constant 1 : i32
        %mul3A_93 = arith.muli %scan3A_91, %mul3A_92 : i32
        %add3A_94 = arith.constant 0 : i32
        %add3A_95 = arith.addi %add3A_94, %mul3A_93 : i32
        %scan3A_96 = arith.constant 0 : i32
        %scan3A_97 = arith.constant 5 : i32
        %scan3A_98 = arith.addi %scan3A_96, %scan3A_97 : i32
        %scan3A_99 = arith.constant 1 : i32
        scf.for %scan3A_101 = %scan3A_96 to %scan3A_98 step %scan3A_99  : i32 {
          %mul3A_102 = arith.constant 1 : i32
          %mul3A_103 = arith.muli %scan3A_101, %mul3A_102 : i32
          %add3A_104 = arith.constant 0 : i32
          %add3A_105 = arith.addi %add3A_104, %mul3A_103 : i32
          %mul3A_106 = arith.constant 16 : i32
          %mul3A_107 = arith.muli %add3A_105, %mul3A_106 : i32
          %get3A = arith.index_cast %add3A_95 : i32 to index
          %get3A_108 = arith.index_cast %mul3A_107 : i32 to index
          %get3A_109 = tpu.vector_load %arg6[%get3A, %get3A_108] {strides = array<i32>} : memref<25x80xi32, #tpu.memory_space<vmem>>, vector<1x16xi32>,
          %get3A_110 = vector.shape_cast %get3A_109 : vector<1x16xi32> to vector<16xi32>
          %add3A_111 = vector.broadcast %mul3A_26 : i32 to vector<16xi32>
          %add3A_112 = arith.addi %get3A_110, %add3A_111 : vector<16xi32>
          %mul3A_113 = arith.constant 16 : i32
          %mul3A_114 = arith.muli %add3A_105, %mul3A_113 : i32
          %swap3A = arith.index_cast %add3A_95 : i32 to index
          %swap3A_115 = arith.index_cast %mul3A_114 : i32 to index
          %swap3A_116 = tpu.vector_load %arg6[%swap3A, %swap3A_115] {strides = array<i32>} : memref<25x80xi32, #tpu.memory_space<vmem>>, vector<1x16xi32>,
          %swap3A_117 = vector.shape_cast %swap3A_116 : vector<1x16xi32> to vector<16xi32>
          %swap3A_118 = vector.shape_cast %add3A_112 : vector<16xi32> to vector<1x16xi32>
          tpu.vector_store %arg6[%swap3A, %swap3A_115], %swap3A_118 {strides = array<i32>} : memref<25x80xi32, #tpu.memory_space<vmem>>, vector<1x16xi32>,
        }
        %scan3A_100 = arith.constant 5 : i32
      }
      %scan3A_31 = arith.constant 25 : i32
      %scan3A_32 = arith.constant 0 : i32
      %scan3A_33 = arith.constant 6 : i32
      %scan3A_34 = arith.addi %scan3A_32, %scan3A_33 : i32
      %scan3A_35 = arith.constant 1 : i32
      scf.for %scan3A_91 = %scan3A_32 to %scan3A_34 step %scan3A_35  : i32 {
        %mul3A_92 = arith.constant 1 : i32
        %mul3A_93 = arith.muli %scan3A_91, %mul3A_92 : i32
        %add3A_94 = arith.constant 0 : i32
        %add3A_95 = arith.addi %add3A_94, %mul3A_93 : i32
        %mul3A_96 = arith.constant 4 : i32
        %mul3A_97 = arith.muli %mul3A_96, %add3A_95 : i32
        %add3A_98 = arith.constant 0 : i32
        %add3A_99 = arith.addi %mul3A_97, %add3A_98 : i32
        %gt3A = arith.constant 0 : i32
        %gt3A_100 = arith.cmpi sgt, %add3A_95, %gt3A : i32
        %convert_element_type3A_101 = arith.extui %gt3A_100 : i1 to i32
        %cond3A_102 = arith.constant 0 : i32
        %cond3A_103 = arith.cmpi ne, %convert_element_type3A_101, %cond3A_102 : i32
        scf.if %cond3A_103 {
          %dma_wait3A_219 = arith.constant 0 : i32
          %dma_wait3A_220 = tpu.memref_slice %arg7[%add3A_99, %dma_wait3A_219] : memref<25x80xi32, #tpu.memory_space<vmem>> -> memref<1x80xi32, #tpu.memory_space<vmem>>
          %dma_wait3A_221 = tpu.memref_squeeze %dma_wait3A_220 : memref<1x80xi32, #tpu.memory_space<vmem>> -> memref<80xi32, #tpu.memory_space<vmem>>
          %dma_wait3A_222 = arith.constant 0 : i32
          %dma_wait3A_223 = arith.constant 0 : i32
          %dma_wait3A_224 = tpu.memref_slice %arg13[%dma_wait3A_222, %dma_wait3A_223] : memref<10000x128xf32, #tpu.memory_space<vmem_shared>> -> memref<10000x128xf32, #tpu.memory_space<vmem_shared>>
          tpu.wait_indirect_dma semaphore(%arg18 : memref<!tpu.dma_semaphore, #tpu.memory_space<semaphore_mem>>) src(%arg8 : memref<80x128xf32, #tpu.memory_space<vmem>>) dst(%dma_wait3A_224 : memref<10000x128xf32, #tpu.memory_space<vmem_shared>>)
        } else {
        }
        %dma_start3A_104 = arith.constant 0 : i32
        %dma_start3A_105 = tpu.memref_slice %arg6[%add3A_99, %dma_start3A_104] : memref<25x80xi32, #tpu.memory_space<vmem>> -> memref<1x80xi32, #tpu.memory_space<vmem>>
        %dma_start3A_106 = tpu.memref_squeeze %dma_start3A_105 : memref<1x80xi32, #tpu.memory_space<vmem>> -> memref<80xi32, #tpu.memory_space<vmem>>
        %dma_start3A_107 = arith.constant 0 : i32
        %dma_start3A_108 = arith.constant 0 : i32
        %dma_start3A_109 = tpu.memref_slice %arg2[%dma_start3A_107, %dma_start3A_108] : memref<20000x128xf32, #tpu.memory_space<hbm>> -> memref<20000x128xf32, #tpu.memory_space<hbm>>
        tpu.enqueue_indirect_dma source(%dma_start3A_109 : memref<20000x128xf32, #tpu.memory_space<hbm>>) target(%arg8 : memref<80x128xf32, #tpu.memory_space<vmem>>) offsets(%dma_start3A_106 : memref<80xi32, #tpu.memory_space<vmem>>) semaphore(%arg14 : memref<!tpu.dma_semaphore, #tpu.memory_space<semaphore_mem>>)
        %mul3A_110 = arith.constant 4 : i32
        %mul3A_111 = arith.muli %mul3A_110, %add3A_95 : i32
        %add3A_112 = arith.constant 1 : i32
        %add3A_113 = arith.addi %mul3A_111, %add3A_112 : i32
        %gt3A_114 = arith.constant 0 : i32
        %gt3A_115 = arith.cmpi sgt, %add3A_95, %gt3A_114 : i32
        %convert_element_type3A_116 = arith.extui %gt3A_115 : i1 to i32
        %cond3A_117 = arith.constant 0 : i32
        %cond3A_118 = arith.cmpi ne, %convert_element_type3A_116, %cond3A_117 : i32
        scf.if %cond3A_118 {
          %dma_wait3A_219 = arith.constant 0 : i32
          %dma_wait3A_220 = tpu.memref_slice %arg7[%add3A_113, %dma_wait3A_219] : memref<25x80xi32, #tpu.memory_space<vmem>> -> memref<1x80xi32, #tpu.memory_space<vmem>>
          %dma_wait3A_221 = tpu.memref_squeeze %dma_wait3A_220 : memref<1x80xi32, #tpu.memory_space<vmem>> -> memref<80xi32, #tpu.memory_space<vmem>>
          %dma_wait3A_222 = arith.constant 0 : i32
          %dma_wait3A_223 = arith.constant 0 : i32
          %dma_wait3A_224 = tpu.memref_slice %arg13[%dma_wait3A_222, %dma_wait3A_223] : memref<10000x128xf32, #tpu.memory_space<vmem_shared>> -> memref<10000x128xf32, #tpu.memory_space<vmem_shared>>
          tpu.wait_indirect_dma semaphore(%arg19 : memref<!tpu.dma_semaphore, #tpu.memory_space<semaphore_mem>>) src(%arg9 : memref<80x128xf32, #tpu.memory_space<vmem>>) dst(%dma_wait3A_224 : memref<10000x128xf32, #tpu.memory_space<vmem_shared>>)
        } else {
        }
        %dma_start3A_119 = arith.constant 0 : i32
        %dma_start3A_120 = tpu.memref_slice %arg6[%add3A_113, %dma_start3A_119] : memref<25x80xi32, #tpu.memory_space<vmem>> -> memref<1x80xi32, #tpu.memory_space<vmem>>
        %dma_start3A_121 = tpu.memref_squeeze %dma_start3A_120 : memref<1x80xi32, #tpu.memory_space<vmem>> -> memref<80xi32, #tpu.memory_space<vmem>>
        %dma_start3A_122 = arith.constant 0 : i32
        %dma_start3A_123 = arith.constant 0 : i32
        %dma_start3A_124 = tpu.memref_slice %arg2[%dma_start3A_122, %dma_start3A_123] : memref<20000x128xf32, #tpu.memory_space<hbm>> -> memref<20000x128xf32, #tpu.memory_space<hbm>>
        tpu.enqueue_indirect_dma source(%dma_start3A_124 : memref<20000x128xf32, #tpu.memory_space<hbm>>) target(%arg9 : memref<80x128xf32, #tpu.memory_space<vmem>>) offsets(%dma_start3A_121 : memref<80xi32, #tpu.memory_space<vmem>>) semaphore(%arg15 : memref<!tpu.dma_semaphore, #tpu.memory_space<semaphore_mem>>)
        %mul3A_125 = arith.constant 4 : i32
        %mul3A_126 = arith.muli %mul3A_125, %add3A_95 : i32
        %add3A_127 = arith.constant 2 : i32
        %add3A_128 = arith.addi %mul3A_126, %add3A_127 : i32
        %gt3A_129 = arith.constant 0 : i32
        %gt3A_130 = arith.cmpi sgt, %add3A_95, %gt3A_129 : i32
        %convert_element_type3A_131 = arith.extui %gt3A_130 : i1 to i32
        %cond3A_132 = arith.constant 0 : i32
        %cond3A_133 = arith.cmpi ne, %convert_element_type3A_131, %cond3A_132 : i32
        scf.if %cond3A_133 {
          %dma_wait3A_219 = arith.constant 0 : i32
          %dma_wait3A_220 = tpu.memref_slice %arg7[%add3A_128, %dma_wait3A_219] : memref<25x80xi32, #tpu.memory_space<vmem>> -> memref<1x80xi32, #tpu.memory_space<vmem>>
          %dma_wait3A_221 = tpu.memref_squeeze %dma_wait3A_220 : memref<1x80xi32, #tpu.memory_space<vmem>> -> memref<80xi32, #tpu.memory_space<vmem>>
          %dma_wait3A_222 = arith.constant 0 : i32
          %dma_wait3A_223 = arith.constant 0 : i32
          %dma_wait3A_224 = tpu.memref_slice %arg13[%dma_wait3A_222, %dma_wait3A_223] : memref<10000x128xf32, #tpu.memory_space<vmem_shared>> -> memref<10000x128xf32, #tpu.memory_space<vmem_shared>>
          tpu.wait_indirect_dma semaphore(%arg20 : memref<!tpu.dma_semaphore, #tpu.memory_space<semaphore_mem>>) src(%arg10 : memref<80x128xf32, #tpu.memory_space<vmem>>) dst(%dma_wait3A_224 : memref<10000x128xf32, #tpu.memory_space<vmem_shared>>)
        } else {
        }
        %dma_start3A_134 = arith.constant 0 : i32
        %dma_start3A_135 = tpu.memref_slice %arg6[%add3A_128, %dma_start3A_134] : memref<25x80xi32, #tpu.memory_space<vmem>> -> memref<1x80xi32, #tpu.memory_space<vmem>>
        %dma_start3A_136 = tpu.memref_squeeze %dma_start3A_135 : memref<1x80xi32, #tpu.memory_space<vmem>> -> memref<80xi32, #tpu.memory_space<vmem>>
        %dma_start3A_137 = arith.constant 0 : i32
        %dma_start3A_138 = arith.constant 0 : i32
        %dma_start3A_139 = tpu.memref_slice %arg2[%dma_start3A_137, %dma_start3A_138] : memref<20000x128xf32, #tpu.memory_space<hbm>> -> memref<20000x128xf32, #tpu.memory_space<hbm>>
        tpu.enqueue_indirect_dma source(%dma_start3A_139 : memref<20000x128xf32, #tpu.memory_space<hbm>>) target(%arg10 : memref<80x128xf32, #tpu.memory_space<vmem>>) offsets(%dma_start3A_136 : memref<80xi32, #tpu.memory_space<vmem>>) semaphore(%arg16 : memref<!tpu.dma_semaphore, #tpu.memory_space<semaphore_mem>>)
        %mul3A_140 = arith.constant 4 : i32
        %mul3A_141 = arith.muli %mul3A_140, %add3A_95 : i32
        %add3A_142 = arith.constant 3 : i32
        %add3A_143 = arith.addi %mul3A_141, %add3A_142 : i32
        %gt3A_144 = arith.constant 0 : i32
        %gt3A_145 = arith.cmpi sgt, %add3A_95, %gt3A_144 : i32
        %convert_element_type3A_146 = arith.extui %gt3A_145 : i1 to i32
        %cond3A_147 = arith.constant 0 : i32
        %cond3A_148 = arith.cmpi ne, %convert_element_type3A_146, %cond3A_147 : i32
        scf.if %cond3A_148 {
          %dma_wait3A_219 = arith.constant 0 : i32
          %dma_wait3A_220 = tpu.memref_slice %arg7[%add3A_143, %dma_wait3A_219] : memref<25x80xi32, #tpu.memory_space<vmem>> -> memref<1x80xi32, #tpu.memory_space<vmem>>
          %dma_wait3A_221 = tpu.memref_squeeze %dma_wait3A_220 : memref<1x80xi32, #tpu.memory_space<vmem>> -> memref<80xi32, #tpu.memory_space<vmem>>
          %dma_wait3A_222 = arith.constant 0 : i32
          %dma_wait3A_223 = arith.constant 0 : i32
          %dma_wait3A_224 = tpu.memref_slice %arg13[%dma_wait3A_222, %dma_wait3A_223] : memref<10000x128xf32, #tpu.memory_space<vmem_shared>> -> memref<10000x128xf32, #tpu.memory_space<vmem_shared>>
          tpu.wait_indirect_dma semaphore(%arg21 : memref<!tpu.dma_semaphore, #tpu.memory_space<semaphore_mem>>) src(%arg11 : memref<80x128xf32, #tpu.memory_space<vmem>>) dst(%dma_wait3A_224 : memref<10000x128xf32, #tpu.memory_space<vmem_shared>>)
        } else {
        }
        %dma_start3A_149 = arith.constant 0 : i32
        %dma_start3A_150 = tpu.memref_slice %arg6[%add3A_143, %dma_start3A_149] : memref<25x80xi32, #tpu.memory_space<vmem>> -> memref<1x80xi32, #tpu.memory_space<vmem>>
        %dma_start3A_151 = tpu.memref_squeeze %dma_start3A_150 : memref<1x80xi32, #tpu.memory_space<vmem>> -> memref<80xi32, #tpu.memory_space<vmem>>
        %dma_start3A_152 = arith.constant 0 : i32
        %dma_start3A_153 = arith.constant 0 : i32
        %dma_start3A_154 = tpu.memref_slice %arg2[%dma_start3A_152, %dma_start3A_153] : memref<20000x128xf32, #tpu.memory_space<hbm>> -> memref<20000x128xf32, #tpu.memory_space<hbm>>
        tpu.enqueue_indirect_dma source(%dma_start3A_154 : memref<20000x128xf32, #tpu.memory_space<hbm>>) target(%arg11 : memref<80x128xf32, #tpu.memory_space<vmem>>) offsets(%dma_start3A_151 : memref<80xi32, #tpu.memory_space<vmem>>) semaphore(%arg17 : memref<!tpu.dma_semaphore, #tpu.memory_space<semaphore_mem>>)
        %mul3A_155 = arith.constant 4 : i32
        %mul3A_156 = arith.muli %mul3A_155, %add3A_95 : i32
        %add3A_157 = arith.constant 0 : i32
        %add3A_158 = arith.addi %mul3A_156, %add3A_157 : i32
        %dma_wait3A_159 = arith.constant 0 : i32
        %dma_wait3A_160 = tpu.memref_slice %arg6[%add3A_158, %dma_wait3A_159] : memref<25x80xi32, #tpu.memory_space<vmem>> -> memref<1x80xi32, #tpu.memory_space<vmem>>
        %dma_wait3A_161 = tpu.memref_squeeze %dma_wait3A_160 : memref<1x80xi32, #tpu.memory_space<vmem>> -> memref<80xi32, #tpu.memory_space<vmem>>
        %dma_wait3A_162 = arith.constant 0 : i32
        %dma_wait3A_163 = arith.constant 0 : i32
        %dma_wait3A_164 = tpu.memref_slice %arg2[%dma_wait3A_162, %dma_wait3A_163] : memref<20000x128xf32, #tpu.memory_space<hbm>> -> memref<20000x128xf32, #tpu.memory_space<hbm>>
        tpu.wait_indirect_dma semaphore(%arg14 : memref<!tpu.dma_semaphore, #tpu.memory_space<semaphore_mem>>) src(%dma_wait3A_164 : memref<20000x128xf32, #tpu.memory_space<hbm>>) dst(%arg8 : memref<80x128xf32, #tpu.memory_space<vmem>>)
        %dma_start3A_165 = arith.constant 0 : i32
        %dma_start3A_166 = tpu.memref_slice %arg7[%add3A_158, %dma_start3A_165] : memref<25x80xi32, #tpu.memory_space<vmem>> -> memref<1x80xi32, #tpu.memory_space<vmem>>
        %dma_start3A_167 = tpu.memref_squeeze %dma_start3A_166 : memref<1x80xi32, #tpu.memory_space<vmem>> -> memref<80xi32, #tpu.memory_space<vmem>>
        %dma_start3A_168 = arith.constant 0 : i32
        %dma_start3A_169 = arith.constant 0 : i32
        %dma_start3A_170 = tpu.memref_slice %arg13[%dma_start3A_168, %dma_start3A_169] : memref<10000x128xf32, #tpu.memory_space<vmem_shared>> -> memref<10000x128xf32, #tpu.memory_space<vmem_shared>>
        tpu.enqueue_indirect_dma source(%arg8 : memref<80x128xf32, #tpu.memory_space<vmem>>) target(%dma_start3A_170 : memref<10000x128xf32, #tpu.memory_space<vmem_shared>>) offsets(%dma_start3A_167 : memref<80xi32, #tpu.memory_space<vmem>>) semaphore(%arg18 : memref<!tpu.dma_semaphore, #tpu.memory_space<semaphore_mem>>) {add = true}
        %mul3A_171 = arith.constant 4 : i32
        %mul3A_172 = arith.muli %mul3A_171, %add3A_95 : i32
        %add3A_173 = arith.constant 1 : i32
        %add3A_174 = arith.addi %mul3A_172, %add3A_173 : i32
        %dma_wait3A_175 = arith.constant 0 : i32
        %dma_wait3A_176 = tpu.memref_slice %arg6[%add3A_174, %dma_wait3A_175] : memref<25x80xi32, #tpu.memory_space<vmem>> -> memref<1x80xi32, #tpu.memory_space<vmem>>
        %dma_wait3A_177 = tpu.memref_squeeze %dma_wait3A_176 : memref<1x80xi32, #tpu.memory_space<vmem>> -> memref<80xi32, #tpu.memory_space<vmem>>
        %dma_wait3A_178 = arith.constant 0 : i32
        %dma_wait3A_179 = arith.constant 0 : i32
        %dma_wait3A_180 = tpu.memref_slice %arg2[%dma_wait3A_178, %dma_wait3A_179] : memref<20000x128xf32, #tpu.memory_space<hbm>> -> memref<20000x128xf32, #tpu.memory_space<hbm>>
        tpu.wait_indirect_dma semaphore(%arg15 : memref<!tpu.dma_semaphore, #tpu.memory_space<semaphore_mem>>) src(%dma_wait3A_180 : memref<20000x128xf32, #tpu.memory_space<hbm>>) dst(%arg9 : memref<80x128xf32, #tpu.memory_space<vmem>>)
        %dma_start3A_181 = arith.constant 0 : i32
        %dma_start3A_182 = tpu.memref_slice %arg7[%add3A_174, %dma_start3A_181] : memref<25x80xi32, #tpu.memory_space<vmem>> -> memref<1x80xi32, #tpu.memory_space<vmem>>
        %dma_start3A_183 = tpu.memref_squeeze %dma_start3A_182 : memref<1x80xi32, #tpu.memory_space<vmem>> -> memref<80xi32, #tpu.memory_space<vmem>>
        %dma_start3A_184 = arith.constant 0 : i32
        %dma_start3A_185 = arith.constant 0 : i32
        %dma_start3A_186 = tpu.memref_slice %arg13[%dma_start3A_184, %dma_start3A_185] : memref<10000x128xf32, #tpu.memory_space<vmem_shared>> -> memref<10000x128xf32, #tpu.memory_space<vmem_shared>>
        tpu.enqueue_indirect_dma source(%arg9 : memref<80x128xf32, #tpu.memory_space<vmem>>) target(%dma_start3A_186 : memref<10000x128xf32, #tpu.memory_space<vmem_shared>>) offsets(%dma_start3A_183 : memref<80xi32, #tpu.memory_space<vmem>>) semaphore(%arg19 : memref<!tpu.dma_semaphore, #tpu.memory_space<semaphore_mem>>) {add = true}
        %mul3A_187 = arith.constant 4 : i32
        %mul3A_188 = arith.muli %mul3A_187, %add3A_95 : i32
        %add3A_189 = arith.constant 2 : i32
        %add3A_190 = arith.addi %mul3A_188, %add3A_189 : i32
        %dma_wait3A_191 = arith.constant 0 : i32
        %dma_wait3A_192 = tpu.memref_slice %arg6[%add3A_190, %dma_wait3A_191] : memref<25x80xi32, #tpu.memory_space<vmem>> -> memref<1x80xi32, #tpu.memory_space<vmem>>
        %dma_wait3A_193 = tpu.memref_squeeze %dma_wait3A_192 : memref<1x80xi32, #tpu.memory_space<vmem>> -> memref<80xi32, #tpu.memory_space<vmem>>
        %dma_wait3A_194 = arith.constant 0 : i32
        %dma_wait3A_195 = arith.constant 0 : i32
        %dma_wait3A_196 = tpu.memref_slice %arg2[%dma_wait3A_194, %dma_wait3A_195] : memref<20000x128xf32, #tpu.memory_space<hbm>> -> memref<20000x128xf32, #tpu.memory_space<hbm>>
        tpu.wait_indirect_dma semaphore(%arg16 : memref<!tpu.dma_semaphore, #tpu.memory_space<semaphore_mem>>) src(%dma_wait3A_196 : memref<20000x128xf32, #tpu.memory_space<hbm>>) dst(%arg10 : memref<80x128xf32, #tpu.memory_space<vmem>>)
        %dma_start3A_197 = arith.constant 0 : i32
        %dma_start3A_198 = tpu.memref_slice %arg7[%add3A_190, %dma_start3A_197] : memref<25x80xi32, #tpu.memory_space<vmem>> -> memref<1x80xi32, #tpu.memory_space<vmem>>
        %dma_start3A_199 = tpu.memref_squeeze %dma_start3A_198 : memref<1x80xi32, #tpu.memory_space<vmem>> -> memref<80xi32, #tpu.memory_space<vmem>>
        %dma_start3A_200 = arith.constant 0 : i32
        %dma_start3A_201 = arith.constant 0 : i32
        %dma_start3A_202 = tpu.memref_slice %arg13[%dma_start3A_200, %dma_start3A_201] : memref<10000x128xf32, #tpu.memory_space<vmem_shared>> -> memref<10000x128xf32, #tpu.memory_space<vmem_shared>>
        tpu.enqueue_indirect_dma source(%arg10 : memref<80x128xf32, #tpu.memory_space<vmem>>) target(%dma_start3A_202 : memref<10000x128xf32, #tpu.memory_space<vmem_shared>>) offsets(%dma_start3A_199 : memref<80xi32, #tpu.memory_space<vmem>>) semaphore(%arg20 : memref<!tpu.dma_semaphore, #tpu.memory_space<semaphore_mem>>) {add = true}
        %mul3A_203 = arith.constant 4 : i32
        %mul3A_204 = arith.muli %mul3A_203, %add3A_95 : i32
        %add3A_205 = arith.constant 3 : i32
        %add3A_206 = arith.addi %mul3A_204, %add3A_205 : i32
        %dma_wait3A_207 = arith.constant 0 : i32
        %dma_wait3A_208 = tpu.memref_slice %arg6[%add3A_206, %dma_wait3A_207] : memref<25x80xi32, #tpu.memory_space<vmem>> -> memref<1x80xi32, #tpu.memory_space<vmem>>
        %dma_wait3A_209 = tpu.memref_squeeze %dma_wait3A_208 : memref<1x80xi32, #tpu.memory_space<vmem>> -> memref<80xi32, #tpu.memory_space<vmem>>
        %dma_wait3A_210 = arith.constant 0 : i32
        %dma_wait3A_211 = arith.constant 0 : i32
        %dma_wait3A_212 = tpu.memref_slice %arg2[%dma_wait3A_210, %dma_wait3A_211] : memref<20000x128xf32, #tpu.memory_space<hbm>> -> memref<20000x128xf32, #tpu.memory_space<hbm>>
        tpu.wait_indirect_dma semaphore(%arg17 : memref<!tpu.dma_semaphore, #tpu.memory_space<semaphore_mem>>) src(%dma_wait3A_212 : memref<20000x128xf32, #tpu.memory_space<hbm>>) dst(%arg11 : memref<80x128xf32, #tpu.memory_space<vmem>>)
        %dma_start3A_213 = arith.constant 0 : i32
        %dma_start3A_214 = tpu.memref_slice %arg7[%add3A_206, %dma_start3A_213] : memref<25x80xi32, #tpu.memory_space<vmem>> -> memref<1x80xi32, #tpu.memory_space<vmem>>
        %dma_start3A_215 = tpu.memref_squeeze %dma_start3A_214 : memref<1x80xi32, #tpu.memory_space<vmem>> -> memref<80xi32, #tpu.memory_space<vmem>>
        %dma_start3A_216 = arith.constant 0 : i32
        %dma_start3A_217 = arith.constant 0 : i32
        %dma_start3A_218 = tpu.memref_slice %arg13[%dma_start3A_216, %dma_start3A_217] : memref<10000x128xf32, #tpu.memory_space<vmem_shared>> -> memref<10000x128xf32, #tpu.memory_space<vmem_shared>>
        tpu.enqueue_indirect_dma source(%arg11 : memref<80x128xf32, #tpu.memory_space<vmem>>) target(%dma_start3A_218 : memref<10000x128xf32, #tpu.memory_space<vmem_shared>>) offsets(%dma_start3A_215 : memref<80xi32, #tpu.memory_space<vmem>>) semaphore(%arg21 : memref<!tpu.dma_semaphore, #tpu.memory_space<semaphore_mem>>) {add = true}
      }
      %scan3A_36 = arith.constant 6 : i32
      %dma_wait3A = arith.constant 0 : i32
      %dma_wait3A_37 = arith.constant 0 : i32
      %dma_wait3A_38 = tpu.memref_slice %arg7[%dma_wait3A, %dma_wait3A_37] : memref<25x80xi32, #tpu.memory_space<vmem>> -> memref<1x80xi32, #tpu.memory_space<vmem>>
      %dma_wait3A_39 = tpu.memref_squeeze %dma_wait3A_38 : memref<1x80xi32, #tpu.memory_space<vmem>> -> memref<80xi32, #tpu.memory_space<vmem>>
      %dma_wait3A_40 = arith.constant 0 : i32
      %dma_wait3A_41 = arith.constant 0 : i32
      %dma_wait3A_42 = tpu.memref_slice %arg13[%dma_wait3A_40, %dma_wait3A_41] : memref<10000x128xf32, #tpu.memory_space<vmem_shared>> -> memref<10000x128xf32, #tpu.memory_space<vmem_shared>>
      tpu.wait_indirect_dma semaphore(%arg18 : memref<!tpu.dma_semaphore, #tpu.memory_space<semaphore_mem>>) src(%arg8 : memref<80x128xf32, #tpu.memory_space<vmem>>) dst(%dma_wait3A_42 : memref<10000x128xf32, #tpu.memory_space<vmem_shared>>)
      %dma_wait3A_43 = arith.constant 1 : i32
      %dma_wait3A_44 = arith.constant 0 : i32
      %dma_wait3A_45 = tpu.memref_slice %arg7[%dma_wait3A_43, %dma_wait3A_44] : memref<25x80xi32, #tpu.memory_space<vmem>> -> memref<1x80xi32, #tpu.memory_space<vmem>>
      %dma_wait3A_46 = tpu.memref_squeeze %dma_wait3A_45 : memref<1x80xi32, #tpu.memory_space<vmem>> -> memref<80xi32, #tpu.memory_space<vmem>>
      %dma_wait3A_47 = arith.constant 0 : i32
      %dma_wait3A_48 = arith.constant 0 : i32
      %dma_wait3A_49 = tpu.memref_slice %arg13[%dma_wait3A_47, %dma_wait3A_48] : memref<10000x128xf32, #tpu.memory_space<vmem_shared>> -> memref<10000x128xf32, #tpu.memory_space<vmem_shared>>
      tpu.wait_indirect_dma semaphore(%arg19 : memref<!tpu.dma_semaphore, #tpu.memory_space<semaphore_mem>>) src(%arg9 : memref<80x128xf32, #tpu.memory_space<vmem>>) dst(%dma_wait3A_49 : memref<10000x128xf32, #tpu.memory_space<vmem_shared>>)
      %dma_wait3A_50 = arith.constant 2 : i32
      %dma_wait3A_51 = arith.constant 0 : i32
      %dma_wait3A_52 = tpu.memref_slice %arg7[%dma_wait3A_50, %dma_wait3A_51] : memref<25x80xi32, #tpu.memory_space<vmem>> -> memref<1x80xi32, #tpu.memory_space<vmem>>
      %dma_wait3A_53 = tpu.memref_squeeze %dma_wait3A_52 : memref<1x80xi32, #tpu.memory_space<vmem>> -> memref<80xi32, #tpu.memory_space<vmem>>
      %dma_wait3A_54 = arith.constant 0 : i32
      %dma_wait3A_55 = arith.constant 0 : i32
      %dma_wait3A_56 = tpu.memref_slice %arg13[%dma_wait3A_54, %dma_wait3A_55] : memref<10000x128xf32, #tpu.memory_space<vmem_shared>> -> memref<10000x128xf32, #tpu.memory_space<vmem_shared>>
      tpu.wait_indirect_dma semaphore(%arg20 : memref<!tpu.dma_semaphore, #tpu.memory_space<semaphore_mem>>) src(%arg10 : memref<80x128xf32, #tpu.memory_space<vmem>>) dst(%dma_wait3A_56 : memref<10000x128xf32, #tpu.memory_space<vmem_shared>>)
      %dma_wait3A_57 = arith.constant 3 : i32
      %dma_wait3A_58 = arith.constant 0 : i32
      %dma_wait3A_59 = tpu.memref_slice %arg7[%dma_wait3A_57, %dma_wait3A_58] : memref<25x80xi32, #tpu.memory_space<vmem>> -> memref<1x80xi32, #tpu.memory_space<vmem>>
      %dma_wait3A_60 = tpu.memref_squeeze %dma_wait3A_59 : memref<1x80xi32, #tpu.memory_space<vmem>> -> memref<80xi32, #tpu.memory_space<vmem>>
      %dma_wait3A_61 = arith.constant 0 : i32
      %dma_wait3A_62 = arith.constant 0 : i32
      %dma_wait3A_63 = tpu.memref_slice %arg13[%dma_wait3A_61, %dma_wait3A_62] : memref<10000x128xf32, #tpu.memory_space<vmem_shared>> -> memref<10000x128xf32, #tpu.memory_space<vmem_shared>>
      tpu.wait_indirect_dma semaphore(%arg21 : memref<!tpu.dma_semaphore, #tpu.memory_space<semaphore_mem>>) src(%arg11 : memref<80x128xf32, #tpu.memory_space<vmem>>) dst(%dma_wait3A_63 : memref<10000x128xf32, #tpu.memory_space<vmem_shared>>)
      %dma_start3A = arith.constant 24 : i32
      %dma_start3A_64 = arith.constant 0 : i32
      %dma_start3A_65 = tpu.memref_slice %arg6[%dma_start3A, %dma_start3A_64] : memref<25x80xi32, #tpu.memory_space<vmem>> -> memref<1x80xi32, #tpu.memory_space<vmem>>
      %dma_start3A_66 = tpu.memref_squeeze %dma_start3A_65 : memref<1x80xi32, #tpu.memory_space<vmem>> -> memref<80xi32, #tpu.memory_space<vmem>>
      %dma_start3A_67 = arith.constant 0 : i32
      %dma_start3A_68 = arith.constant 0 : i32
      %dma_start3A_69 = tpu.memref_slice %arg2[%dma_start3A_67, %dma_start3A_68] : memref<20000x128xf32, #tpu.memory_space<hbm>> -> memref<20000x128xf32, #tpu.memory_space<hbm>>
      tpu.enqueue_indirect_dma source(%dma_start3A_69 : memref<20000x128xf32, #tpu.memory_space<hbm>>) target(%arg8 : memref<80x128xf32, #tpu.memory_space<vmem>>) offsets(%dma_start3A_66 : memref<80xi32, #tpu.memory_space<vmem>>) semaphore(%arg14 : memref<!tpu.dma_semaphore, #tpu.memory_space<semaphore_mem>>)
      %dma_wait3A_70 = arith.constant 24 : i32
      %dma_wait3A_71 = arith.constant 0 : i32
      %dma_wait3A_72 = tpu.memref_slice %arg6[%dma_wait3A_70, %dma_wait3A_71] : memref<25x80xi32, #tpu.memory_space<vmem>> -> memref<1x80xi32, #tpu.memory_space<vmem>>
      %dma_wait3A_73 = tpu.memref_squeeze %dma_wait3A_72 : memref<1x80xi32, #tpu.memory_space<vmem>> -> memref<80xi32, #tpu.memory_space<vmem>>
      %dma_wait3A_74 = arith.constant 0 : i32
      %dma_wait3A_75 = arith.constant 0 : i32
      %dma_wait3A_76 = tpu.memref_slice %arg2[%dma_wait3A_74, %dma_wait3A_75] : memref<20000x128xf32, #tpu.memory_space<hbm>> -> memref<20000x128xf32, #tpu.memory_space<hbm>>
      tpu.wait_indirect_dma semaphore(%arg14 : memref<!tpu.dma_semaphore, #tpu.memory_space<semaphore_mem>>) src(%dma_wait3A_76 : memref<20000x128xf32, #tpu.memory_space<hbm>>) dst(%arg8 : memref<80x128xf32, #tpu.memory_space<vmem>>)
      %dma_start3A_77 = arith.constant 24 : i32
      %dma_start3A_78 = arith.constant 0 : i32
      %dma_start3A_79 = tpu.memref_slice %arg7[%dma_start3A_77, %dma_start3A_78] : memref<25x80xi32, #tpu.memory_space<vmem>> -> memref<1x80xi32, #tpu.memory_space<vmem>>
      %dma_start3A_80 = tpu.memref_squeeze %dma_start3A_79 : memref<1x80xi32, #tpu.memory_space<vmem>> -> memref<80xi32, #tpu.memory_space<vmem>>
      %dma_start3A_81 = arith.constant 0 : i32
      %dma_start3A_82 = arith.constant 0 : i32
      %dma_start3A_83 = tpu.memref_slice %arg13[%dma_start3A_81, %dma_start3A_82] : memref<10000x128xf32, #tpu.memory_space<vmem_shared>> -> memref<10000x128xf32, #tpu.memory_space<vmem_shared>>
      tpu.enqueue_indirect_dma source(%arg8 : memref<80x128xf32, #tpu.memory_space<vmem>>) target(%dma_start3A_83 : memref<10000x128xf32, #tpu.memory_space<vmem_shared>>) offsets(%dma_start3A_80 : memref<80xi32, #tpu.memory_space<vmem>>) semaphore(%arg18 : memref<!tpu.dma_semaphore, #tpu.memory_space<semaphore_mem>>) {add = true}
      %dma_wait3A_84 = arith.constant 24 : i32
      %dma_wait3A_85 = arith.constant 0 : i32
      %dma_wait3A_86 = tpu.memref_slice %arg7[%dma_wait3A_84, %dma_wait3A_85] : memref<25x80xi32, #tpu.memory_space<vmem>> -> memref<1x80xi32, #tpu.memory_space<vmem>>
      %dma_wait3A_87 = tpu.memref_squeeze %dma_wait3A_86 : memref<1x80xi32, #tpu.memory_space<vmem>> -> memref<80xi32, #tpu.memory_space<vmem>>
      %dma_wait3A_88 = arith.constant 0 : i32
      %dma_wait3A_89 = arith.constant 0 : i32
      %dma_wait3A_90 = tpu.memref_slice %arg13[%dma_wait3A_88, %dma_wait3A_89] : memref<10000x128xf32, #tpu.memory_space<vmem_shared>> -> memref<10000x128xf32, #tpu.memory_space<vmem_shared>>
      tpu.wait_indirect_dma semaphore(%arg18 : memref<!tpu.dma_semaphore, #tpu.memory_space<semaphore_mem>>) src(%arg8 : memref<80x128xf32, #tpu.memory_space<vmem>>) dst(%dma_wait3A_90 : memref<10000x128xf32, #tpu.memory_space<vmem_shared>>)
    }
    %scan3A_15 = arith.constant 10 : i32
    %barrier3A_16 = arith.constant 0 : index
    tpu.barrier barrier_id(%barrier3A_16)
    %eq3A_17 = arith.constant 0 : i32
    %eq3A_18 = arith.cmpi eq, %arg1, %eq3A_17 : i32
    %convert_element_type3A_19 = arith.extui %eq3A_18 : i1 to i32
    %cond3A_20 = arith.constant 0 : i32
    %cond3A_21 = arith.cmpi ne, %convert_element_type3A_19, %cond3A_20 : i32
    scf.if %cond3A_21 {
      %mul3A = arith.constant 10000 : i32
      %mul3A_22 = arith.muli %arg0, %mul3A : i32
      "tpu.region"() ({
        %run_scoped3A = tpu.sem_alloc : memref<!tpu.dma_semaphore, #tpu.memory_space<semaphore_mem>>
        %dma_start3A = arith.constant 0 : i32
        %dma_start3A_23 = tpu.memref_slice %arg5[%mul3A_22, %dma_start3A] : memref<20000x128xf32, #tpu.memory_space<hbm>> -> memref<10000x128xf32, #tpu.memory_space<hbm>>
        tpu.enqueue_dma source(%arg13 : memref<10000x128xf32, #tpu.memory_space<vmem_shared>>) target(%dma_start3A_23 : memref<10000x128xf32, #tpu.memory_space<hbm>>) target_semaphore(%run_scoped3A : memref<!tpu.dma_semaphore, #tpu.memory_space<semaphore_mem>>)
        %dma_wait3A = arith.constant 0 : i32
        %dma_wait3A_24 = tpu.memref_slice %arg5[%mul3A_22, %dma_wait3A] : memref<20000x128xf32, #tpu.memory_space<hbm>> -> memref<10000x128xf32, #tpu.memory_space<hbm>>
        tpu.wait_dma2 semaphore(%run_scoped3A : memref<!tpu.dma_semaphore, #tpu.memory_space<semaphore_mem>>) src(%arg13 : memref<10000x128xf32, #tpu.memory_space<vmem_shared>>) dst(%dma_wait3A_24 : memref<10000x128xf32, #tpu.memory_space<hbm>>)
        tpu.yield
      }) : () -> ()
    } else {
    }
    return
  }
}

#map = affine_map<(d0, d1) -> (0, 0)>
#map1 = affine_map<(d0, d1) -> (0, 0, 0, 0)>
module attributes {stable_mosaic.version = 14 : i64} {
  func.func @agg_kernel(%arg0: i32, %arg1: i32, %arg2: memref<10000x128xf32, #tpu.memory_space<hbm>>, %arg3: memref<32x5x25x80xi32, #tpu.memory_space<hbm>>, %arg4: memref<32x5x25x80xi32, #tpu.memory_space<hbm>>, %arg5: memref<20000x128xf32, #tpu.memory_space<hbm>>, %arg6: memref<25x80xi32, #tpu.memory_space<vmem>>, %arg7: memref<25x80xi32, #tpu.memory_space<vmem>>, %arg8: memref<80x128xf32, #tpu.memory_space<vmem>>, %arg9: memref<80x128xf32, #tpu.memory_space<vmem>>, %arg10: memref<80x128xf32, #tpu.memory_space<vmem>>, %arg11: memref<80x128xf32, #tpu.memory_space<vmem>>, %arg12: memref<8x128xf32, #tpu.memory_space<vmem>>, %arg13: memref<10000x128xf32, #tpu.memory_space<vmem_shared>>, %arg14: memref<!tpu.dma_semaphore, #tpu.memory_space<semaphore_mem>>, %arg15: memref<!tpu.dma_semaphore, #tpu.memory_space<semaphore_mem>>, %arg16: memref<!tpu.dma_semaphore, #tpu.memory_space<semaphore_mem>>, %arg17: memref<!tpu.dma_semaphore, #tpu.memory_space<semaphore_mem>>, %arg18: memref<!tpu.dma_semaphore, #tpu.memory_space<semaphore_mem>>, %arg19: memref<!tpu.dma_semaphore, #tpu.memory_space<semaphore_mem>>, %arg20: memref<!tpu.dma_semaphore, #tpu.memory_space<semaphore_mem>>, %arg21: memref<!tpu.dma_semaphore, #tpu.memory_space<semaphore_mem>>) attributes {dimension_semantics = [#tpu.dimension_semantics<core_parallel>, #tpu.dimension_semantics<subcore_parallel>], iteration_bounds = array<i64: 2, 16>, scalar_prefetch = 0 : i64, scratch_operands = 16 : i64, tpu.core_type = #tpu.core_type<sc_vector_subcore>, window_params = [{transform_indices = #map}, {transform_indices = #map1}, {transform_indices = #map1}, {transform_indices = #map}]} {
    %scan3A = arith.constant 0 : i32
    %scan3A_0 = arith.constant 8 : i32
    %scan3A_1 = arith.addi %scan3A, %scan3A_0 : i32
    %scan3A_2 = arith.constant 1 : i32
    scf.for %scan3A_23 = %scan3A to %scan3A_1 step %scan3A_2  : i32 {
      %mul3A_24 = arith.constant 1 : i32
      %mul3A_25 = arith.muli %scan3A_23, %mul3A_24 : i32
      %add3A_26 = arith.constant 0 : i32
      %add3A_27 = arith.addi %add3A_26, %mul3A_25 : i32
      %scan3A_28 = arith.constant 0 : i32
      %scan3A_29 = arith.constant 8 : i32
      %scan3A_30 = arith.addi %scan3A_28, %scan3A_29 : i32
      %scan3A_31 = arith.constant 1 : i32
      scf.for %scan3A_33 = %scan3A_28 to %scan3A_30 step %scan3A_31  : i32 {
        %mul3A_34 = arith.constant 1 : i32
        %mul3A_35 = arith.muli %scan3A_33, %mul3A_34 : i32
        %add3A_36 = arith.constant 0 : i32
        %add3A_37 = arith.addi %add3A_36, %mul3A_35 : i32
        %broadcast_in_dim3A = arith.constant 0.000000e+00 : f32
        %broadcast_in_dim3A_38 = vector.broadcast %broadcast_in_dim3A : f32 to vector<16xf32>
        %mul3A_39 = arith.constant 16 : i32
        %mul3A_40 = arith.muli %add3A_37, %mul3A_39 : i32
        %swap3A = arith.index_cast %add3A_27 : i32 to index
        %swap3A_41 = arith.index_cast %mul3A_40 : i32 to index
        %swap3A_42 = tpu.vector_load %arg12[%swap3A, %swap3A_41] {strides = array<i32>} : memref<8x128xf32, #tpu.memory_space<vmem>>, vector<1x16xf32>,
        %swap3A_43 = vector.shape_cast %swap3A_42 : vector<1x16xf32> to vector<16xf32>
        %swap3A_44 = vector.shape_cast %broadcast_in_dim3A_38 : vector<16xf32> to vector<1x16xf32>
        tpu.vector_store %arg12[%swap3A, %swap3A_41], %swap3A_44 {strides = array<i32>} : memref<8x128xf32, #tpu.memory_space<vmem>>, vector<1x16xf32>,
      }
      %scan3A_32 = arith.constant 8 : i32
    }
    %scan3A_3 = arith.constant 8 : i32
    %scan3A_4 = arith.constant 0 : i32
    %scan3A_5 = arith.constant 78 : i32
    %scan3A_6 = arith.addi %scan3A_4, %scan3A_5 : i32
    %scan3A_7 = arith.constant 1 : i32
    scf.for %scan3A_23 = %scan3A_4 to %scan3A_6 step %scan3A_7  : i32 {
      %mul3A_24 = arith.constant 1 : i32
      %mul3A_25 = arith.muli %scan3A_23, %mul3A_24 : i32
      %add3A_26 = arith.constant 0 : i32
      %add3A_27 = arith.addi %add3A_26, %mul3A_25 : i32
      %mul3A_28 = arith.constant 624 : i32
      %mul3A_29 = arith.muli %arg1, %mul3A_28 : i32
      %mul3A_30 = arith.constant 8 : i32
      %mul3A_31 = arith.muli %add3A_27, %mul3A_30 : i32
      %add3A_32 = arith.addi %mul3A_29, %mul3A_31 : i32
      "tpu.region"() ({
        %run_scoped3A = tpu.sem_alloc : memref<!tpu.dma_semaphore, #tpu.memory_space<semaphore_mem>>
        %dma_start3A = arith.constant 0 : i32
        %dma_start3A_33 = tpu.memref_slice %arg13[%add3A_32, %dma_start3A] : memref<10000x128xf32, #tpu.memory_space<vmem_shared>> -> memref<8x128xf32, #tpu.memory_space<vmem_shared>>
        %dma_start3A_34 = arith.constant 0 : i32
        %dma_start3A_35 = tpu.memref_slice %arg13[%add3A_32, %dma_start3A_34] : memref<10000x128xf32, #tpu.memory_space<vmem_shared>> -> memref<8x128xf32, #tpu.memory_space<vmem_shared>>
        tpu.enqueue_dma source(%arg12 : memref<8x128xf32, #tpu.memory_space<vmem>>) target(%dma_start3A_35 : memref<8x128xf32, #tpu.memory_space<vmem_shared>>) target_semaphore(%run_scoped3A : memref<!tpu.dma_semaphore, #tpu.memory_space<semaphore_mem>>)
        %dma_wait3A = arith.constant 0 : i32
        %dma_wait3A_36 = tpu.memref_slice %arg13[%add3A_32, %dma_wait3A] : memref<10000x128xf32, #tpu.memory_space<vmem_shared>> -> memref<8x128xf32, #tpu.memory_space<vmem_shared>>
        %dma_wait3A_37 = arith.constant 0 : i32
        %dma_wait3A_38 = tpu.memref_slice %arg13[%add3A_32, %dma_wait3A_37] : memref<10000x128xf32, #tpu.memory_space<vmem_shared>> -> memref<8x128xf32, #tpu.memory_space<vmem_shared>>
        tpu.wait_dma2 semaphore(%run_scoped3A : memref<!tpu.dma_semaphore, #tpu.memory_space<semaphore_mem>>) src(%arg12 : memref<8x128xf32, #tpu.memory_space<vmem>>) dst(%dma_wait3A_38 : memref<8x128xf32, #tpu.memory_space<vmem_shared>>)
        tpu.yield
      }) : () -> ()
    }
    %scan3A_8 = arith.constant 78 : i32
    %eq3A = arith.constant 15 : i32
    %eq3A_9 = arith.cmpi eq, %arg1, %eq3A : i32
    %convert_element_type3A = arith.extui %eq3A_9 : i1 to i32
    %cond3A = arith.constant 0 : i32
    %cond3A_10 = arith.cmpi ne, %convert_element_type3A, %cond3A : i32
    scf.if %cond3A_10 {
      "tpu.region"() ({
        %run_scoped3A = tpu.sem_alloc : memref<!tpu.dma_semaphore, #tpu.memory_space<semaphore_mem>>
        %dma_start3A = arith.constant 9984 : i32
        %dma_start3A_23 = arith.constant 0 : i32
        %dma_start3A_24 = tpu.memref_slice %arg13[%dma_start3A, %dma_start3A_23] : memref<10000x128xf32, #tpu.memory_space<vmem_shared>> -> memref<8x128xf32, #tpu.memory_space<vmem_shared>>
        %dma_start3A_25 = arith.constant 9984 : i32
        %dma_start3A_26 = arith.constant 0 : i32
        %dma_start3A_27 = tpu.memref_slice %arg13[%dma_start3A_25, %dma_start3A_26] : memref<10000x128xf32, #tpu.memory_space<vmem_shared>> -> memref<8x128xf32, #tpu.memory_space<vmem_shared>>
        tpu.enqueue_dma source(%arg12 : memref<8x128xf32, #tpu.memory_space<vmem>>) target(%dma_start3A_27 : memref<8x128xf32, #tpu.memory_space<vmem_shared>>) target_semaphore(%run_scoped3A : memref<!tpu.dma_semaphore, #tpu.memory_space<semaphore_mem>>)
        %dma_wait3A = arith.constant 9984 : i32
        %dma_wait3A_28 = arith.constant 0 : i32
        %dma_wait3A_29 = tpu.memref_slice %arg13[%dma_wait3A, %dma_wait3A_28] : memref<10000x128xf32, #tpu.memory_space<vmem_shared>> -> memref<8x128xf32, #tpu.memory_space<vmem_shared>>
        %dma_wait3A_30 = arith.constant 9984 : i32
        %dma_wait3A_31 = arith.constant 0 : i32
        %dma_wait3A_32 = tpu.memref_slice %arg13[%dma_wait3A_30, %dma_wait3A_31] : memref<10000x128xf32, #tpu.memory_space<vmem_shared>> -> memref<8x128xf32, #tpu.memory_space<vmem_shared>>
        tpu.wait_dma2 semaphore(%run_scoped3A : memref<!tpu.dma_semaphore, #tpu.memory_space<semaphore_mem>>) src(%arg12 : memref<8x128xf32, #tpu.memory_space<vmem>>) dst(%dma_wait3A_32 : memref<8x128xf32, #tpu.memory_space<vmem_shared>>)
        tpu.yield
      }) : () -> ()
      "tpu.region"() ({
        %run_scoped3A = tpu.sem_alloc : memref<!tpu.dma_semaphore, #tpu.memory_space<semaphore_mem>>
        %dma_start3A = arith.constant 9992 : i32
        %dma_start3A_23 = arith.constant 0 : i32
        %dma_start3A_24 = tpu.memref_slice %arg13[%dma_start3A, %dma_start3A_23] : memref<10000x128xf32, #tpu.memory_space<vmem_shared>> -> memref<8x128xf32, #tpu.memory_space<vmem_shared>>
        %dma_start3A_25 = arith.constant 9992 : i32
        %dma_start3A_26 = arith.constant 0 : i32
        %dma_start3A_27 = tpu.memref_slice %arg13[%dma_start3A_25, %dma_start3A_26] : memref<10000x128xf32, #tpu.memory_space<vmem_shared>> -> memref<8x128xf32, #tpu.memory_space<vmem_shared>>
        tpu.enqueue_dma source(%arg12 : memref<8x128xf32, #tpu.memory_space<vmem>>) target(%dma_start3A_27 : memref<8x128xf32, #tpu.memory_space<vmem_shared>>) target_semaphore(%run_scoped3A : memref<!tpu.dma_semaphore, #tpu.memory_space<semaphore_mem>>)
        %dma_wait3A = arith.constant 9992 : i32
        %dma_wait3A_28 = arith.constant 0 : i32
        %dma_wait3A_29 = tpu.memref_slice %arg13[%dma_wait3A, %dma_wait3A_28] : memref<10000x128xf32, #tpu.memory_space<vmem_shared>> -> memref<8x128xf32, #tpu.memory_space<vmem_shared>>
        %dma_wait3A_30 = arith.constant 9992 : i32
        %dma_wait3A_31 = arith.constant 0 : i32
        %dma_wait3A_32 = tpu.memref_slice %arg13[%dma_wait3A_30, %dma_wait3A_31] : memref<10000x128xf32, #tpu.memory_space<vmem_shared>> -> memref<8x128xf32, #tpu.memory_space<vmem_shared>>
        tpu.wait_dma2 semaphore(%run_scoped3A : memref<!tpu.dma_semaphore, #tpu.memory_space<semaphore_mem>>) src(%arg12 : memref<8x128xf32, #tpu.memory_space<vmem>>) dst(%dma_wait3A_32 : memref<8x128xf32, #tpu.memory_space<vmem_shared>>)
        tpu.yield
      }) : () -> ()
    } else {
    }
    %mul3A = arith.constant 16 : i32
    %mul3A_11 = arith.muli %arg0, %mul3A : i32
    %add3A = arith.addi %mul3A_11, %arg1 : i32
    %barrier3A = arith.constant 0 : index
    tpu.barrier barrier_id(%barrier3A)
    %scan3A_12 = arith.constant 0 : i32
    %scan3A_13 = arith.constant 5 : i32
    %scan3A_14 = arith.addi %scan3A_12, %scan3A_13 : i32
    %scan3A_15 = arith.constant 1 : i32
    scf.for %scan3A_23 = %scan3A_12 to %scan3A_14 step %scan3A_15  : i32 {
      %mul3A_24 = arith.constant 1 : i32
      %mul3A_25 = arith.muli %scan3A_23, %mul3A_24 : i32
      %add3A_26 = arith.constant 0 : i32
      %add3A_27 = arith.addi %add3A_26, %mul3A_25 : i32
      "tpu.region"() ({
        %run_scoped3A = tpu.sem_alloc : memref<!tpu.dma_semaphore, #tpu.memory_space<semaphore_mem>>
        %dma_start3A_87 = arith.constant 0 : i32
        %dma_start3A_88 = arith.constant 0 : i32
        %dma_start3A_89 = tpu.memref_slice %arg3[%add3A, %add3A_27, %dma_start3A_87, %dma_start3A_88] : memref<32x5x25x80xi32, #tpu.memory_space<hbm>> -> memref<1x1x25x80xi32, #tpu.memory_space<hbm>>
        %dma_start3A_90 = tpu.memref_squeeze %dma_start3A_89 : memref<1x1x25x80xi32, #tpu.memory_space<hbm>> -> memref<25x80xi32, #tpu.memory_space<hbm>>
        %dma_start3A_91 = arith.constant 0 : i32
        %dma_start3A_92 = arith.constant 0 : i32
        %dma_start3A_93 = tpu.memref_slice %arg3[%add3A, %add3A_27, %dma_start3A_91, %dma_start3A_92] : memref<32x5x25x80xi32, #tpu.memory_space<hbm>> -> memref<1x1x25x80xi32, #tpu.memory_space<hbm>>
        %dma_start3A_94 = tpu.memref_squeeze %dma_start3A_93 : memref<1x1x25x80xi32, #tpu.memory_space<hbm>> -> memref<25x80xi32, #tpu.memory_space<hbm>>
        tpu.enqueue_dma source(%dma_start3A_94 : memref<25x80xi32, #tpu.memory_space<hbm>>) target(%arg6 : memref<25x80xi32, #tpu.memory_space<vmem>>) target_semaphore(%run_scoped3A : memref<!tpu.dma_semaphore, #tpu.memory_space<semaphore_mem>>)
        %dma_wait3A_95 = arith.constant 0 : i32
        %dma_wait3A_96 = arith.constant 0 : i32
        %dma_wait3A_97 = tpu.memref_slice %arg3[%add3A, %add3A_27, %dma_wait3A_95, %dma_wait3A_96] : memref<32x5x25x80xi32, #tpu.memory_space<hbm>> -> memref<1x1x25x80xi32, #tpu.memory_space<hbm>>
        %dma_wait3A_98 = tpu.memref_squeeze %dma_wait3A_97 : memref<1x1x25x80xi32, #tpu.memory_space<hbm>> -> memref<25x80xi32, #tpu.memory_space<hbm>>
        %dma_wait3A_99 = arith.constant 0 : i32
        %dma_wait3A_100 = arith.constant 0 : i32
        %dma_wait3A_101 = tpu.memref_slice %arg3[%add3A, %add3A_27, %dma_wait3A_99, %dma_wait3A_100] : memref<32x5x25x80xi32, #tpu.memory_space<hbm>> -> memref<1x1x25x80xi32, #tpu.memory_space<hbm>>
        %dma_wait3A_102 = tpu.memref_squeeze %dma_wait3A_101 : memref<1x1x25x80xi32, #tpu.memory_space<hbm>> -> memref<25x80xi32, #tpu.memory_space<hbm>>
        tpu.wait_dma2 semaphore(%run_scoped3A : memref<!tpu.dma_semaphore, #tpu.memory_space<semaphore_mem>>) src(%dma_wait3A_102 : memref<25x80xi32, #tpu.memory_space<hbm>>) dst(%arg6 : memref<25x80xi32, #tpu.memory_space<vmem>>)
        tpu.yield
      }) : () -> ()
      "tpu.region"() ({
        %run_scoped3A = tpu.sem_alloc : memref<!tpu.dma_semaphore, #tpu.memory_space<semaphore_mem>>
        %dma_start3A_87 = arith.constant 0 : i32
        %dma_start3A_88 = arith.constant 0 : i32
        %dma_start3A_89 = tpu.memref_slice %arg4[%add3A, %add3A_27, %dma_start3A_87, %dma_start3A_88] : memref<32x5x25x80xi32, #tpu.memory_space<hbm>> -> memref<1x1x25x80xi32, #tpu.memory_space<hbm>>
        %dma_start3A_90 = tpu.memref_squeeze %dma_start3A_89 : memref<1x1x25x80xi32, #tpu.memory_space<hbm>> -> memref<25x80xi32, #tpu.memory_space<hbm>>
        %dma_start3A_91 = arith.constant 0 : i32
        %dma_start3A_92 = arith.constant 0 : i32
        %dma_start3A_93 = tpu.memref_slice %arg4[%add3A, %add3A_27, %dma_start3A_91, %dma_start3A_92] : memref<32x5x25x80xi32, #tpu.memory_space<hbm>> -> memref<1x1x25x80xi32, #tpu.memory_space<hbm>>
        %dma_start3A_94 = tpu.memref_squeeze %dma_start3A_93 : memref<1x1x25x80xi32, #tpu.memory_space<hbm>> -> memref<25x80xi32, #tpu.memory_space<hbm>>
        tpu.enqueue_dma source(%dma_start3A_94 : memref<25x80xi32, #tpu.memory_space<hbm>>) target(%arg7 : memref<25x80xi32, #tpu.memory_space<vmem>>) target_semaphore(%run_scoped3A : memref<!tpu.dma_semaphore, #tpu.memory_space<semaphore_mem>>)
        %dma_wait3A_95 = arith.constant 0 : i32
        %dma_wait3A_96 = arith.constant 0 : i32
        %dma_wait3A_97 = tpu.memref_slice %arg4[%add3A, %add3A_27, %dma_wait3A_95, %dma_wait3A_96] : memref<32x5x25x80xi32, #tpu.memory_space<hbm>> -> memref<1x1x25x80xi32, #tpu.memory_space<hbm>>
        %dma_wait3A_98 = tpu.memref_squeeze %dma_wait3A_97 : memref<1x1x25x80xi32, #tpu.memory_space<hbm>> -> memref<25x80xi32, #tpu.memory_space<hbm>>
        %dma_wait3A_99 = arith.constant 0 : i32
        %dma_wait3A_100 = arith.constant 0 : i32
        %dma_wait3A_101 = tpu.memref_slice %arg4[%add3A, %add3A_27, %dma_wait3A_99, %dma_wait3A_100] : memref<32x5x25x80xi32, #tpu.memory_space<hbm>> -> memref<1x1x25x80xi32, #tpu.memory_space<hbm>>
        %dma_wait3A_102 = tpu.memref_squeeze %dma_wait3A_101 : memref<1x1x25x80xi32, #tpu.memory_space<hbm>> -> memref<25x80xi32, #tpu.memory_space<hbm>>
        tpu.wait_dma2 semaphore(%run_scoped3A : memref<!tpu.dma_semaphore, #tpu.memory_space<semaphore_mem>>) src(%dma_wait3A_102 : memref<25x80xi32, #tpu.memory_space<hbm>>) dst(%arg7 : memref<25x80xi32, #tpu.memory_space<vmem>>)
        tpu.yield
      }) : () -> ()
      %scan3A_28 = arith.constant 0 : i32
      %scan3A_29 = arith.constant 6 : i32
      %scan3A_30 = arith.addi %scan3A_28, %scan3A_29 : i32
      %scan3A_31 = arith.constant 1 : i32
      scf.for %scan3A_87 = %scan3A_28 to %scan3A_30 step %scan3A_31  : i32 {
        %mul3A_88 = arith.constant 1 : i32
        %mul3A_89 = arith.muli %scan3A_87, %mul3A_88 : i32
        %add3A_90 = arith.constant 0 : i32
        %add3A_91 = arith.addi %add3A_90, %mul3A_89 : i32
        %mul3A_92 = arith.constant 4 : i32
        %mul3A_93 = arith.muli %mul3A_92, %add3A_91 : i32
        %add3A_94 = arith.constant 0 : i32
        %add3A_95 = arith.addi %mul3A_93, %add3A_94 : i32
        %gt3A = arith.constant 0 : i32
        %gt3A_96 = arith.cmpi sgt, %add3A_91, %gt3A : i32
        %convert_element_type3A_97 = arith.extui %gt3A_96 : i1 to i32
        %cond3A_98 = arith.constant 0 : i32
        %cond3A_99 = arith.cmpi ne, %convert_element_type3A_97, %cond3A_98 : i32
        scf.if %cond3A_99 {
          %dma_wait3A_215 = arith.constant 0 : i32
          %dma_wait3A_216 = tpu.memref_slice %arg7[%add3A_95, %dma_wait3A_215] : memref<25x80xi32, #tpu.memory_space<vmem>> -> memref<1x80xi32, #tpu.memory_space<vmem>>
          %dma_wait3A_217 = tpu.memref_squeeze %dma_wait3A_216 : memref<1x80xi32, #tpu.memory_space<vmem>> -> memref<80xi32, #tpu.memory_space<vmem>>
          %dma_wait3A_218 = arith.constant 0 : i32
          %dma_wait3A_219 = arith.constant 0 : i32
          %dma_wait3A_220 = tpu.memref_slice %arg13[%dma_wait3A_218, %dma_wait3A_219] : memref<10000x128xf32, #tpu.memory_space<vmem_shared>> -> memref<10000x128xf32, #tpu.memory_space<vmem_shared>>
          tpu.wait_indirect_dma semaphore(%arg18 : memref<!tpu.dma_semaphore, #tpu.memory_space<semaphore_mem>>) src(%arg8 : memref<80x128xf32, #tpu.memory_space<vmem>>) dst(%dma_wait3A_220 : memref<10000x128xf32, #tpu.memory_space<vmem_shared>>)
        } else {
        }
        %dma_start3A_100 = arith.constant 0 : i32
        %dma_start3A_101 = tpu.memref_slice %arg6[%add3A_95, %dma_start3A_100] : memref<25x80xi32, #tpu.memory_space<vmem>> -> memref<1x80xi32, #tpu.memory_space<vmem>>
        %dma_start3A_102 = tpu.memref_squeeze %dma_start3A_101 : memref<1x80xi32, #tpu.memory_space<vmem>> -> memref<80xi32, #tpu.memory_space<vmem>>
        %dma_start3A_103 = arith.constant 0 : i32
        %dma_start3A_104 = arith.constant 0 : i32
        %dma_start3A_105 = tpu.memref_slice %arg2[%dma_start3A_103, %dma_start3A_104] : memref<10000x128xf32, #tpu.memory_space<hbm>> -> memref<10000x128xf32, #tpu.memory_space<hbm>>
        tpu.enqueue_indirect_dma source(%dma_start3A_105 : memref<10000x128xf32, #tpu.memory_space<hbm>>) target(%arg8 : memref<80x128xf32, #tpu.memory_space<vmem>>) offsets(%dma_start3A_102 : memref<80xi32, #tpu.memory_space<vmem>>) semaphore(%arg14 : memref<!tpu.dma_semaphore, #tpu.memory_space<semaphore_mem>>)
        %mul3A_106 = arith.constant 4 : i32
        %mul3A_107 = arith.muli %mul3A_106, %add3A_91 : i32
        %add3A_108 = arith.constant 1 : i32
        %add3A_109 = arith.addi %mul3A_107, %add3A_108 : i32
        %gt3A_110 = arith.constant 0 : i32
        %gt3A_111 = arith.cmpi sgt, %add3A_91, %gt3A_110 : i32
        %convert_element_type3A_112 = arith.extui %gt3A_111 : i1 to i32
        %cond3A_113 = arith.constant 0 : i32
        %cond3A_114 = arith.cmpi ne, %convert_element_type3A_112, %cond3A_113 : i32
        scf.if %cond3A_114 {
          %dma_wait3A_215 = arith.constant 0 : i32
          %dma_wait3A_216 = tpu.memref_slice %arg7[%add3A_109, %dma_wait3A_215] : memref<25x80xi32, #tpu.memory_space<vmem>> -> memref<1x80xi32, #tpu.memory_space<vmem>>
          %dma_wait3A_217 = tpu.memref_squeeze %dma_wait3A_216 : memref<1x80xi32, #tpu.memory_space<vmem>> -> memref<80xi32, #tpu.memory_space<vmem>>
          %dma_wait3A_218 = arith.constant 0 : i32
          %dma_wait3A_219 = arith.constant 0 : i32
          %dma_wait3A_220 = tpu.memref_slice %arg13[%dma_wait3A_218, %dma_wait3A_219] : memref<10000x128xf32, #tpu.memory_space<vmem_shared>> -> memref<10000x128xf32, #tpu.memory_space<vmem_shared>>
          tpu.wait_indirect_dma semaphore(%arg19 : memref<!tpu.dma_semaphore, #tpu.memory_space<semaphore_mem>>) src(%arg9 : memref<80x128xf32, #tpu.memory_space<vmem>>) dst(%dma_wait3A_220 : memref<10000x128xf32, #tpu.memory_space<vmem_shared>>)
        } else {
        }
        %dma_start3A_115 = arith.constant 0 : i32
        %dma_start3A_116 = tpu.memref_slice %arg6[%add3A_109, %dma_start3A_115] : memref<25x80xi32, #tpu.memory_space<vmem>> -> memref<1x80xi32, #tpu.memory_space<vmem>>
        %dma_start3A_117 = tpu.memref_squeeze %dma_start3A_116 : memref<1x80xi32, #tpu.memory_space<vmem>> -> memref<80xi32, #tpu.memory_space<vmem>>
        %dma_start3A_118 = arith.constant 0 : i32
        %dma_start3A_119 = arith.constant 0 : i32
        %dma_start3A_120 = tpu.memref_slice %arg2[%dma_start3A_118, %dma_start3A_119] : memref<10000x128xf32, #tpu.memory_space<hbm>> -> memref<10000x128xf32, #tpu.memory_space<hbm>>
        tpu.enqueue_indirect_dma source(%dma_start3A_120 : memref<10000x128xf32, #tpu.memory_space<hbm>>) target(%arg9 : memref<80x128xf32, #tpu.memory_space<vmem>>) offsets(%dma_start3A_117 : memref<80xi32, #tpu.memory_space<vmem>>) semaphore(%arg15 : memref<!tpu.dma_semaphore, #tpu.memory_space<semaphore_mem>>)
        %mul3A_121 = arith.constant 4 : i32
        %mul3A_122 = arith.muli %mul3A_121, %add3A_91 : i32
        %add3A_123 = arith.constant 2 : i32
        %add3A_124 = arith.addi %mul3A_122, %add3A_123 : i32
        %gt3A_125 = arith.constant 0 : i32
        %gt3A_126 = arith.cmpi sgt, %add3A_91, %gt3A_125 : i32
        %convert_element_type3A_127 = arith.extui %gt3A_126 : i1 to i32
        %cond3A_128 = arith.constant 0 : i32
        %cond3A_129 = arith.cmpi ne, %convert_element_type3A_127, %cond3A_128 : i32
        scf.if %cond3A_129 {
          %dma_wait3A_215 = arith.constant 0 : i32
          %dma_wait3A_216 = tpu.memref_slice %arg7[%add3A_124, %dma_wait3A_215] : memref<25x80xi32, #tpu.memory_space<vmem>> -> memref<1x80xi32, #tpu.memory_space<vmem>>
          %dma_wait3A_217 = tpu.memref_squeeze %dma_wait3A_216 : memref<1x80xi32, #tpu.memory_space<vmem>> -> memref<80xi32, #tpu.memory_space<vmem>>
          %dma_wait3A_218 = arith.constant 0 : i32
          %dma_wait3A_219 = arith.constant 0 : i32
          %dma_wait3A_220 = tpu.memref_slice %arg13[%dma_wait3A_218, %dma_wait3A_219] : memref<10000x128xf32, #tpu.memory_space<vmem_shared>> -> memref<10000x128xf32, #tpu.memory_space<vmem_shared>>
          tpu.wait_indirect_dma semaphore(%arg20 : memref<!tpu.dma_semaphore, #tpu.memory_space<semaphore_mem>>) src(%arg10 : memref<80x128xf32, #tpu.memory_space<vmem>>) dst(%dma_wait3A_220 : memref<10000x128xf32, #tpu.memory_space<vmem_shared>>)
        } else {
        }
        %dma_start3A_130 = arith.constant 0 : i32
        %dma_start3A_131 = tpu.memref_slice %arg6[%add3A_124, %dma_start3A_130] : memref<25x80xi32, #tpu.memory_space<vmem>> -> memref<1x80xi32, #tpu.memory_space<vmem>>
        %dma_start3A_132 = tpu.memref_squeeze %dma_start3A_131 : memref<1x80xi32, #tpu.memory_space<vmem>> -> memref<80xi32, #tpu.memory_space<vmem>>
        %dma_start3A_133 = arith.constant 0 : i32
        %dma_start3A_134 = arith.constant 0 : i32
        %dma_start3A_135 = tpu.memref_slice %arg2[%dma_start3A_133, %dma_start3A_134] : memref<10000x128xf32, #tpu.memory_space<hbm>> -> memref<10000x128xf32, #tpu.memory_space<hbm>>
        tpu.enqueue_indirect_dma source(%dma_start3A_135 : memref<10000x128xf32, #tpu.memory_space<hbm>>) target(%arg10 : memref<80x128xf32, #tpu.memory_space<vmem>>) offsets(%dma_start3A_132 : memref<80xi32, #tpu.memory_space<vmem>>) semaphore(%arg16 : memref<!tpu.dma_semaphore, #tpu.memory_space<semaphore_mem>>)
        %mul3A_136 = arith.constant 4 : i32
        %mul3A_137 = arith.muli %mul3A_136, %add3A_91 : i32
        %add3A_138 = arith.constant 3 : i32
        %add3A_139 = arith.addi %mul3A_137, %add3A_138 : i32
        %gt3A_140 = arith.constant 0 : i32
        %gt3A_141 = arith.cmpi sgt, %add3A_91, %gt3A_140 : i32
        %convert_element_type3A_142 = arith.extui %gt3A_141 : i1 to i32
        %cond3A_143 = arith.constant 0 : i32
        %cond3A_144 = arith.cmpi ne, %convert_element_type3A_142, %cond3A_143 : i32
        scf.if %cond3A_144 {
          %dma_wait3A_215 = arith.constant 0 : i32
          %dma_wait3A_216 = tpu.memref_slice %arg7[%add3A_139, %dma_wait3A_215] : memref<25x80xi32, #tpu.memory_space<vmem>> -> memref<1x80xi32, #tpu.memory_space<vmem>>
          %dma_wait3A_217 = tpu.memref_squeeze %dma_wait3A_216 : memref<1x80xi32, #tpu.memory_space<vmem>> -> memref<80xi32, #tpu.memory_space<vmem>>
          %dma_wait3A_218 = arith.constant 0 : i32
          %dma_wait3A_219 = arith.constant 0 : i32
          %dma_wait3A_220 = tpu.memref_slice %arg13[%dma_wait3A_218, %dma_wait3A_219] : memref<10000x128xf32, #tpu.memory_space<vmem_shared>> -> memref<10000x128xf32, #tpu.memory_space<vmem_shared>>
          tpu.wait_indirect_dma semaphore(%arg21 : memref<!tpu.dma_semaphore, #tpu.memory_space<semaphore_mem>>) src(%arg11 : memref<80x128xf32, #tpu.memory_space<vmem>>) dst(%dma_wait3A_220 : memref<10000x128xf32, #tpu.memory_space<vmem_shared>>)
        } else {
        }
        %dma_start3A_145 = arith.constant 0 : i32
        %dma_start3A_146 = tpu.memref_slice %arg6[%add3A_139, %dma_start3A_145] : memref<25x80xi32, #tpu.memory_space<vmem>> -> memref<1x80xi32, #tpu.memory_space<vmem>>
        %dma_start3A_147 = tpu.memref_squeeze %dma_start3A_146 : memref<1x80xi32, #tpu.memory_space<vmem>> -> memref<80xi32, #tpu.memory_space<vmem>>
        %dma_start3A_148 = arith.constant 0 : i32
        %dma_start3A_149 = arith.constant 0 : i32
        %dma_start3A_150 = tpu.memref_slice %arg2[%dma_start3A_148, %dma_start3A_149] : memref<10000x128xf32, #tpu.memory_space<hbm>> -> memref<10000x128xf32, #tpu.memory_space<hbm>>
        tpu.enqueue_indirect_dma source(%dma_start3A_150 : memref<10000x128xf32, #tpu.memory_space<hbm>>) target(%arg11 : memref<80x128xf32, #tpu.memory_space<vmem>>) offsets(%dma_start3A_147 : memref<80xi32, #tpu.memory_space<vmem>>) semaphore(%arg17 : memref<!tpu.dma_semaphore, #tpu.memory_space<semaphore_mem>>)
        %mul3A_151 = arith.constant 4 : i32
        %mul3A_152 = arith.muli %mul3A_151, %add3A_91 : i32
        %add3A_153 = arith.constant 0 : i32
        %add3A_154 = arith.addi %mul3A_152, %add3A_153 : i32
        %dma_wait3A_155 = arith.constant 0 : i32
        %dma_wait3A_156 = tpu.memref_slice %arg6[%add3A_154, %dma_wait3A_155] : memref<25x80xi32, #tpu.memory_space<vmem>> -> memref<1x80xi32, #tpu.memory_space<vmem>>
        %dma_wait3A_157 = tpu.memref_squeeze %dma_wait3A_156 : memref<1x80xi32, #tpu.memory_space<vmem>> -> memref<80xi32, #tpu.memory_space<vmem>>
        %dma_wait3A_158 = arith.constant 0 : i32
        %dma_wait3A_159 = arith.constant 0 : i32
        %dma_wait3A_160 = tpu.memref_slice %arg2[%dma_wait3A_158, %dma_wait3A_159] : memref<10000x128xf32, #tpu.memory_space<hbm>> -> memref<10000x128xf32, #tpu.memory_space<hbm>>
        tpu.wait_indirect_dma semaphore(%arg14 : memref<!tpu.dma_semaphore, #tpu.memory_space<semaphore_mem>>) src(%dma_wait3A_160 : memref<10000x128xf32, #tpu.memory_space<hbm>>) dst(%arg8 : memref<80x128xf32, #tpu.memory_space<vmem>>)
        %dma_start3A_161 = arith.constant 0 : i32
        %dma_start3A_162 = tpu.memref_slice %arg7[%add3A_154, %dma_start3A_161] : memref<25x80xi32, #tpu.memory_space<vmem>> -> memref<1x80xi32, #tpu.memory_space<vmem>>
        %dma_start3A_163 = tpu.memref_squeeze %dma_start3A_162 : memref<1x80xi32, #tpu.memory_space<vmem>> -> memref<80xi32, #tpu.memory_space<vmem>>
        %dma_start3A_164 = arith.constant 0 : i32
        %dma_start3A_165 = arith.constant 0 : i32
        %dma_start3A_166 = tpu.memref_slice %arg13[%dma_start3A_164, %dma_start3A_165] : memref<10000x128xf32, #tpu.memory_space<vmem_shared>> -> memref<10000x128xf32, #tpu.memory_space<vmem_shared>>
        tpu.enqueue_indirect_dma source(%arg8 : memref<80x128xf32, #tpu.memory_space<vmem>>) target(%dma_start3A_166 : memref<10000x128xf32, #tpu.memory_space<vmem_shared>>) offsets(%dma_start3A_163 : memref<80xi32, #tpu.memory_space<vmem>>) semaphore(%arg18 : memref<!tpu.dma_semaphore, #tpu.memory_space<semaphore_mem>>) {add = true}
        %mul3A_167 = arith.constant 4 : i32
        %mul3A_168 = arith.muli %mul3A_167, %add3A_91 : i32
        %add3A_169 = arith.constant 1 : i32
        %add3A_170 = arith.addi %mul3A_168, %add3A_169 : i32
        %dma_wait3A_171 = arith.constant 0 : i32
        %dma_wait3A_172 = tpu.memref_slice %arg6[%add3A_170, %dma_wait3A_171] : memref<25x80xi32, #tpu.memory_space<vmem>> -> memref<1x80xi32, #tpu.memory_space<vmem>>
        %dma_wait3A_173 = tpu.memref_squeeze %dma_wait3A_172 : memref<1x80xi32, #tpu.memory_space<vmem>> -> memref<80xi32, #tpu.memory_space<vmem>>
        %dma_wait3A_174 = arith.constant 0 : i32
        %dma_wait3A_175 = arith.constant 0 : i32
        %dma_wait3A_176 = tpu.memref_slice %arg2[%dma_wait3A_174, %dma_wait3A_175] : memref<10000x128xf32, #tpu.memory_space<hbm>> -> memref<10000x128xf32, #tpu.memory_space<hbm>>
        tpu.wait_indirect_dma semaphore(%arg15 : memref<!tpu.dma_semaphore, #tpu.memory_space<semaphore_mem>>) src(%dma_wait3A_176 : memref<10000x128xf32, #tpu.memory_space<hbm>>) dst(%arg9 : memref<80x128xf32, #tpu.memory_space<vmem>>)
        %dma_start3A_177 = arith.constant 0 : i32
        %dma_start3A_178 = tpu.memref_slice %arg7[%add3A_170, %dma_start3A_177] : memref<25x80xi32, #tpu.memory_space<vmem>> -> memref<1x80xi32, #tpu.memory_space<vmem>>
        %dma_start3A_179 = tpu.memref_squeeze %dma_start3A_178 : memref<1x80xi32, #tpu.memory_space<vmem>> -> memref<80xi32, #tpu.memory_space<vmem>>
        %dma_start3A_180 = arith.constant 0 : i32
        %dma_start3A_181 = arith.constant 0 : i32
        %dma_start3A_182 = tpu.memref_slice %arg13[%dma_start3A_180, %dma_start3A_181] : memref<10000x128xf32, #tpu.memory_space<vmem_shared>> -> memref<10000x128xf32, #tpu.memory_space<vmem_shared>>
        tpu.enqueue_indirect_dma source(%arg9 : memref<80x128xf32, #tpu.memory_space<vmem>>) target(%dma_start3A_182 : memref<10000x128xf32, #tpu.memory_space<vmem_shared>>) offsets(%dma_start3A_179 : memref<80xi32, #tpu.memory_space<vmem>>) semaphore(%arg19 : memref<!tpu.dma_semaphore, #tpu.memory_space<semaphore_mem>>) {add = true}
        %mul3A_183 = arith.constant 4 : i32
        %mul3A_184 = arith.muli %mul3A_183, %add3A_91 : i32
        %add3A_185 = arith.constant 2 : i32
        %add3A_186 = arith.addi %mul3A_184, %add3A_185 : i32
        %dma_wait3A_187 = arith.constant 0 : i32
        %dma_wait3A_188 = tpu.memref_slice %arg6[%add3A_186, %dma_wait3A_187] : memref<25x80xi32, #tpu.memory_space<vmem>> -> memref<1x80xi32, #tpu.memory_space<vmem>>
        %dma_wait3A_189 = tpu.memref_squeeze %dma_wait3A_188 : memref<1x80xi32, #tpu.memory_space<vmem>> -> memref<80xi32, #tpu.memory_space<vmem>>
        %dma_wait3A_190 = arith.constant 0 : i32
        %dma_wait3A_191 = arith.constant 0 : i32
        %dma_wait3A_192 = tpu.memref_slice %arg2[%dma_wait3A_190, %dma_wait3A_191] : memref<10000x128xf32, #tpu.memory_space<hbm>> -> memref<10000x128xf32, #tpu.memory_space<hbm>>
        tpu.wait_indirect_dma semaphore(%arg16 : memref<!tpu.dma_semaphore, #tpu.memory_space<semaphore_mem>>) src(%dma_wait3A_192 : memref<10000x128xf32, #tpu.memory_space<hbm>>) dst(%arg10 : memref<80x128xf32, #tpu.memory_space<vmem>>)
        %dma_start3A_193 = arith.constant 0 : i32
        %dma_start3A_194 = tpu.memref_slice %arg7[%add3A_186, %dma_start3A_193] : memref<25x80xi32, #tpu.memory_space<vmem>> -> memref<1x80xi32, #tpu.memory_space<vmem>>
        %dma_start3A_195 = tpu.memref_squeeze %dma_start3A_194 : memref<1x80xi32, #tpu.memory_space<vmem>> -> memref<80xi32, #tpu.memory_space<vmem>>
        %dma_start3A_196 = arith.constant 0 : i32
        %dma_start3A_197 = arith.constant 0 : i32
        %dma_start3A_198 = tpu.memref_slice %arg13[%dma_start3A_196, %dma_start3A_197] : memref<10000x128xf32, #tpu.memory_space<vmem_shared>> -> memref<10000x128xf32, #tpu.memory_space<vmem_shared>>
        tpu.enqueue_indirect_dma source(%arg10 : memref<80x128xf32, #tpu.memory_space<vmem>>) target(%dma_start3A_198 : memref<10000x128xf32, #tpu.memory_space<vmem_shared>>) offsets(%dma_start3A_195 : memref<80xi32, #tpu.memory_space<vmem>>) semaphore(%arg20 : memref<!tpu.dma_semaphore, #tpu.memory_space<semaphore_mem>>) {add = true}
        %mul3A_199 = arith.constant 4 : i32
        %mul3A_200 = arith.muli %mul3A_199, %add3A_91 : i32
        %add3A_201 = arith.constant 3 : i32
        %add3A_202 = arith.addi %mul3A_200, %add3A_201 : i32
        %dma_wait3A_203 = arith.constant 0 : i32
        %dma_wait3A_204 = tpu.memref_slice %arg6[%add3A_202, %dma_wait3A_203] : memref<25x80xi32, #tpu.memory_space<vmem>> -> memref<1x80xi32, #tpu.memory_space<vmem>>
        %dma_wait3A_205 = tpu.memref_squeeze %dma_wait3A_204 : memref<1x80xi32, #tpu.memory_space<vmem>> -> memref<80xi32, #tpu.memory_space<vmem>>
        %dma_wait3A_206 = arith.constant 0 : i32
        %dma_wait3A_207 = arith.constant 0 : i32
        %dma_wait3A_208 = tpu.memref_slice %arg2[%dma_wait3A_206, %dma_wait3A_207] : memref<10000x128xf32, #tpu.memory_space<hbm>> -> memref<10000x128xf32, #tpu.memory_space<hbm>>
        tpu.wait_indirect_dma semaphore(%arg17 : memref<!tpu.dma_semaphore, #tpu.memory_space<semaphore_mem>>) src(%dma_wait3A_208 : memref<10000x128xf32, #tpu.memory_space<hbm>>) dst(%arg11 : memref<80x128xf32, #tpu.memory_space<vmem>>)
        %dma_start3A_209 = arith.constant 0 : i32
        %dma_start3A_210 = tpu.memref_slice %arg7[%add3A_202, %dma_start3A_209] : memref<25x80xi32, #tpu.memory_space<vmem>> -> memref<1x80xi32, #tpu.memory_space<vmem>>
        %dma_start3A_211 = tpu.memref_squeeze %dma_start3A_210 : memref<1x80xi32, #tpu.memory_space<vmem>> -> memref<80xi32, #tpu.memory_space<vmem>>
        %dma_start3A_212 = arith.constant 0 : i32
        %dma_start3A_213 = arith.constant 0 : i32
        %dma_start3A_214 = tpu.memref_slice %arg13[%dma_start3A_212, %dma_start3A_213] : memref<10000x128xf32, #tpu.memory_space<vmem_shared>> -> memref<10000x128xf32, #tpu.memory_space<vmem_shared>>
        tpu.enqueue_indirect_dma source(%arg11 : memref<80x128xf32, #tpu.memory_space<vmem>>) target(%dma_start3A_214 : memref<10000x128xf32, #tpu.memory_space<vmem_shared>>) offsets(%dma_start3A_211 : memref<80xi32, #tpu.memory_space<vmem>>) semaphore(%arg21 : memref<!tpu.dma_semaphore, #tpu.memory_space<semaphore_mem>>) {add = true}
      }
      %scan3A_32 = arith.constant 6 : i32
      %dma_wait3A = arith.constant 0 : i32
      %dma_wait3A_33 = arith.constant 0 : i32
      %dma_wait3A_34 = tpu.memref_slice %arg7[%dma_wait3A, %dma_wait3A_33] : memref<25x80xi32, #tpu.memory_space<vmem>> -> memref<1x80xi32, #tpu.memory_space<vmem>>
      %dma_wait3A_35 = tpu.memref_squeeze %dma_wait3A_34 : memref<1x80xi32, #tpu.memory_space<vmem>> -> memref<80xi32, #tpu.memory_space<vmem>>
      %dma_wait3A_36 = arith.constant 0 : i32
      %dma_wait3A_37 = arith.constant 0 : i32
      %dma_wait3A_38 = tpu.memref_slice %arg13[%dma_wait3A_36, %dma_wait3A_37] : memref<10000x128xf32, #tpu.memory_space<vmem_shared>> -> memref<10000x128xf32, #tpu.memory_space<vmem_shared>>
      tpu.wait_indirect_dma semaphore(%arg18 : memref<!tpu.dma_semaphore, #tpu.memory_space<semaphore_mem>>) src(%arg8 : memref<80x128xf32, #tpu.memory_space<vmem>>) dst(%dma_wait3A_38 : memref<10000x128xf32, #tpu.memory_space<vmem_shared>>)
      %dma_wait3A_39 = arith.constant 1 : i32
      %dma_wait3A_40 = arith.constant 0 : i32
      %dma_wait3A_41 = tpu.memref_slice %arg7[%dma_wait3A_39, %dma_wait3A_40] : memref<25x80xi32, #tpu.memory_space<vmem>> -> memref<1x80xi32, #tpu.memory_space<vmem>>
      %dma_wait3A_42 = tpu.memref_squeeze %dma_wait3A_41 : memref<1x80xi32, #tpu.memory_space<vmem>> -> memref<80xi32, #tpu.memory_space<vmem>>
      %dma_wait3A_43 = arith.constant 0 : i32
      %dma_wait3A_44 = arith.constant 0 : i32
      %dma_wait3A_45 = tpu.memref_slice %arg13[%dma_wait3A_43, %dma_wait3A_44] : memref<10000x128xf32, #tpu.memory_space<vmem_shared>> -> memref<10000x128xf32, #tpu.memory_space<vmem_shared>>
      tpu.wait_indirect_dma semaphore(%arg19 : memref<!tpu.dma_semaphore, #tpu.memory_space<semaphore_mem>>) src(%arg9 : memref<80x128xf32, #tpu.memory_space<vmem>>) dst(%dma_wait3A_45 : memref<10000x128xf32, #tpu.memory_space<vmem_shared>>)
      %dma_wait3A_46 = arith.constant 2 : i32
      %dma_wait3A_47 = arith.constant 0 : i32
      %dma_wait3A_48 = tpu.memref_slice %arg7[%dma_wait3A_46, %dma_wait3A_47] : memref<25x80xi32, #tpu.memory_space<vmem>> -> memref<1x80xi32, #tpu.memory_space<vmem>>
      %dma_wait3A_49 = tpu.memref_squeeze %dma_wait3A_48 : memref<1x80xi32, #tpu.memory_space<vmem>> -> memref<80xi32, #tpu.memory_space<vmem>>
      %dma_wait3A_50 = arith.constant 0 : i32
      %dma_wait3A_51 = arith.constant 0 : i32
      %dma_wait3A_52 = tpu.memref_slice %arg13[%dma_wait3A_50, %dma_wait3A_51] : memref<10000x128xf32, #tpu.memory_space<vmem_shared>> -> memref<10000x128xf32, #tpu.memory_space<vmem_shared>>
      tpu.wait_indirect_dma semaphore(%arg20 : memref<!tpu.dma_semaphore, #tpu.memory_space<semaphore_mem>>) src(%arg10 : memref<80x128xf32, #tpu.memory_space<vmem>>) dst(%dma_wait3A_52 : memref<10000x128xf32, #tpu.memory_space<vmem_shared>>)
      %dma_wait3A_53 = arith.constant 3 : i32
      %dma_wait3A_54 = arith.constant 0 : i32
      %dma_wait3A_55 = tpu.memref_slice %arg7[%dma_wait3A_53, %dma_wait3A_54] : memref<25x80xi32, #tpu.memory_space<vmem>> -> memref<1x80xi32, #tpu.memory_space<vmem>>
      %dma_wait3A_56 = tpu.memref_squeeze %dma_wait3A_55 : memref<1x80xi32, #tpu.memory_space<vmem>> -> memref<80xi32, #tpu.memory_space<vmem>>
      %dma_wait3A_57 = arith.constant 0 : i32
      %dma_wait3A_58 = arith.constant 0 : i32
      %dma_wait3A_59 = tpu.memref_slice %arg13[%dma_wait3A_57, %dma_wait3A_58] : memref<10000x128xf32, #tpu.memory_space<vmem_shared>> -> memref<10000x128xf32, #tpu.memory_space<vmem_shared>>
      tpu.wait_indirect_dma semaphore(%arg21 : memref<!tpu.dma_semaphore, #tpu.memory_space<semaphore_mem>>) src(%arg11 : memref<80x128xf32, #tpu.memory_space<vmem>>) dst(%dma_wait3A_59 : memref<10000x128xf32, #tpu.memory_space<vmem_shared>>)
      %dma_start3A = arith.constant 24 : i32
      %dma_start3A_60 = arith.constant 0 : i32
      %dma_start3A_61 = tpu.memref_slice %arg6[%dma_start3A, %dma_start3A_60] : memref<25x80xi32, #tpu.memory_space<vmem>> -> memref<1x80xi32, #tpu.memory_space<vmem>>
      %dma_start3A_62 = tpu.memref_squeeze %dma_start3A_61 : memref<1x80xi32, #tpu.memory_space<vmem>> -> memref<80xi32, #tpu.memory_space<vmem>>
      %dma_start3A_63 = arith.constant 0 : i32
      %dma_start3A_64 = arith.constant 0 : i32
      %dma_start3A_65 = tpu.memref_slice %arg2[%dma_start3A_63, %dma_start3A_64] : memref<10000x128xf32, #tpu.memory_space<hbm>> -> memref<10000x128xf32, #tpu.memory_space<hbm>>
      tpu.enqueue_indirect_dma source(%dma_start3A_65 : memref<10000x128xf32, #tpu.memory_space<hbm>>) target(%arg8 : memref<80x128xf32, #tpu.memory_space<vmem>>) offsets(%dma_start3A_62 : memref<80xi32, #tpu.memory_space<vmem>>) semaphore(%arg14 : memref<!tpu.dma_semaphore, #tpu.memory_space<semaphore_mem>>)
      %dma_wait3A_66 = arith.constant 24 : i32
      %dma_wait3A_67 = arith.constant 0 : i32
      %dma_wait3A_68 = tpu.memref_slice %arg6[%dma_wait3A_66, %dma_wait3A_67] : memref<25x80xi32, #tpu.memory_space<vmem>> -> memref<1x80xi32, #tpu.memory_space<vmem>>
      %dma_wait3A_69 = tpu.memref_squeeze %dma_wait3A_68 : memref<1x80xi32, #tpu.memory_space<vmem>> -> memref<80xi32, #tpu.memory_space<vmem>>
      %dma_wait3A_70 = arith.constant 0 : i32
      %dma_wait3A_71 = arith.constant 0 : i32
      %dma_wait3A_72 = tpu.memref_slice %arg2[%dma_wait3A_70, %dma_wait3A_71] : memref<10000x128xf32, #tpu.memory_space<hbm>> -> memref<10000x128xf32, #tpu.memory_space<hbm>>
      tpu.wait_indirect_dma semaphore(%arg14 : memref<!tpu.dma_semaphore, #tpu.memory_space<semaphore_mem>>) src(%dma_wait3A_72 : memref<10000x128xf32, #tpu.memory_space<hbm>>) dst(%arg8 : memref<80x128xf32, #tpu.memory_space<vmem>>)
      %dma_start3A_73 = arith.constant 24 : i32
      %dma_start3A_74 = arith.constant 0 : i32
      %dma_start3A_75 = tpu.memref_slice %arg7[%dma_start3A_73, %dma_start3A_74] : memref<25x80xi32, #tpu.memory_space<vmem>> -> memref<1x80xi32, #tpu.memory_space<vmem>>
      %dma_start3A_76 = tpu.memref_squeeze %dma_start3A_75 : memref<1x80xi32, #tpu.memory_space<vmem>> -> memref<80xi32, #tpu.memory_space<vmem>>
      %dma_start3A_77 = arith.constant 0 : i32
      %dma_start3A_78 = arith.constant 0 : i32
      %dma_start3A_79 = tpu.memref_slice %arg13[%dma_start3A_77, %dma_start3A_78] : memref<10000x128xf32, #tpu.memory_space<vmem_shared>> -> memref<10000x128xf32, #tpu.memory_space<vmem_shared>>
      tpu.enqueue_indirect_dma source(%arg8 : memref<80x128xf32, #tpu.memory_space<vmem>>) target(%dma_start3A_79 : memref<10000x128xf32, #tpu.memory_space<vmem_shared>>) offsets(%dma_start3A_76 : memref<80xi32, #tpu.memory_space<vmem>>) semaphore(%arg18 : memref<!tpu.dma_semaphore, #tpu.memory_space<semaphore_mem>>) {add = true}
      %dma_wait3A_80 = arith.constant 24 : i32
      %dma_wait3A_81 = arith.constant 0 : i32
      %dma_wait3A_82 = tpu.memref_slice %arg7[%dma_wait3A_80, %dma_wait3A_81] : memref<25x80xi32, #tpu.memory_space<vmem>> -> memref<1x80xi32, #tpu.memory_space<vmem>>
      %dma_wait3A_83 = tpu.memref_squeeze %dma_wait3A_82 : memref<1x80xi32, #tpu.memory_space<vmem>> -> memref<80xi32, #tpu.memory_space<vmem>>
      %dma_wait3A_84 = arith.constant 0 : i32
      %dma_wait3A_85 = arith.constant 0 : i32
      %dma_wait3A_86 = tpu.memref_slice %arg13[%dma_wait3A_84, %dma_wait3A_85] : memref<10000x128xf32, #tpu.memory_space<vmem_shared>> -> memref<10000x128xf32, #tpu.memory_space<vmem_shared>>
      tpu.wait_indirect_dma semaphore(%arg18 : memref<!tpu.dma_semaphore, #tpu.memory_space<semaphore_mem>>) src(%arg8 : memref<80x128xf32, #tpu.memory_space<vmem>>) dst(%dma_wait3A_86 : memref<10000x128xf32, #tpu.memory_space<vmem_shared>>)
    }
    %scan3A_16 = arith.constant 5 : i32
    %barrier3A_17 = arith.constant 0 : index
    tpu.barrier barrier_id(%barrier3A_17)
    %eq3A_18 = arith.constant 0 : i32
    %eq3A_19 = arith.cmpi eq, %arg1, %eq3A_18 : i32
    %convert_element_type3A_20 = arith.extui %eq3A_19 : i1 to i32
    %cond3A_21 = arith.constant 0 : i32
    %cond3A_22 = arith.cmpi ne, %convert_element_type3A_20, %cond3A_21 : i32
    scf.if %cond3A_22 {
      %mul3A_23 = arith.constant 10000 : i32
      %mul3A_24 = arith.muli %arg0, %mul3A_23 : i32
      "tpu.region"() ({
        %run_scoped3A = tpu.sem_alloc : memref<!tpu.dma_semaphore, #tpu.memory_space<semaphore_mem>>
        %dma_start3A = arith.constant 0 : i32
        %dma_start3A_25 = tpu.memref_slice %arg5[%mul3A_24, %dma_start3A] : memref<20000x128xf32, #tpu.memory_space<hbm>> -> memref<10000x128xf32, #tpu.memory_space<hbm>>
        tpu.enqueue_dma source(%arg13 : memref<10000x128xf32, #tpu.memory_space<vmem_shared>>) target(%dma_start3A_25 : memref<10000x128xf32, #tpu.memory_space<hbm>>) target_semaphore(%run_scoped3A : memref<!tpu.dma_semaphore, #tpu.memory_space<semaphore_mem>>)
        %dma_wait3A = arith.constant 0 : i32
        %dma_wait3A_26 = tpu.memref_slice %arg5[%mul3A_24, %dma_wait3A] : memref<20000x128xf32, #tpu.memory_space<hbm>> -> memref<10000x128xf32, #tpu.memory_space<hbm>>
        tpu.wait_dma2 semaphore(%run_scoped3A : memref<!tpu.dma_semaphore, #tpu.memory_space<semaphore_mem>>) src(%arg13 : memref<10000x128xf32, #tpu.memory_space<vmem_shared>>) dst(%dma_wait3A_26 : memref<10000x128xf32, #tpu.memory_space<hbm>>)
        tpu.yield
      }) : () -> ()
    } else {
    }
    return
  }
}

module attributes {stable_mosaic.version = 14 : i64} {
  func.func @_tc_prep_body(%arg0: i32, %arg1: i32, %arg2: memref<1000x128xf32, #tpu.memory_space<vmem>>, %arg3: memref<128x128xf32, #tpu.memory_space<vmem>>, %arg4: memref<1000x1xf32, #tpu.memory_space<vmem>>, %arg5: memref<1000x1xf32, #tpu.memory_space<vmem>>, %arg6: memref<1x1000x128xf32, #tpu.memory_space<vmem>>) attributes {dimension_semantics = [#tpu.dimension_semantics<arbitrary>, #tpu.dimension_semantics<arbitrary>], iteration_bounds = array<i64: 10, 2>, scalar_prefetch = 0 : i64, scratch_operands = 0 : i64, tpu.core_type = #tpu.core_type<tc>, window_params = [{transform_indices = @transform_0, window_bounds = array<i64: 1000, 128>}, {transform_indices = @transform_1, window_bounds = array<i64: 128, 128>}, {transform_indices = @transform_2, window_bounds = array<i64: 1000, 1>}, {transform_indices = @transform_3, window_bounds = array<i64: 1000, 1>}, {transform_indices = @transform_4, window_bounds = array<i64: 1, 1000, 128>}]} {
    %get3A = arith.constant 0 : index
    %get3A_0 = arith.constant 0 : index
    %get3A_1 = vector.load %arg2[%get3A, %get3A_0] : memref<1000x128xf32, #tpu.memory_space<vmem>>, vector<1000x128xf32>
    %reduce_sum3A = arith.constant dense<0.000000e+00> : vector<1000xf32>
    %reduce_sum3A_2 = vector.multi_reduction <add>, %get3A_1, %reduce_sum3A [1] : vector<1000x128xf32> to vector<1000xf32>
    %broadcast_in_dim3A = vector.shape_cast %reduce_sum3A_2 : vector<1000xf32> to vector<1000x1xf32>
    %jit3A = arith.constant 1.000000e+00 : f32
    %max3A = vector.broadcast %jit3A : f32 to vector<1000x1xf32>
    %max3A_3 = arith.maximumf %max3A, %broadcast_in_dim3A : vector<1000x1xf32>
    %div3A = vector.broadcast %max3A_3 : vector<1000x1xf32> to vector<1000x128xf32>
    %div3A_4 = arith.divf %get3A_1, %div3A : vector<1000x128xf32>
    %get3A_5 = arith.constant 0 : index
    %get3A_6 = arith.constant 0 : index
    %get3A_7 = vector.load %arg4[%get3A_5, %get3A_6] : memref<1000x1xf32, #tpu.memory_space<vmem>>, vector<1000x1xf32>
    %get3A_8 = arith.constant 0 : index
    %get3A_9 = arith.constant 0 : index
    %get3A_10 = vector.load %arg5[%get3A_8, %get3A_9] : memref<1000x1xf32, #tpu.memory_space<vmem>>, vector<1000x1xf32>
    %add3A = arith.addf %get3A_7, %get3A_10 : vector<1000x1xf32>
    %add3A_11 = arith.constant 1.000000e+00 : f32
    %add3A_12 = vector.broadcast %add3A_11 : f32 to vector<1000x1xf32>
    %add3A_13 = arith.addf %add3A, %add3A_12 : vector<1000x1xf32>
    %rsqrt3A = math.rsqrt %add3A_13 : vector<1000x1xf32>
    %get3A_14 = arith.constant 0 : index
    %get3A_15 = arith.constant 0 : index
    %get3A_16 = vector.load %arg3[%get3A_14, %get3A_15] : memref<128x128xf32, #tpu.memory_space<vmem>>, vector<128x128xf32>
    %dot_general3A = arith.constant dense<0.000000e+00> : vector<1000x128xf32>
    %dot_general3A_17 = tpu.matmul %div3A_4, %get3A_16, %dot_general3A {dimension_numbers = #tpu.dot_dimension_numbers<[1], [0], [0], [1], [0, 0, 1, 1], [], []>, precision = #tpu.contract_precision<fp32>, transpose_lhs_hint = false} : vector<1000x128xf32>, vector<128x128xf32>, vector<1000x128xf32> -> vector<1000x128xf32>
    %mul3A = vector.broadcast %rsqrt3A : vector<1000x1xf32> to vector<1000x128xf32>
    %mul3A_18 = arith.mulf %mul3A, %dot_general3A_17 : vector<1000x128xf32>
    %swap3A = arith.constant 0 : index
    %swap3A_19 = arith.constant 0 : index
    %swap3A_20 = arith.constant 0 : index
    %swap3A_21 = vector.load %arg6[%swap3A, %swap3A_19, %swap3A_20] : memref<1x1000x128xf32, #tpu.memory_space<vmem>>, vector<1x1000x128xf32>
    %swap3A_22 = vector.shape_cast %swap3A_21 : vector<1x1000x128xf32> to vector<1000x128xf32>
    %swap3A_23 = vector.shape_cast %mul3A_18 : vector<1000x128xf32> to vector<1x1000x128xf32>
    tpu.vector_store %arg6[%swap3A, %swap3A_19, %swap3A_20], %swap3A_23 {strides = array<i32>} : memref<1x1000x128xf32, #tpu.memory_space<vmem>>, vector<1x1000x128xf32>,
    return
  }
  func.func @transform_0(%arg0: i32, %arg1: i32) -> (i32, i32) {
    %c0_i32 = arith.constant 0 : i32
    %c0_i32_0 = arith.constant 0 : i32
    return %arg0, %c0_i32 : i32, i32
  }
  func.func @transform_1(%arg0: i32, %arg1: i32) -> (i32, i32) {
    %c0_i32 = arith.constant 0 : i32
    %c0_i32_0 = arith.constant 0 : i32
    return %c0_i32, %arg1 : i32, i32
  }
  func.func @transform_2(%arg0: i32, %arg1: i32) -> (i32, i32) {
    %c0_i32 = arith.constant 0 : i32
    %c0_i32_0 = arith.constant 0 : i32
    return %arg0, %c0_i32 : i32, i32
  }
  func.func @transform_3(%arg0: i32, %arg1: i32) -> (i32, i32) {
    %c0_i32 = arith.constant 0 : i32
    %c0_i32_0 = arith.constant 0 : i32
    return %arg0, %c0_i32 : i32, i32
  }
  func.func @transform_4(%arg0: i32, %arg1: i32) -> (i32, i32, i32) {
    %c0_i32 = arith.constant 0 : i32
    %c0_i32_0 = arith.constant 0 : i32
    return %arg1, %arg0, %c0_i32 : i32, i32, i32
  }
}

module attributes {stable_mosaic.version = 14 : i64} {
  func.func @_tc_mid_body(%arg0: i32, %arg1: memref<1000x128xf32, #tpu.memory_space<vmem>>, %arg2: memref<1000x128xf32, #tpu.memory_space<vmem>>, %arg3: memref<1000x128xf32, #tpu.memory_space<vmem>>, %arg4: memref<1000x128xf32, #tpu.memory_space<vmem>>, %arg5: memref<1000x1xf32, #tpu.memory_space<vmem>>, %arg6: memref<1000x1xf32, #tpu.memory_space<vmem>>, %arg7: memref<2x128xf32, #tpu.memory_space<vmem>>, %arg8: memref<1x128x128xf32, #tpu.memory_space<vmem>>, %arg9: memref<1x128x128xf32, #tpu.memory_space<vmem>>, %arg10: memref<1000x128xf32, #tpu.memory_space<vmem>>) attributes {dimension_semantics = [#tpu.dimension_semantics<arbitrary>], iteration_bounds = array<i64: 10>, scalar_prefetch = 0 : i64, scratch_operands = 0 : i64, tpu.core_type = #tpu.core_type<tc>, window_params = [{transform_indices = @transform_0, window_bounds = array<i64: 1000, 128>}, {transform_indices = @transform_1, window_bounds = array<i64: 1000, 128>}, {transform_indices = @transform_2, window_bounds = array<i64: 1000, 128>}, {transform_indices = @transform_3, window_bounds = array<i64: 1000, 128>}, {transform_indices = @transform_4, window_bounds = array<i64: 1000, 1>}, {transform_indices = @transform_5, window_bounds = array<i64: 1000, 1>}, {pipeline_mode = #tpu.pipeline_mode<synchronous>, transform_indices = @transform_6, window_bounds = array<i64: 2, 128>}, {transform_indices = @transform_7, window_bounds = array<i64: 1, 128, 128>}, {transform_indices = @transform_8, window_bounds = array<i64: 1, 128, 128>}, {transform_indices = @transform_9, window_bounds = array<i64: 1000, 128>}]} {
    %get3A = arith.constant 0 : index
    %get3A_0 = arith.constant 0 : index
    %get3A_1 = vector.load %arg5[%get3A, %get3A_0] : memref<1000x1xf32, #tpu.memory_space<vmem>>, vector<1000x1xf32>
    %get3A_2 = arith.constant 0 : index
    %get3A_3 = arith.constant 0 : index
    %get3A_4 = vector.load %arg6[%get3A_2, %get3A_3] : memref<1000x1xf32, #tpu.memory_space<vmem>>, vector<1000x1xf32>
    %add3A = arith.addf %get3A_1, %get3A_4 : vector<1000x1xf32>
    %add3A_5 = arith.constant 1.000000e+00 : f32
    %add3A_6 = vector.broadcast %add3A_5 : f32 to vector<1000x1xf32>
    %add3A_7 = arith.addf %add3A, %add3A_6 : vector<1000x1xf32>
    %rsqrt3A = math.rsqrt %add3A_7 : vector<1000x1xf32>
    %get3A_8 = arith.constant 0 : index
    %get3A_9 = arith.constant 0 : index
    %get3A_10 = vector.load %arg7[%get3A_8, %get3A_9] : memref<2x128xf32, #tpu.memory_space<vmem>>, vector<2x128xf32>
    %get3A_11 = arith.constant 0 : index
    %get3A_12 = arith.constant 0 : index
    %get3A_13 = vector.load %arg1[%get3A_11, %get3A_12] : memref<1000x128xf32, #tpu.memory_space<vmem>>, vector<1000x128xf32>
    %get3A_14 = arith.constant 0 : index
    %get3A_15 = arith.constant 0 : index
    %get3A_16 = vector.load %arg3[%get3A_14, %get3A_15] : memref<1000x128xf32, #tpu.memory_space<vmem>>, vector<1000x128xf32>
    %add3A_17 = arith.addf %get3A_13, %get3A_16 : vector<1000x128xf32>
    %mul3A = vector.broadcast %rsqrt3A : vector<1000x1xf32> to vector<1000x128xf32>
    %mul3A_18 = arith.mulf %mul3A, %add3A_17 : vector<1000x128xf32>
    %slice3A = vector.extract_strided_slice %get3A_10 {offsets = [0, 0], sizes = [1, 128], strides = [1, 1]} : vector<2x128xf32> to vector<1x128xf32>
    %add3A_19 = vector.broadcast %slice3A : vector<1x128xf32> to vector<1000x128xf32>
    %add3A_20 = arith.addf %mul3A_18, %add3A_19 : vector<1000x128xf32>
    %max3A = arith.constant 0.000000e+00 : f32
    %max3A_21 = vector.broadcast %max3A : f32 to vector<1000x128xf32>
    %max3A_22 = arith.maximumf %add3A_20, %max3A_21 : vector<1000x128xf32>
    %get3A_23 = arith.constant 0 : index
    %get3A_24 = arith.constant 0 : index
    %get3A_25 = vector.load %arg2[%get3A_23, %get3A_24] : memref<1000x128xf32, #tpu.memory_space<vmem>>, vector<1000x128xf32>
    %get3A_26 = arith.constant 0 : index
    %get3A_27 = arith.constant 0 : index
    %get3A_28 = vector.load %arg4[%get3A_26, %get3A_27] : memref<1000x128xf32, #tpu.memory_space<vmem>>, vector<1000x128xf32>
    %add3A_29 = arith.addf %get3A_25, %get3A_28 : vector<1000x128xf32>
    %mul3A_30 = vector.broadcast %rsqrt3A : vector<1000x1xf32> to vector<1000x128xf32>
    %mul3A_31 = arith.mulf %mul3A_30, %add3A_29 : vector<1000x128xf32>
    %slice3A_32 = vector.extract_strided_slice %get3A_10 {offsets = [1, 0], sizes = [1, 128], strides = [1, 1]} : vector<2x128xf32> to vector<1x128xf32>
    %add3A_33 = vector.broadcast %slice3A_32 : vector<1x128xf32> to vector<1000x128xf32>
    %add3A_34 = arith.addf %mul3A_31, %add3A_33 : vector<1000x128xf32>
    %max3A_35 = arith.constant 0.000000e+00 : f32
    %max3A_36 = vector.broadcast %max3A_35 : f32 to vector<1000x128xf32>
    %max3A_37 = arith.maximumf %add3A_34, %max3A_36 : vector<1000x128xf32>
    %get3A_38 = arith.constant 0 : index
    %get3A_39 = arith.constant 0 : index
    %get3A_40 = arith.constant 0 : index
    %get3A_41 = vector.load %arg8[%get3A_38, %get3A_39, %get3A_40] : memref<1x128x128xf32, #tpu.memory_space<vmem>>, vector<1x128x128xf32>
    %get3A_42 = vector.shape_cast %get3A_41 : vector<1x128x128xf32> to vector<128x128xf32>
    %dot_general3A = arith.constant dense<0.000000e+00> : vector<1000x128xf32>
    %dot_general3A_43 = tpu.matmul %max3A_22, %get3A_42, %dot_general3A {dimension_numbers = #tpu.dot_dimension_numbers<[1], [0], [0], [1], [0, 0, 1, 1], [], []>, precision = #tpu.contract_precision<fp32>, transpose_lhs_hint = false} : vector<1000x128xf32>, vector<128x128xf32>, vector<1000x128xf32> -> vector<1000x128xf32>
    %get3A_44 = arith.constant 0 : index
    %get3A_45 = arith.constant 0 : index
    %get3A_46 = arith.constant 0 : index
    %get3A_47 = vector.load %arg9[%get3A_44, %get3A_45, %get3A_46] : memref<1x128x128xf32, #tpu.memory_space<vmem>>, vector<1x128x128xf32>
    %get3A_48 = vector.shape_cast %get3A_47 : vector<1x128x128xf32> to vector<128x128xf32>
    %dot_general3A_49 = arith.constant dense<0.000000e+00> : vector<1000x128xf32>
    %dot_general3A_50 = tpu.matmul %max3A_37, %get3A_48, %dot_general3A_49 {dimension_numbers = #tpu.dot_dimension_numbers<[1], [0], [0], [1], [0, 0, 1, 1], [], []>, precision = #tpu.contract_precision<fp32>, transpose_lhs_hint = false} : vector<1000x128xf32>, vector<128x128xf32>, vector<1000x128xf32> -> vector<1000x128xf32>
    %add3A_51 = arith.addf %dot_general3A_43, %dot_general3A_50 : vector<1000x128xf32>
    %mul3A_52 = vector.broadcast %rsqrt3A : vector<1000x1xf32> to vector<1000x128xf32>
    %mul3A_53 = arith.mulf %mul3A_52, %add3A_51 : vector<1000x128xf32>
    %swap3A = arith.constant 0 : index
    %swap3A_54 = arith.constant 0 : index
    %swap3A_55 = vector.load %arg10[%swap3A, %swap3A_54] : memref<1000x128xf32, #tpu.memory_space<vmem>>, vector<1000x128xf32>
    tpu.vector_store %arg10[%swap3A, %swap3A_54], %mul3A_53 {strides = array<i32>} : memref<1000x128xf32, #tpu.memory_space<vmem>>, vector<1000x128xf32>,
    return
  }
  func.func @transform_0(%arg0: i32) -> (i32, i32) {
    %c0_i32 = arith.constant 0 : i32
    %c0_i32_0 = arith.constant 0 : i32
    return %arg0, %c0_i32 : i32, i32
  }
  func.func @transform_1(%arg0: i32) -> (i32, i32) {
    %add3A = arith.constant 10 : i32
    %add3A_0 = arith.addi %arg0, %add3A : i32
    %c0_i32 = arith.constant 0 : i32
    %c0_i32_1 = arith.constant 0 : i32
    return %add3A_0, %c0_i32 : i32, i32
  }
  func.func @transform_2(%arg0: i32) -> (i32, i32) {
    %c0_i32 = arith.constant 0 : i32
    %c0_i32_0 = arith.constant 0 : i32
    return %arg0, %c0_i32 : i32, i32
  }
  func.func @transform_3(%arg0: i32) -> (i32, i32) {
    %add3A = arith.constant 10 : i32
    %add3A_0 = arith.addi %arg0, %add3A : i32
    %c0_i32 = arith.constant 0 : i32
    %c0_i32_1 = arith.constant 0 : i32
    return %add3A_0, %c0_i32 : i32, i32
  }
  func.func @transform_4(%arg0: i32) -> (i32, i32) {
    %c0_i32 = arith.constant 0 : i32
    %c0_i32_0 = arith.constant 0 : i32
    return %arg0, %c0_i32 : i32, i32
  }
  func.func @transform_5(%arg0: i32) -> (i32, i32) {
    %c0_i32 = arith.constant 0 : i32
    %c0_i32_0 = arith.constant 0 : i32
    return %arg0, %c0_i32 : i32, i32
  }
  func.func @transform_6(%arg0: i32) -> (i32, i32) {
    %c0_i32 = arith.constant 0 : i32
    %c0_i32_0 = arith.constant 0 : i32
    %c0_i32_1 = arith.constant 0 : i32
    return %c0_i32, %c0_i32_0 : i32, i32
  }
  func.func @transform_7(%arg0: i32) -> (i32, i32, i32) {
    %c0_i32 = arith.constant 0 : i32
    %c0_i32_0 = arith.constant 0 : i32
    %c0_i32_1 = arith.constant 0 : i32
    %c0_i32_2 = arith.constant 0 : i32
    return %c0_i32, %c0_i32_0, %c0_i32_1 : i32, i32, i32
  }
  func.func @transform_8(%arg0: i32) -> (i32, i32, i32) {
    %c1_i32 = arith.constant 1 : i32
    %c0_i32 = arith.constant 0 : i32
    %c0_i32_0 = arith.constant 0 : i32
    %c0_i32_1 = arith.constant 0 : i32
    return %c1_i32, %c0_i32, %c0_i32_0 : i32, i32, i32
  }
  func.func @transform_9(%arg0: i32) -> (i32, i32) {
    %c0_i32 = arith.constant 0 : i32
    %c0_i32_0 = arith.constant 0 : i32
    return %arg0, %c0_i32 : i32, i32
  }
}

module attributes {stable_mosaic.version = 14 : i64} {
  func.func @_tc_final_body(%arg0: i32, %arg1: memref<1000x128xf32, #tpu.memory_space<vmem>>, %arg2: memref<1000x128xf32, #tpu.memory_space<vmem>>, %arg3: memref<1000x128xf32, #tpu.memory_space<vmem>>, %arg4: memref<1000x1xf32, #tpu.memory_space<vmem>>, %arg5: memref<1000x1xf32, #tpu.memory_space<vmem>>, %arg6: memref<1x128xf32, #tpu.memory_space<vmem>>, %arg7: memref<1000x1xf32, #tpu.memory_space<vmem>>, %arg8: memref<16x128xf32, #tpu.memory_space<vmem>>, %arg9: memref<16x128xf32, #tpu.memory_space<vmem>>, %arg10: memref<16x128xf32, #tpu.memory_space<vmem>>) attributes {dimension_semantics = [#tpu.dimension_semantics<arbitrary>], iteration_bounds = array<i64: 10>, scalar_prefetch = 0 : i64, scratch_operands = 2 : i64, tpu.core_type = #tpu.core_type<tc>, window_params = [{transform_indices = @transform_0, window_bounds = array<i64: 1000, 128>}, {transform_indices = @transform_1, window_bounds = array<i64: 1000, 128>}, {transform_indices = @transform_2, window_bounds = array<i64: 1000, 128>}, {transform_indices = @transform_3, window_bounds = array<i64: 1000, 1>}, {transform_indices = @transform_4, window_bounds = array<i64: 1000, 1>}, {pipeline_mode = #tpu.pipeline_mode<synchronous>, transform_indices = @transform_5, window_bounds = array<i64: 1, 128>}, {transform_indices = @transform_6, window_bounds = array<i64: 1000, 1>}, {pipeline_mode = #tpu.pipeline_mode<synchronous>, transform_indices = @transform_7, window_bounds = array<i64: 16, 128>}]} {
    %eq3A = arith.constant 0 : i32
    %eq3A_0 = arith.cmpi eq, %arg0, %eq3A : i32
    %convert_element_type3A = arith.extui %eq3A_0 : i1 to i32
    %cond3A = arith.constant 0 : i32
    %cond3A_1 = arith.cmpi ne, %convert_element_type3A, %cond3A : i32
    scf.if %cond3A_1 {
      %broadcast_in_dim3A_59 = arith.constant 0.000000e+00 : f32
      %broadcast_in_dim3A_60 = vector.broadcast %broadcast_in_dim3A_59 : f32 to vector<16x128xf32>
      %swap3A_61 = arith.constant 0 : index
      %swap3A_62 = arith.constant 0 : index
      %swap3A_63 = vector.load %arg9[%swap3A_61, %swap3A_62] : memref<16x128xf32, #tpu.memory_space<vmem>>, vector<16x128xf32>
      tpu.vector_store %arg9[%swap3A_61, %swap3A_62], %broadcast_in_dim3A_60 {strides = array<i32>} : memref<16x128xf32, #tpu.memory_space<vmem>>, vector<16x128xf32>,
      %broadcast_in_dim3A_64 = arith.constant 0.000000e+00 : f32
      %broadcast_in_dim3A_65 = vector.broadcast %broadcast_in_dim3A_64 : f32 to vector<16x128xf32>
      %swap3A_66 = arith.constant 0 : index
      %swap3A_67 = arith.constant 0 : index
      %swap3A_68 = vector.load %arg10[%swap3A_66, %swap3A_67] : memref<16x128xf32, #tpu.memory_space<vmem>>, vector<16x128xf32>
      tpu.vector_store %arg10[%swap3A_66, %swap3A_67], %broadcast_in_dim3A_65 {strides = array<i32>} : memref<16x128xf32, #tpu.memory_space<vmem>>, vector<16x128xf32>,
    } else {
    }
    %get3A = arith.constant 0 : index
    %get3A_2 = arith.constant 0 : index
    %get3A_3 = vector.load %arg4[%get3A, %get3A_2] : memref<1000x1xf32, #tpu.memory_space<vmem>>, vector<1000x1xf32>
    %get3A_4 = arith.constant 0 : index
    %get3A_5 = arith.constant 0 : index
    %get3A_6 = vector.load %arg5[%get3A_4, %get3A_5] : memref<1000x1xf32, #tpu.memory_space<vmem>>, vector<1000x1xf32>
    %add3A = arith.addf %get3A_3, %get3A_6 : vector<1000x1xf32>
    %add3A_7 = arith.constant 1.000000e+00 : f32
    %add3A_8 = vector.broadcast %add3A_7 : f32 to vector<1000x1xf32>
    %add3A_9 = arith.addf %add3A, %add3A_8 : vector<1000x1xf32>
    %rsqrt3A = math.rsqrt %add3A_9 : vector<1000x1xf32>
    %get3A_10 = arith.constant 0 : index
    %get3A_11 = arith.constant 0 : index
    %get3A_12 = vector.load %arg1[%get3A_10, %get3A_11] : memref<1000x128xf32, #tpu.memory_space<vmem>>, vector<1000x128xf32>
    %get3A_13 = arith.constant 0 : index
    %get3A_14 = arith.constant 0 : index
    %get3A_15 = vector.load %arg2[%get3A_13, %get3A_14] : memref<1000x128xf32, #tpu.memory_space<vmem>>, vector<1000x128xf32>
    %add3A_16 = arith.addf %get3A_12, %get3A_15 : vector<1000x128xf32>
    %get3A_17 = arith.constant 0 : index
    %get3A_18 = arith.constant 0 : index
    %get3A_19 = vector.load %arg3[%get3A_17, %get3A_18] : memref<1000x128xf32, #tpu.memory_space<vmem>>, vector<1000x128xf32>
    %add3A_20 = arith.addf %add3A_16, %get3A_19 : vector<1000x128xf32>
    %mul3A = vector.broadcast %rsqrt3A : vector<1000x1xf32> to vector<1000x128xf32>
    %mul3A_21 = arith.mulf %mul3A, %add3A_20 : vector<1000x128xf32>
    %get3A_22 = arith.constant 0 : index
    %get3A_23 = arith.constant 0 : index
    %get3A_24 = vector.load %arg6[%get3A_22, %get3A_23] : memref<1x128xf32, #tpu.memory_space<vmem>>, vector<1x128xf32>
    %add3A_25 = vector.broadcast %get3A_24 : vector<1x128xf32> to vector<1000x128xf32>
    %add3A_26 = arith.addf %mul3A_21, %add3A_25 : vector<1000x128xf32>
    %max3A = arith.constant 0.000000e+00 : f32
    %max3A_27 = vector.broadcast %max3A : f32 to vector<1000x128xf32>
    %max3A_28 = arith.maximumf %add3A_26, %max3A_27 : vector<1000x128xf32>
    %iota3A = tpu.iota {dimensions = array<i32: 1>} : vector<1000x16xi32>
    %convert_element_type3A_29 = arith.sitofp %iota3A : vector<1000x16xi32> to vector<1000x16xf32>
    %get3A_30 = arith.constant 0 : index
    %get3A_31 = arith.constant 0 : index
    %get3A_32 = vector.load %arg7[%get3A_30, %get3A_31] : memref<1000x1xf32, #tpu.memory_space<vmem>>, vector<1000x1xf32>
    %eq3A_33 = vector.broadcast %get3A_32 : vector<1000x1xf32> to vector<1000x16xf32>
    %eq3A_34 = arith.cmpf oeq, %eq3A_33, %convert_element_type3A_29 : vector<1000x16xf32>
    %jit3A = arith.constant 1.000000e+00 : f32
    %jit3A_35 = arith.constant 0.000000e+00 : f32
    %broadcast_in_dim3A = vector.broadcast %jit3A : f32 to vector<1000x16xf32>
    %broadcast_in_dim3A_36 = vector.broadcast %jit3A_35 : f32 to vector<1000x16xf32>
    %select_n3A = arith.select %eq3A_34, %broadcast_in_dim3A, %broadcast_in_dim3A_36 : vector<1000x16xi1>, vector<1000x16xf32>
    %get3A_37 = arith.constant 0 : index
    %get3A_38 = arith.constant 0 : index
    %get3A_39 = vector.load %arg9[%get3A_37, %get3A_38] : memref<16x128xf32, #tpu.memory_space<vmem>>, vector<16x128xf32>
    %dot_general3A = arith.constant dense<0.000000e+00> : vector<16x128xf32>
    %dot_general3A_40 = tpu.matmul %select_n3A, %max3A_28, %dot_general3A {dimension_numbers = #tpu.dot_dimension_numbers<[0], [0], [1], [1], [0, 1, 1, 1], [], []>, precision = #tpu.contract_precision<fp32>, transpose_lhs_hint = false} : vector<1000x16xf32>, vector<1000x128xf32>, vector<16x128xf32> -> vector<16x128xf32>
    %add3A_41 = arith.addf %get3A_39, %dot_general3A_40 : vector<16x128xf32>
    %swap3A = arith.constant 0 : index
    %swap3A_42 = arith.constant 0 : index
    %swap3A_43 = vector.load %arg9[%swap3A, %swap3A_42] : memref<16x128xf32, #tpu.memory_space<vmem>>, vector<16x128xf32>
    tpu.vector_store %arg9[%swap3A, %swap3A_42], %add3A_41 {strides = array<i32>} : memref<16x128xf32, #tpu.memory_space<vmem>>, vector<16x128xf32>,
    %get3A_44 = arith.constant 0 : index
    %get3A_45 = arith.constant 0 : index
    %get3A_46 = vector.load %arg10[%get3A_44, %get3A_45] : memref<16x128xf32, #tpu.memory_space<vmem>>, vector<16x128xf32>
    %reduce_sum3A = arith.constant dense<0.000000e+00> : vector<16xf32>
    %reduce_sum3A_47 = vector.multi_reduction <add>, %select_n3A, %reduce_sum3A [0] : vector<1000x16xf32> to vector<16xf32>
    %broadcast_in_dim3A_48 = vector.shape_cast %reduce_sum3A_47 : vector<16xf32> to vector<16x1xf32>
    %add3A_49 = vector.broadcast %broadcast_in_dim3A_48 : vector<16x1xf32> to vector<16x128xf32>
    %add3A_50 = arith.addf %get3A_46, %add3A_49 : vector<16x128xf32>
    %swap3A_51 = arith.constant 0 : index
    %swap3A_52 = arith.constant 0 : index
    %swap3A_53 = vector.load %arg10[%swap3A_51, %swap3A_52] : memref<16x128xf32, #tpu.memory_space<vmem>>, vector<16x128xf32>
    tpu.vector_store %arg10[%swap3A_51, %swap3A_52], %add3A_50 {strides = array<i32>} : memref<16x128xf32, #tpu.memory_space<vmem>>, vector<16x128xf32>,
    %eq3A_54 = arith.constant 9 : i32
    %eq3A_55 = arith.cmpi eq, %arg0, %eq3A_54 : i32
    %convert_element_type3A_56 = arith.extui %eq3A_55 : i1 to i32
    %cond3A_57 = arith.constant 0 : i32
    %cond3A_58 = arith.cmpi ne, %convert_element_type3A_56, %cond3A_57 : i32
    scf.if %cond3A_58 {
      %get3A_59 = arith.constant 0 : index
      %get3A_60 = arith.constant 0 : index
      %get3A_61 = vector.load %arg9[%get3A_59, %get3A_60] : memref<16x128xf32, #tpu.memory_space<vmem>>, vector<16x128xf32>
      %get3A_62 = arith.constant 0 : index
      %get3A_63 = arith.constant 0 : index
      %get3A_64 = vector.load %arg10[%get3A_62, %get3A_63] : memref<16x128xf32, #tpu.memory_space<vmem>>, vector<16x128xf32>
      %jit3A_65 = arith.constant 1.000000e+00 : f32
      %max3A_66 = vector.broadcast %jit3A_65 : f32 to vector<16x128xf32>
      %max3A_67 = arith.maximumf %max3A_66, %get3A_64 : vector<16x128xf32>
      %div3A = arith.divf %get3A_61, %max3A_67 : vector<16x128xf32>
      %swap3A_68 = arith.constant 0 : index
      %swap3A_69 = arith.constant 0 : index
      %swap3A_70 = vector.load %arg8[%swap3A_68, %swap3A_69] : memref<16x128xf32, #tpu.memory_space<vmem>>, vector<16x128xf32>
      tpu.vector_store %arg8[%swap3A_68, %swap3A_69], %div3A {strides = array<i32>} : memref<16x128xf32, #tpu.memory_space<vmem>>, vector<16x128xf32>,
    } else {
    }
    return
  }
  func.func @transform_0(%arg0: i32) -> (i32, i32) {
    %c0_i32 = arith.constant 0 : i32
    %c0_i32_0 = arith.constant 0 : i32
    return %arg0, %c0_i32 : i32, i32
  }
  func.func @transform_1(%arg0: i32) -> (i32, i32) {
    %add3A = arith.constant 10 : i32
    %add3A_0 = arith.addi %arg0, %add3A : i32
    %c0_i32 = arith.constant 0 : i32
    %c0_i32_1 = arith.constant 0 : i32
    return %add3A_0, %c0_i32 : i32, i32
  }
  func.func @transform_2(%arg0: i32) -> (i32, i32) {
    %c0_i32 = arith.constant 0 : i32
    %c0_i32_0 = arith.constant 0 : i32
    return %arg0, %c0_i32 : i32, i32
  }
  func.func @transform_3(%arg0: i32) -> (i32, i32) {
    %c0_i32 = arith.constant 0 : i32
    %c0_i32_0 = arith.constant 0 : i32
    return %arg0, %c0_i32 : i32, i32
  }
  func.func @transform_4(%arg0: i32) -> (i32, i32) {
    %c0_i32 = arith.constant 0 : i32
    %c0_i32_0 = arith.constant 0 : i32
    return %arg0, %c0_i32 : i32, i32
  }
  func.func @transform_5(%arg0: i32) -> (i32, i32) {
    %c0_i32 = arith.constant 0 : i32
    %c0_i32_0 = arith.constant 0 : i32
    %c0_i32_1 = arith.constant 0 : i32
    return %c0_i32, %c0_i32_0 : i32, i32
  }
  func.func @transform_6(%arg0: i32) -> (i32, i32) {
    %c0_i32 = arith.constant 0 : i32
    %c0_i32_0 = arith.constant 0 : i32
    return %arg0, %c0_i32 : i32, i32
  }
  func.func @transform_7(%arg0: i32) -> (i32, i32) {
    %c0_i32 = arith.constant 0 : i32
    %c0_i32_0 = arith.constant 0 : i32
    %c0_i32_1 = arith.constant 0 : i32
    return %c0_i32, %c0_i32_0 : i32, i32
  }
}

</mosaic_0001>

<sc_bundles>
// kernel: kernel.11.cloned.1.call-start
scs
__scs_entry_jumppad:
0x0: {  	(pc) =	sbr.rel $0x88, $3  }
0x1: {  	(tag) =	ssettag $0x0;
	lr =	simm.s32 $0x1  }
0x2: {  	[smem:$0x3F9A] =	sst lr;
	_ =	strace $0xD0000000  }
0x3: {  	_ = 	snop  }
0x4: {  	_ = 	snop  }
0x5: {  	_ = 	snop  }
0x6: {  	_ = 	snop  }
0x7: {  	_ = 	snop  }
__scs_overlays_trampoline_lowered:
0x8: {  	[smem:$0x3FA9] =	sst s0  }
0x9: {  	[smem:$0x3FAA] =	sst s1  }
0xa: {  	[smem:$0x3FAB] =	sst s2  }
0xb: {  	[smem:$0x3FAC] =	sst s3  }
0xc: {  	[smem:$0x3FAD] =	sst s4  }
0xd: {  	[smem:$0x3FAE] =	sst s5  }
0xe: {  	[smem:$0x3FAF] =	sst s6  }
0xf: {  	[smem:$0x3FB0] =	sst s7  }
0x10: {  	[smem:$0x3FB1] =	sst s8  }
0x11: {  	[smem:$0x3FB2] =	sst s9;
	s0 =	simm.s32 @!p0 $0x0  }
0x12: {  	s1 =	sld [smem:$0x3F98];
	s0 =	simm.s32 @p0 $0x1  }
0x13: {  	[smem:$0x3FB3] =	sst s0;
	s0 =	simm.s32 @!p1 $0x0  }
0x14: {  	s2 =	sld [smem:$0x3F97];
	s0 =	simm.s32 @p1 $0x1  }
0x15: {  	[smem:$0x3FB4] =	sst s0;
	s0 =	simm.s32 @!p2 $0x0  }
0x16: {  	s3 =	sld [smem:$0x3FDB];
	s0 =	simm.s32 @p2 $0x1  }
0x17: {  	s4 =	simm.s32 $0x1BF5;
	[smem:$0x3FB6] =	sst s0  }
0x18: {  	s0 =	sld [smem:$0x3F99];
	_ =	swait.ge [sflag:s4], $0x0  }
0x19: {  	s7 =	sld [smem:$0x3F9A]  }
0x1a: {  	s8 =	sadd.s32 $0xFFFFE003, lr  }
0x1b: {  	s9 =	sadd.s32 $0xFFFFFEF7, lr;
	s5 =	simm.s32 $0xFFFFFFFF;
	p2 =	slt.u32 s8, $0xFFFFF086  }
0x1c: {  	p1 =	slt.u32 s9, $0xF7A;
	s5 =	simm.s32 @!p2 $0x0  }
0x1d: {  	s5 =	simm.s32 @p1 $0x1;
	p0 =	seq.s32 s7, s2  }
0x1e: {  	s7 =	smul.u32 @!p0 $0xF7A, s2;
	p2 =	seq.s32 @!p0 s5, $0x0  }
0x1f: {  	s9 =	smul.u32 $0xF7A, s1;
	s8 =	simm.s32 @!p0 $0x1BF5;
	p2 =	por !p2, p0  }
0x20: {  	[sflag:s8] =	ssyncset.s32 @!p0 $0xFFFFF086;
	s6 =	sadd.s32 @!p0 s3, s7;
	s7 =	simm.s32 @!p0 $0x108  }
0x21: {  	s3 =	sadd.s32 s3, s9;
	s6 =	sadd.s32 @!p0 $0x88, s6;
	s7 =	simm.s32 @p2 $0x1082  }
0x22: {  	[simem:s7], [sflag:s8] =	dma.local @!p0 [hbm:s6], $0xF7A  }
0x23: {  	s9 =	sor.u32 $0xD0000000, s2;
	s6 =	simm.s32 $0x108;
	_ =	swait.ge @!p0 [sflag:s8], $0x0  }
0x24: {  	s3 =	sadd.s32 $0x88, s3;
	s6 =	simm.s32 @!p1 $0x1082;
	[sflag:s4] =	ssyncset.s32 $0xFFFFF086  }
0x25: {  	[simem:s6], [sflag:s4] =	dma.local [hbm:s3], $0xF7A  }
0x26: {  	[smem:$0x3F9A] =	sst s1;
	(tag) =	ssettag s2;
	_ =	strace s9  }
0x27: {  	s1 =	sld [smem:$0x3FAA]  }
0x28: {  	s2 =	sld [smem:$0x3FAB]  }
0x29: {  	s4 =	sld [smem:$0x3FAD]  }
0x2a: {  	p0 =	seq.s32 s5, $0x0;
	s5 =	sld [smem:$0x3FAE]  }
0x2b: {  	s6 =	sld [smem:$0x3FAF]  }
0x2c: {  	s7 =	sld [smem:$0x3FB0]  }
0x2d: {  	s3 =	simm.s32 $0x108;
	s8 =	sld [smem:$0x3FB1]  }
0x2e: {  	s3 =	simm.s32 @!p0 $0x1082;
	s9 =	sld [smem:$0x3FB2]  }
0x2f: {  	lr =	sadd.s32 s0, s3;
	s0 =	sld [smem:$0x3FA9]  }
0x30: {  	s3 =	sld [smem:$0x3FAC]  }
0x31: {  	[smem:$0x3FB5] =	sst s10  }
0x32: {  	s10 =	sld [smem:$0x3FB3];
	_ =	sdelay $0x3  }
0x33: {  	p0 =	seq.s32 s10, $0x1;
	s10 =	sld [smem:$0x3FB5];
	_ =	sdelay $0x3  }
0x34: {  	[smem:$0x3FB5] =	sst s10  }
0x35: {  	s10 =	sld [smem:$0x3FB4];
	_ =	sdelay $0x3  }
0x36: {  	p1 =	seq.s32 s10, $0x1;
	s10 =	sld [smem:$0x3FB5];
	_ =	sdelay $0x3  }
0x37: {  	[smem:$0x3FB5] =	sst s10  }
0x38: {  	s10 =	sld [smem:$0x3FB6]  }
0x39: {  	_ = 	snop;
	(pc) =	sbr.ind lr, $3  }
0x3a: {  	_ = 	snop  }
0x3b: {  	_ = 	snop  }
0x3c: {  	p2 =	seq.s32 s10, $0x1;
	s10 =	sld [smem:$0x3FB5]  }
0x3d: {  	_ =	shalt  }
0x3e: {  	_ =	shalt  }
0x3f: {  	_ =	shalt  }
0x40: {  	_ =	shalt  }
0x41: {  	_ =	shalt  }
0x42: {  	_ =	shalt  }
0x43: {  	_ =	shalt  }
0x44: {  	_ =	shalt  }
0x45: {  	_ =	shalt  }
0x46: {  	_ =	shalt  }
0x47: {  	_ =	shalt  }
0x48: {  	_ =	shalt  }
0x49: {  	_ =	shalt  }
0x4a: {  	_ =	shalt  }
0x4b: {  	_ =	shalt  }
0x4c: {  	_ =	shalt  }
0x4d: {  	_ =	shalt  }
0x4e: {  	_ =	shalt  }
0x4f: {  	_ =	shalt  }
0x50: {  	_ =	shalt  }
0x51: {  	_ =	shalt  }
0x52: {  	_ =	shalt  }
0x53: {  	_ =	shalt  }
0x54: {  	_ =	shalt  }
0x55: {  	_ =	shalt  }
0x56: {  	_ =	shalt  }
0x57: {  	_ =	shalt  }
0x58: {  	_ =	shalt  }
0x59: {  	_ =	shalt  }
0x5a: {  	_ =	shalt  }
0x5b: {  	_ =	shalt  }
0x5c: {  	_ =	shalt  }
0x5d: {  	_ =	shalt  }
0x5e: {  	_ =	shalt  }
0x5f: {  	_ =	shalt  }
0x60: {  	_ =	shalt  }
0x61: {  	_ =	shalt  }
0x62: {  	_ =	shalt  }
0x63: {  	_ =	shalt  }
0x64: {  	_ =	shalt  }
0x65: {  	_ =	shalt  }
0x66: {  	_ =	shalt  }
0x67: {  	_ =	shalt  }
0x68: {  	_ =	shalt  }
0x69: {  	_ =	shalt  }
0x6a: {  	_ =	shalt  }
0x6b: {  	_ =	shalt  }
0x6c: {  	_ =	shalt  }
0x6d: {  	_ =	shalt  }
0x6e: {  	_ =	shalt  }
0x6f: {  	_ =	shalt  }
0x70: {  	_ =	shalt  }
0x71: {  	_ =	shalt  }
0x72: {  	_ =	shalt  }
0x73: {  	_ =	shalt  }
0x74: {  	_ =	shalt  }
0x75: {  	_ =	shalt  }
0x76: {  	_ =	shalt  }
0x77: {  	_ =	shalt  }
0x78: {  	_ =	shalt  }
0x79: {  	_ =	shalt  }
0x7a: {  	_ =	shalt  }
0x7b: {  	_ =	shalt  }
0x7c: {  	_ =	shalt  }
0x7d: {  	_ =	shalt  }
0x7e: {  	_ =	shalt  }
0x7f: {  	_ =	shalt  }
0x80: {  	_ =	shalt  }
0x81: {  	_ =	shalt  }
0x82: {  	_ =	shalt  }
0x83: {  	_ =	shalt  }
0x84: {  	_ =	shalt  }
0x85: {  	_ =	shalt  }
0x86: {  	_ =	shalt  }
0x87: {  	_ =	shalt  }
.Lfunc_end0:
.L_simem_size_0:
called_computation.1_lowered:
.L_overlay_start_0:
0x88: {  	s2 =	sld [smem:$0x3FD9]  }
0x89: {  	s3 =	sld [smem:$0x3FFE];
	_ =	sdelay $0x1  }
0x8a: {  	s1 =	srdreg.scid  }
0x8b: {  	s0 =	sand.u32 $0x1, s1  }
0x8c: {  	s16 =	sshll.u32 s0, $0xA;
	s2 =	sadd.s32 s3, s2  }
0x8d: {  	s2 =	sadd.s32 s2, s16  }
0x8e: {  	[smem:$0x3FC1] =	sst s2  }
0x8f: {  	_ = 	snop  }
0x90: {  	(tm) =	ssettm $0x1  }
0x91: {  	s17 =	sld [smem:$0x3FFB];
	_ =	sdelay $0x3  }
0x92: {  	_ =	strace s17  }
0x93: {  	s2 =	sld [smem:$0x3FFC];
	_ =	sdelay $0x3  }
0x94: {  	_ =	strace s2  }
0x95: {  	s2 =	sld [smem:$0x3FFD];
	_ =	sdelay $0x3  }
0x96: {  	_ =	strace s2  }
0x97: {  	_ =	strace $0x8FFFFFFF  }
0x98: {  	s18 =	sld [smem:$0x3FDB];
	_ =	sdelay $0x1  }
0x99: {  	s19 =	simm.s32 $_scs_section_size  }
0x9a: {  	s4 =	simm.s32 $_size__tile_overlayer_lowered;
	s5 =	simm.s32 $_tile_overlayer_lowered  }
0x9b: {  	s22 =	simm.s32 $0x1BFF;
	s21 =	sshll.u32 s5, $0x1;
	s2 =	sadd.s32 s19, s18  }
0x9c: {  	s6 =	simm.s32 $0x0;
	s20 =	sshll.u32 s4, $0x1;
	s4 =	sadd.s32 s21, s2  }
0x9d: {  	[timem:s6], [sflag:s22] =	dma.local [hbm:s4], s20  }
0x9e: {  	_ =	swait.ge [sflag:s22], s20  }
0x9f: {  	s3 =	ssub.s32 $0x0, s20;
	[sflag:s22] =	ssyncset.done $0x0  }
0xa0: {  	[sflag:s22] =	ssyncadd.s32 s3;
	_ =	sdelay $0x1  }
0xa1: {  	s23 =	simm.s32 $0x1B8B  }
0xa2: {  	_ =	swait.ge [sflag:s23], $0x1  }
0xa3: {  	[sflag:s23] =	ssyncset.done $0x0  }
0xa4: {  	s25 =	simm.s32 $0x1B8E;
	s24 =	sld [smem:$0x3FFE];
	[sflag:s23] =	ssyncadd.s32 $0xFFFFFFFF  }
0xa5: {  	s26 =	simm.s32 $execute0_lowered;
	[smem:$0x3FD2] =	sst s25  }
0xa6: {  	s4 =	sshll.u32 s26, $0x1;
	_ =	strace $0x80000049;
	[dreg:$0x1] =	wrdreg $0xFFFFFFFF  }
0xa7: {  	s28 =	simm.s32 $_size_execute0_lowered;
	s2 =	sadd.s32 s2, s4;
	[dreg:$0x0] =	wrdreg $0x0  }
0xa8: {  	s4 =	sshll.u32 s28, $0x1;
	[dreg:$0x2] =	wrdreg s2  }
0xa9: {  	[dreg:$0x3] =	wrdreg s4  }
0xaa: {  	[dreg:$0x4] =	wrdreg $0xC0  }
0xab: {  	_ =	task [dreg:s6], $0x5FFFF  }
0xac: {  	[dreg:$0x1] =	wrdreg $0xFFFFFFFF  }
0xad: {  	[dreg:$0x0] =	wrdreg $0x60  }
0xae: {  	[dreg:$0x2] =	wrdreg s24  }
0xaf: {  	[dreg:$0x3] =	wrdreg $0xC4000  }
0xb0: {  	[dreg:$0x4] =	wrdreg $0x9  }
0xb1: {  	_ =	task.clear_ibuf [dreg:s6], $0x5FFFF;
	_ =	strace $0x90000049  }
0xb2: {  	s29 =	simm.s32 $0x9;
	_ =	strace $0x8000004B  }
0xb3: {  	_ =	swait.ge [sflag:s29], $0x1  }
0xb4: {  	[sflag:s29] =	ssyncadd.s32 $0xFFFFFFFF  }
0xb5: {  	_ =	strace $0x9000004B  }
0xb6: {  	_ =	sfence  }
0xb7: {  	s30 =	sld [smem:$0x0];
	_ =	sdelay $0x2  }
0xb8: {  	s31 =	sshll.u32 s1, $0xD;
	s1 =	sshrl.u32 s1, $0x2  }
0xb9: {  	s3 =	sand.u32 $0x4000, s31;
	s1 =	sadd.s32 s1, s30  }
0xba: {  	s0 =	sor.u32 s3, s0;
	s1 =	sshll.u32 s1, $0x11  }
0xbb: {  	s0 =	sor.u32 s1, s0  }
0xbc: {  	s0 =	sadd.s32 $0x8F2B, s0  }
0xbd: {  	[sflag:s0] =	ssyncadd.remote.s32 $0x1  }
0xbe: {  	_ =	sfence.sel $0xFFFF  }
0xbf: {  	[dreg:$0x0] =	wrdreg $0xFFFFFFFF;
	(pc) =	sbr.abs _section_cstart, $3  }
0xc0: {  	[dreg:$0x1] =	wrdreg $0xFFFFFFFF  }
0xc1: {  	_ =	task.clear_ibuf [dreg:s6], $0x2FFFF;
	_ =	strace $0x9FFFFFFF  }
0xc2: {  	(tm) =	ssettm $0x7FFFFFFF  }
0xc3: {  	_ =	shalt  }
tec
execute0_lowered:
.L_overlay_start_1:
0x0: {  	(tag) =	ssettag $0x1  }
0x1: {  	s0 =	rddreg [dreg:$0x0]  }
0x2: {  	s1 =	rddreg [dreg:$0x1];
	s2 =	simm.s32 $0x0;
	s3 =	srdreg.scid  }
0x3: {  	s9 =	stileid.u32;
	s12 =	simm.s32 $0xC000;
	s13 =	simm.s32 $0x9  }
0x4: {  	s14 =	simm.s32 $0x1000;
	s15 =	simm.s32 $0x50;
	s16 =	simm.s32 $0x2000  }
0x5: {  	s22 =	simm.s32 $0x9800;
	s23 =	simm.s32 $0x1;
	s24 =	simm.s32 $0x2  }
0x6: {  	s29 =	simm.s32 $0x4;
	s31 =	simm.s32 $0x5;
	s28 =	simm.s32 $0x1B00  }
0x7: {  	s30 =	simm.s32 $0x1B80;
	[smem:$0x7FF] =	sst s2;
	s8 =	sand.u32 $0x1, s3  }
0x8: {  	s3 =	sadd.s32 $0x34400, s0;
	s7 =	smul.u32 $0x4E000, s9;
	s4 =	sadd.s32 $0x20400, s0  }
0x9: {  	s5 =	sadd.s32 $0xC400, s0;
	s19 =	sadd.s32 $0x138000, s1;
	s20 =	sadd.s32 $0x138400, s1  }
0xa: {  	p0 =	sne.s32 s9, $0xF;
	p1 =	sne.s32 s9, $0x0;
	s6 =	smul.u32 $0x27100, s8  }
0xb: {  	_ =	strace $0x8000004A;
	s10 =	ssub.s32 $0x2, s8;
	[dreg:$0x3] =	wrdreg s19  }
0xc: {  	[dreg:$0x4] =	wrdreg s20;
	s21 =	smul.u32 $0x2710, s8;
	s20 =	simm.s32 $0x7000  }
0xd: {  	s8 =	simm.s32 $0x6;
	s17 =	sshrl.u32 s10, $0x1;
	s18 =	sshrl.u32 s7, $0x2  }
0xe: {  	s7 =	smul.u32 $0xA000, s9;
	s9 =	simm.s32 $0x1C00;
	s11 =	sadd.s32 s6, s0  }
0xf: {  	s10 =	ssub.s32 s10, s17;
	s6 =	sadd.s32 s18, s1;
	s18 =	simm.s32 $0x4800  }
0x10: {  	s17 =	simm.s32 $0x8;
	s0 =	simm.s32 $0xC00;
	s25 =	sadd.s32 $0x82600, s11  }
0x11: {  	v0 =	vmov s21;
	s21 =	simm.s32 $0x0;
	s26 =	smax.u32 s10, $0x1;
	[dreg:$0x5] =	wrdreg s25  }
0x12: {  	v1 =	vimm.f32 $0.0e+00;
	s10 =	simm.s32 $0x7;
	[dreg:$0x6] =	wrdreg s26;
	s26 =	simm.s32 $0x3  }
.LBB2_1:
0x13: {  	[tilespmem:$0xC000] =	vst v1  }
0x14: {  	[tilespmem:$0xC010] =	vst v1  }
0x15: {  	[tilespmem:$0xC020] =	vst v1  }
0x16: {  	[tilespmem:$0xC030] =	vst v1  }
0x17: {  	[tilespmem:$0xC040] =	vst v1  }
0x18: {  	[tilespmem:$0xC050] =	vst v1  }
0x19: {  	[tilespmem:$0xC060] =	vst v1  }
0x1a: {  	[tilespmem:$0xC070] =	vst v1  }
0x1b: {  	[tilespmem:$0xC080] =	vst v1  }
0x1c: {  	[tilespmem:$0xC090] =	vst v1  }
0x1d: {  	[tilespmem:$0xC0A0] =	vst v1  }
0x1e: {  	[tilespmem:$0xC0B0] =	vst v1  }
0x1f: {  	[tilespmem:$0xC0C0] =	vst v1  }
0x20: {  	[tilespmem:$0xC0D0] =	vst v1  }
0x21: {  	[tilespmem:$0xC0E0] =	vst v1  }
0x22: {  	[tilespmem:$0xC0F0] =	vst v1  }
0x23: {  	[tilespmem:$0xC100] =	vst v1  }
0x24: {  	[tilespmem:$0xC110] =	vst v1  }
0x25: {  	[tilespmem:$0xC120] =	vst v1  }
0x26: {  	[tilespmem:$0xC130] =	vst v1  }
0x27: {  	[tilespmem:$0xC140] =	vst v1  }
0x28: {  	[tilespmem:$0xC150] =	vst v1  }
0x29: {  	[tilespmem:$0xC160] =	vst v1  }
0x2a: {  	[tilespmem:$0xC170] =	vst v1  }
0x2b: {  	[tilespmem:$0xC180] =	vst v1  }
0x2c: {  	[tilespmem:$0xC190] =	vst v1  }
0x2d: {  	[tilespmem:$0xC1A0] =	vst v1  }
0x2e: {  	[tilespmem:$0xC1B0] =	vst v1  }
0x2f: {  	[tilespmem:$0xC1C0] =	vst v1  }
0x30: {  	[tilespmem:$0xC1D0] =	vst v1  }
0x31: {  	[tilespmem:$0xC1E0] =	vst v1  }
0x32: {  	[tilespmem:$0xC1F0] =	vst v1  }
0x33: {  	[tilespmem:$0xC200] =	vst v1  }
0x34: {  	[tilespmem:$0xC210] =	vst v1  }
0x35: {  	[tilespmem:$0xC220] =	vst v1  }
0x36: {  	[tilespmem:$0xC230] =	vst v1  }
0x37: {  	[tilespmem:$0xC240] =	vst v1  }
0x38: {  	[tilespmem:$0xC250] =	vst v1  }
0x39: {  	[tilespmem:$0xC260] =	vst v1  }
0x3a: {  	[tilespmem:$0xC270] =	vst v1  }
0x3b: {  	[tilespmem:$0xC280] =	vst v1  }
0x3c: {  	[tilespmem:$0xC290] =	vst v1  }
0x3d: {  	[tilespmem:$0xC2A0] =	vst v1  }
0x3e: {  	[tilespmem:$0xC2B0] =	vst v1  }
0x3f: {  	[tilespmem:$0xC2C0] =	vst v1  }
0x40: {  	[tilespmem:$0xC2D0] =	vst v1  }
0x41: {  	[tilespmem:$0xC2E0] =	vst v1  }
0x42: {  	[tilespmem:$0xC2F0] =	vst v1  }
0x43: {  	[tilespmem:$0xC300] =	vst v1  }
0x44: {  	[tilespmem:$0xC310] =	vst v1  }
0x45: {  	[tilespmem:$0xC320] =	vst v1  }
0x46: {  	[tilespmem:$0xC330] =	vst v1  }
0x47: {  	[tilespmem:$0xC340] =	vst v1  }
0x48: {  	[tilespmem:$0xC350] =	vst v1  }
0x49: {  	[tilespmem:$0xC360] =	vst v1  }
0x4a: {  	[tilespmem:$0xC370] =	vst v1  }
0x4b: {  	[tilespmem:$0xC380] =	vst v1  }
0x4c: {  	[tilespmem:$0xC390] =	vst v1  }
0x4d: {  	[tilespmem:$0xC3A0] =	vst v1  }
0x4e: {  	[tilespmem:$0xC3B0] =	vst v1  }
0x4f: {  	[tilespmem:$0xC3C0] =	vst v1  }
0x50: {  	[tilespmem:$0xC3D0] =	vst v1  }
0x51: {  	[tilespmem:$0xC3E0] =	vst v1  }
0x52: {  	[dreg:$0x7] =	wrdreg s21;
	[tilespmem:$0xC3F0] =	vst v1;
	s11 =	sadd.s32 $0x0, s6  }
0x53: {  	[spmem:s11] =	stream.linear.scatter [tilespmem:s12], [sflag:$0x9], $0x400, $0x38;
	[tilespmem:$0x1FC80] =	vst v63  }
0x54: {  	s11 =	simm.s32 $0x1000;
	_ =	swait.ge [sflag:s13], $0x400  }
.LBB2_2:
0x55: {  	s19 =	sshra.s32 s11, $0x2;
	[sflag:s13] =	ssyncset.done $0x0;
	p2 =	sne.s32 s11, $0x4D000  }
.Ltmp0:
0x56: {  	s19 =	sadd.s32 s19, s6;
	[sflag:s13] =	ssyncadd.s32 $0xFFFFFC00;
	(pc) =	sbr.rel @p2 .LBB2_2-.Ltmp0, $3  }
0x57: {  	[spmem:s19] =	stream.linear.scatter [tilespmem:s12], [sflag:$0x9], $0x400, $0x38;
	[tilespmem:$0x1FC80] =	vst v63  }
0x58: {  	s11 =	sadd.s32 $0x1000, s11;
	_ =	sdelay $0x1  }
0x59: {  	_ =	swait.ge [sflag:s13], $0x400  }
0x5a: {  	[sflag:s13] =	ssyncset.done $0x0  }
0x5b: {  	s11 =	simm.s32 @!p0 $0xC000;
	s19 =	rddreg [dreg:$0x3];
	[sflag:s13] =	ssyncadd.s32 $0xFFFFFC00  }
0x5c: {  	[spmem:s19] =	stream.linear.scatter @!p0 [tilespmem:s11], [sflag:$0x9], $0x400, $0x38;
	[tilespmem:$0x1FC80] =	vst v63  }
0x5d: {  	s19 =	simm.s32 @!p0 $0x9  }
0x5e: {  	_ =	swait.ge @!p0 [sflag:s19], $0x400  }
0x5f: {  	[sflag:s19] =	ssyncset.done @!p0 $0x0  }
0x60: {  	s21 =	rddreg [dreg:$0x4];
	[sflag:s19] =	ssyncadd.s32 @!p0 $0xFFFFFC00  }
0x61: {  	[spmem:s21] =	stream.linear.scatter @!p0 [tilespmem:s11], [sflag:$0x9], $0x400, $0x38;
	[tilespmem:$0x1FC80] =	vst v63  }
0x62: {  	_ =	swait.ge @!p0 [sflag:s19], $0x400  }
0x63: {  	[sflag:s19] =	ssyncset.done @!p0 $0x0  }
0x64: {  	[sflag:s19] =	ssyncadd.s32 @!p0 $0xFFFFFC00  }
0x65: {  	s11 =	simm.s32 $0x0;
	[bflag:$0x0] =	sbarrier.arrive $0xFFFF  }
.LBB2_4:
0x66: {  	s19 =	sshll.u32 s11, $0xC  }
0x67: {  	s19 =	sadd.s32 s7, s19  }
0x68: {  	s19 =	sshrl.u32 s19, $0x3  }
0x69: {  	s21 =	sadd.s32 s4, s19  }
0x6a: {  	[tilespmem:s2], [sflag:$0x9] =	stream.linear.gather [hbm4b:s21+s2], $0xC80, $0x38;
	[tilespmem:$0x1FC80] =	vst v63  }
0x6b: {  	_ =	swait.ge [sflag:s13], $0xC80  }
0x6c: {  	[sflag:s13] =	ssyncset.done $0x0  }
0x6d: {  	s19 =	sadd.s32 s5, s19;
	[sflag:s13] =	ssyncadd.s32 $0xFFFFF380  }
0x6e: {  	[tilespmem:s14], [sflag:$0x9] =	stream.linear.gather [hbm4b:s19+s2], $0xC80, $0x38;
	[tilespmem:$0x1FC80] =	vst v63  }
0x6f: {  	_ =	swait.ge [sflag:s13], $0xC80  }
0x70: {  	[sflag:s13] =	ssyncset.done $0x0  }
0x71: {  	s19 =	simm.s32 $0x40;
	[sflag:s13] =	ssyncadd.s32 $0xFFFFF380  }
0x72: {  	v2 =	vld [tilespmem:s19+$0xFFFFFFC0]  }
0x73: {  	v3 =	vld [tilespmem:s19+$0xFFFFFFD0]  }
0x74: {  	v4 =	vld [tilespmem:s19+$0xFFFFFFE0]  }
0x75: {  	v5 =	vld [tilespmem:s19+$0x0]  }
0x76: {  	v6 =	vld [tilespmem:s19+$0xFFFFFFF0]  }
0x77: {  	v2 =	vadd.s32 v0, v2  }
0x78: {  	s21 =	simm.s32 $0xC0;
	v3 =	vadd.s32 v0, v3;
	[tilespmem:s19+$0xFFFFFFC0] =	vst v2  }
0x79: {  	v4 =	vadd.s32 v0, v4;
	v2 =	vld [tilespmem:s21+$0xFFFFFFC0];
	[tilespmem:s19+$0xFFFFFFD0] =	vst v3  }
0x7a: {  	v7 =	vadd.s32 v0, v5;
	v3 =	vld [tilespmem:s21+$0xFFFFFFD0];
	[tilespmem:s19+$0xFFFFFFE0] =	vst v4  }
0x7b: {  	s25 =	simm.s32 $0x500;
	v5 =	vadd.s32 v0, v6;
	v4 =	vld [tilespmem:s21+$0xFFFFFFE0];
	[tilespmem:s19+$0x0] =	vst v7  }
.LBB2_5:
0x7c: {  	p2 =	sne.s32 s25, $0x3100;
	v6 =	vld [tilespmem:s21+$0x0];
	[tilespmem:s19+$0xFFFFFFF0] =	vst v5;
	s19 =	smov.u32 s21  }
0x7d: {  	v5 =	vld [tilespmem:s19+$0xFFFFFFF0]  }
.Ltmp1:
0x7e: {  	v2 =	vadd.s32 v0, v2;
	(pc) =	sbr.rel @p2 .LBB2_5-.Ltmp1, $4  }
0x7f: {  	s21 =	sshra.s32 s25, $0x2;
	[tilespmem:s19+$0xFFFFFFC0] =	vst v2;
	v3 =	vadd.s32 v0, v3  }
0x80: {  	v2 =	vld [tilespmem:s21+$0xFFFFFFC0];
	[tilespmem:s19+$0xFFFFFFD0] =	vst v3;
	v4 =	vadd.s32 v0, v4  }
0x81: {  	v3 =	vld [tilespmem:s21+$0xFFFFFFD0];
	[tilespmem:s19+$0xFFFFFFE0] =	vst v4;
	v6 =	vadd.s32 v0, v6  }
0x82: {  	s25 =	sadd.s32 $0x200, s25;
	v4 =	vld [tilespmem:s21+$0xFFFFFFE0];
	v5 =	vadd.s32 v0, v5;
	[tilespmem:s19+$0x0] =	vst v6  }
0x83: {  	v6 =	vld [tilespmem:s21+$0x0];
	[tilespmem:s19+$0xFFFFFFF0] =	vst v5  }
0x84: {  	v5 =	vld [tilespmem:s21+$0xFFFFFFF0]  }
0x85: {  	v2 =	vadd.s32 v0, v2  }
0x86: {  	[tilespmem:s21+$0xFFFFFFC0] =	vst v2;
	v2 =	vadd.s32 v0, v3  }
0x87: {  	[tilespmem:s21+$0xFFFFFFD0] =	vst v2;
	v2 =	vadd.s32 v0, v4  }
0x88: {  	[tilespmem:s21+$0xFFFFFFE0] =	vst v2;
	v2 =	vadd.s32 v0, v6  }
0x89: {  	v3 =	vadd.s32 v0, v5;
	[tilespmem:s21+$0x0] =	vst v2  }
0x8a: {  	[tilespmem:s21+$0xFFFFFFF0] =	vst v3  }
0x8b: {  	[tilespmem:s16], [sflag:$0x1] =	stream.indirect.gather [hbm4b:s3+s15], $0x80, s2, s15, $0xb8;
	[tilespmem:$0x1FC80] =	vst v63  }
0x8c: {  	s21 =	simm.s32 $0x80  }
0x8d: {  	[tilespmem:s18], [sflag:$0x2] =	stream.indirect.gather [hbm4b:s3+s15], $0x80, s21, s15, $0xb8;
	[tilespmem:$0x1FC80] =	vst v63  }
0x8e: {  	s25 =	simm.s32 $0x100  }
0x8f: {  	[tilespmem:s20], [sflag:$0x3] =	stream.indirect.gather [hbm4b:s3+s15], $0x80, s25, s15, $0xb8;
	[tilespmem:$0x1FC80] =	vst v63  }
0x90: {  	s21 =	simm.s32 $0x180  }
0x91: {  	[tilespmem:s22], [sflag:$0x4] =	stream.indirect.gather [hbm4b:s3+s15], $0x80, s21, s15, $0xb8;
	[tilespmem:$0x1FC80] =	vst v63  }
0x92: {  	_ =	swait.ge [sflag:s23], $0x2800  }
0x93: {  	[sflag:s23] =	ssyncset.done $0x0  }
0x94: {  	[sflag:s23] =	ssyncadd.s32 $0xFFFFD800  }
0x95: {  	[spmem:s1] =	stream.indirect.scatter.add.f32 [tilespmem:s16], [sflag:$0x5], $0x80, s14, s15, $0xb8;
	[tilespmem:$0x1FC80] =	vst v63  }
0x96: {  	_ =	swait.ge [sflag:s24], $0x2800  }
0x97: {  	[sflag:s24] =	ssyncset.done $0x0  }
0x98: {  	s25 =	simm.s32 $0x1080;
	[sflag:s24] =	ssyncadd.s32 $0xFFFFD800  }
0x99: {  	[spmem:s1] =	stream.indirect.scatter.add.f32 [tilespmem:s18], [sflag:$0x6], $0x80, s25, s15, $0xb8;
	[tilespmem:$0x1FC80] =	vst v63  }
0x9a: {  	_ =	swait.ge [sflag:s26], $0x2800  }
0x9b: {  	[sflag:s26] =	ssyncset.done $0x0  }
0x9c: {  	s21 =	simm.s32 $0x1100;
	[sflag:s26] =	ssyncadd.s32 $0xFFFFD800  }
0x9d: {  	[spmem:s1] =	stream.indirect.scatter.add.f32 [tilespmem:s20], [sflag:$0x7], $0x80, s21, s15, $0xb8;
	[tilespmem:$0x1FC80] =	vst v63  }
0x9e: {  	_ =	swait.ge [sflag:s29], $0x2800  }
0x9f: {  	[sflag:s29] =	ssyncset.done $0x0  }
0xa0: {  	s25 =	simm.s32 $0x1180;
	[sflag:s29] =	ssyncadd.s32 $0xFFFFD800  }
0xa1: {  	[spmem:s1] =	stream.indirect.scatter.add.f32 [tilespmem:s22], [sflag:$0x8], $0x80, s25, s15, $0xb8;
	[tilespmem:$0x1FC80] =	vst v63  }
0xa2: {  	_ =	swait.ge [sflag:s31], $0x2800  }
0xa3: {  	[sflag:s31] =	ssyncset.done $0x0  }
0xa4: {  	s21 =	simm.s32 $0x200;
	[sflag:s31] =	ssyncadd.s32 $0xFFFFD800  }
0xa5: {  	[tilespmem:s16], [sflag:$0x1] =	stream.indirect.gather [hbm4b:s3+s15], $0x80, s21, s15, $0xb8;
	[tilespmem:$0x1FC80] =	vst v63  }
0xa6: {  	_ =	swait.ge [sflag:s8], $0x2800  }
0xa7: {  	[sflag:s8] =	ssyncset.done $0x0  }
0xa8: {  	s25 =	simm.s32 $0x280;
	[sflag:s8] =	ssyncadd.s32 $0xFFFFD800  }
0xa9: {  	[tilespmem:s18], [sflag:$0x2] =	stream.indirect.gather [hbm4b:s3+s15], $0x80, s25, s15, $0xb8;
	[tilespmem:$0x1FC80] =	vst v63  }
0xaa: {  	_ =	swait.ge [sflag:s10], $0x2800  }
0xab: {  	[sflag:s10] =	ssyncset.done $0x0  }
0xac: {  	s21 =	simm.s32 $0x300;
	[sflag:s10] =	ssyncadd.s32 $0xFFFFD800  }
0xad: {  	[tilespmem:s20], [sflag:$0x3] =	stream.indirect.gather [hbm4b:s3+s15], $0x80, s21, s15, $0xb8;
	[tilespmem:$0x1FC80] =	vst v63  }
0xae: {  	_ =	swait.ge [sflag:s17], $0x2800  }
0xaf: {  	[sflag:s17] =	ssyncset.done $0x0  }
0xb0: {  	s25 =	simm.s32 $0x380;
	[sflag:s17] =	ssyncadd.s32 $0xFFFFD800  }
0xb1: {  	[tilespmem:s22], [sflag:$0x4] =	stream.indirect.gather [hbm4b:s3+s15], $0x80, s25, s15, $0xb8;
	[tilespmem:$0x1FC80] =	vst v63  }
0xb2: {  	_ =	swait.ge [sflag:s23], $0x2800  }
0xb3: {  	[sflag:s23] =	ssyncset.done $0x0  }
0xb4: {  	s21 =	simm.s32 $0x1200;
	[sflag:s23] =	ssyncadd.s32 $0xFFFFD800  }
0xb5: {  	[spmem:s1] =	stream.indirect.scatter.add.f32 [tilespmem:s16], [sflag:$0x5], $0x80, s21, s15, $0xb8;
	[tilespmem:$0x1FC80] =	vst v63  }
0xb6: {  	_ =	swait.ge [sflag:s24], $0x2800  }
0xb7: {  	[sflag:s24] =	ssyncset.done $0x0  }
0xb8: {  	s25 =	simm.s32 $0x1280;
	[sflag:s24] =	ssyncadd.s32 $0xFFFFD800  }
0xb9: {  	[spmem:s1] =	stream.indirect.scatter.add.f32 [tilespmem:s18], [sflag:$0x6], $0x80, s25, s15, $0xb8;
	[tilespmem:$0x1FC80] =	vst v63  }
0xba: {  	_ =	swait.ge [sflag:s26], $0x2800  }
0xbb: {  	[sflag:s26] =	ssyncset.done $0x0  }
0xbc: {  	s21 =	simm.s32 $0x1300;
	[sflag:s26] =	ssyncadd.s32 $0xFFFFD800  }
0xbd: {  	[spmem:s1] =	stream.indirect.scatter.add.f32 [tilespmem:s20], [sflag:$0x7], $0x80, s21, s15, $0xb8;
	[tilespmem:$0x1FC80] =	vst v63  }
0xbe: {  	_ =	swait.ge [sflag:s29], $0x2800  }
0xbf: {  	[sflag:s29] =	ssyncset.done $0x0  }
0xc0: {  	s25 =	simm.s32 $0x1380;
	[sflag:s29] =	ssyncadd.s32 $0xFFFFD800  }
0xc1: {  	[spmem:s1] =	stream.indirect.scatter.add.f32 [tilespmem:s22], [sflag:$0x8], $0x80, s25, s15, $0xb8;
	[tilespmem:$0x1FC80] =	vst v63  }
0xc2: {  	_ =	swait.ge [sflag:s31], $0x2800  }
0xc3: {  	[sflag:s31] =	ssyncset.done $0x0  }
0xc4: {  	s21 =	simm.s32 $0x400;
	[sflag:s31] =	ssyncadd.s32 $0xFFFFD800  }
0xc5: {  	[tilespmem:s16], [sflag:$0x1] =	stream.indirect.gather [hbm4b:s3+s15], $0x80, s21, s15, $0xb8;
	[tilespmem:$0x1FC80] =	vst v63  }
0xc6: {  	_ =	swait.ge [sflag:s8], $0x2800  }
0xc7: {  	[sflag:s8] =	ssyncset.done $0x0  }
0xc8: {  	s25 =	simm.s32 $0x480;
	[sflag:s8] =	ssyncadd.s32 $0xFFFFD800  }
0xc9: {  	[tilespmem:s18], [sflag:$0x2] =	stream.indirect.gather [hbm4b:s3+s15], $0x80, s25, s15, $0xb8;
	[tilespmem:$0x1FC80] =	vst v63  }
0xca: {  	_ =	swait.ge [sflag:s10], $0x2800  }
0xcb: {  	[sflag:s10] =	ssyncset.done $0x0  }
0xcc: {  	s21 =	simm.s32 $0x500;
	[sflag:s10] =	ssyncadd.s32 $0xFFFFD800  }
0xcd: {  	[tilespmem:s20], [sflag:$0x3] =	stream.indirect.gather [hbm4b:s3+s15], $0x80, s21, s15, $0xb8;
	[tilespmem:$0x1FC80] =	vst v63  }
0xce: {  	_ =	swait.ge [sflag:s17], $0x2800  }
0xcf: {  	[sflag:s17] =	ssyncset.done $0x0  }
0xd0: {  	s25 =	simm.s32 $0x580;
	[sflag:s17] =	ssyncadd.s32 $0xFFFFD800  }
0xd1: {  	[tilespmem:s22], [sflag:$0x4] =	stream.indirect.gather [hbm4b:s3+s15], $0x80, s25, s15, $0xb8;
	[tilespmem:$0x1FC80] =	vst v63  }
0xd2: {  	_ =	swait.ge [sflag:s23], $0x2800  }
0xd3: {  	[sflag:s23] =	ssyncset.done $0x0  }
0xd4: {  	s21 =	simm.s32 $0x1400;
	[sflag:s23] =	ssyncadd.s32 $0xFFFFD800  }
0xd5: {  	[spmem:s1] =	stream.indirect.scatter.add.f32 [tilespmem:s16], [sflag:$0x5], $0x80, s21, s15, $0xb8;
	[tilespmem:$0x1FC80] =	vst v63  }
0xd6: {  	_ =	swait.ge [sflag:s24], $0x2800  }
0xd7: {  	[sflag:s24] =	ssyncset.done $0x0  }
0xd8: {  	s25 =	simm.s32 $0x1480;
	[sflag:s24] =	ssyncadd.s32 $0xFFFFD800  }
0xd9: {  	[spmem:s1] =	stream.indirect.scatter.add.f32 [tilespmem:s18], [sflag:$0x6], $0x80, s25, s15, $0xb8;
	[tilespmem:$0x1FC80] =	vst v63  }
0xda: {  	_ =	swait.ge [sflag:s26], $0x2800  }
0xdb: {  	[sflag:s26] =	ssyncset.done $0x0  }
0xdc: {  	s21 =	simm.s32 $0x1500;
	[sflag:s26] =	ssyncadd.s32 $0xFFFFD800  }
0xdd: {  	[spmem:s1] =	stream.indirect.scatter.add.f32 [tilespmem:s20], [sflag:$0x7], $0x80, s21, s15, $0xb8;
	[tilespmem:$0x1FC80] =	vst v63  }
0xde: {  	_ =	swait.ge [sflag:s29], $0x2800  }
0xdf: {  	[sflag:s29] =	ssyncset.done $0x0  }
0xe0: {  	s25 =	simm.s32 $0x1580;
	[sflag:s29] =	ssyncadd.s32 $0xFFFFD800  }
0xe1: {  	[spmem:s1] =	stream.indirect.scatter.add.f32 [tilespmem:s22], [sflag:$0x8], $0x80, s25, s15, $0xb8;
	[tilespmem:$0x1FC80] =	vst v63  }
0xe2: {  	_ =	swait.ge [sflag:s31], $0x2800  }
0xe3: {  	[sflag:s31] =	ssyncset.done $0x0  }
0xe4: {  	s21 =	simm.s32 $0x600;
	[sflag:s31] =	ssyncadd.s32 $0xFFFFD800  }
0xe5: {  	[tilespmem:s16], [sflag:$0x1] =	stream.indirect.gather [hbm4b:s3+s15], $0x80, s21, s15, $0xb8;
	[tilespmem:$0x1FC80] =	vst v63  }
0xe6: {  	_ =	swait.ge [sflag:s8], $0x2800  }
0xe7: {  	[sflag:s8] =	ssyncset.done $0x0  }
0xe8: {  	s25 =	simm.s32 $0x680;
	[sflag:s8] =	ssyncadd.s32 $0xFFFFD800  }
0xe9: {  	[tilespmem:s18], [sflag:$0x2] =	stream.indirect.gather [hbm4b:s3+s15], $0x80, s25, s15, $0xb8;
	[tilespmem:$0x1FC80] =	vst v63  }
0xea: {  	_ =	swait.ge [sflag:s10], $0x2800  }
0xeb: {  	[sflag:s10] =	ssyncset.done $0x0  }
0xec: {  	s21 =	simm.s32 $0x700;
	[sflag:s10] =	ssyncadd.s32 $0xFFFFD800  }
0xed: {  	[tilespmem:s20], [sflag:$0x3] =	stream.indirect.gather [hbm4b:s3+s15], $0x80, s21, s15, $0xb8;
	[tilespmem:$0x1FC80] =	vst v63  }
0xee: {  	_ =	swait.ge [sflag:s17], $0x2800  }
0xef: {  	[sflag:s17] =	ssyncset.done $0x0  }
0xf0: {  	s25 =	simm.s32 $0x780;
	[sflag:s17] =	ssyncadd.s32 $0xFFFFD800  }
0xf1: {  	[tilespmem:s22], [sflag:$0x4] =	stream.indirect.gather [hbm4b:s3+s15], $0x80, s25, s15, $0xb8;
	[tilespmem:$0x1FC80] =	vst v63  }
0xf2: {  	_ =	swait.ge [sflag:s23], $0x2800  }
0xf3: {  	[sflag:s23] =	ssyncset.done $0x0  }
0xf4: {  	s21 =	simm.s32 $0x1600;
	[sflag:s23] =	ssyncadd.s32 $0xFFFFD800  }
0xf5: {  	[spmem:s1] =	stream.indirect.scatter.add.f32 [tilespmem:s16], [sflag:$0x5], $0x80, s21, s15, $0xb8;
	[tilespmem:$0x1FC80] =	vst v63  }
0xf6: {  	_ =	swait.ge [sflag:s24], $0x2800  }
0xf7: {  	[sflag:s24] =	ssyncset.done $0x0  }
0xf8: {  	s25 =	simm.s32 $0x1680;
	[sflag:s24] =	ssyncadd.s32 $0xFFFFD800  }
0xf9: {  	[spmem:s1] =	stream.indirect.scatter.add.f32 [tilespmem:s18], [sflag:$0x6], $0x80, s25, s15, $0xb8;
	[tilespmem:$0x1FC80] =	vst v63  }
0xfa: {  	_ =	swait.ge [sflag:s26], $0x2800  }
0xfb: {  	[sflag:s26] =	ssyncset.done $0x0  }
0xfc: {  	s21 =	simm.s32 $0x1700;
	[sflag:s26] =	ssyncadd.s32 $0xFFFFD800  }
0xfd: {  	[spmem:s1] =	stream.indirect.scatter.add.f32 [tilespmem:s20], [sflag:$0x7], $0x80, s21, s15, $0xb8;
	[tilespmem:$0x1FC80] =	vst v63  }
0xfe: {  	_ =	swait.ge [sflag:s29], $0x2800  }
0xff: {  	[sflag:s29] =	ssyncset.done $0x0  }
0x100: {  	s25 =	simm.s32 $0x1780;
	[sflag:s29] =	ssyncadd.s32 $0xFFFFD800  }
0x101: {  	[spmem:s1] =	stream.indirect.scatter.add.f32 [tilespmem:s22], [sflag:$0x8], $0x80, s25, s15, $0xb8;
	[tilespmem:$0x1FC80] =	vst v63  }
0x102: {  	_ =	swait.ge [sflag:s31], $0x2800  }
0x103: {  	[sflag:s31] =	ssyncset.done $0x0  }
0x104: {  	s21 =	simm.s32 $0x800;
	[sflag:s31] =	ssyncadd.s32 $0xFFFFD800  }
0x105: {  	[tilespmem:s16], [sflag:$0x1] =	stream.indirect.gather [hbm4b:s3+s15], $0x80, s21, s15, $0xb8;
	[tilespmem:$0x1FC80] =	vst v63  }
0x106: {  	_ =	swait.ge [sflag:s8], $0x2800  }
0x107: {  	[sflag:s8] =	ssyncset.done $0x0  }
0x108: {  	s25 =	simm.s32 $0x880;
	[sflag:s8] =	ssyncadd.s32 $0xFFFFD800  }
0x109: {  	[tilespmem:s18], [sflag:$0x2] =	stream.indirect.gather [hbm4b:s3+s15], $0x80, s25, s15, $0xb8;
	[tilespmem:$0x1FC80] =	vst v63  }
0x10a: {  	_ =	swait.ge [sflag:s10], $0x2800  }
0x10b: {  	[sflag:s10] =	ssyncset.done $0x0  }
0x10c: {  	s21 =	simm.s32 $0x900;
	[sflag:s10] =	ssyncadd.s32 $0xFFFFD800  }
0x10d: {  	[tilespmem:s20], [sflag:$0x3] =	stream.indirect.gather [hbm4b:s3+s15], $0x80, s21, s15, $0xb8;
	[tilespmem:$0x1FC80] =	vst v63  }
0x10e: {  	_ =	swait.ge [sflag:s17], $0x2800  }
0x10f: {  	[sflag:s17] =	ssyncset.done $0x0  }
0x110: {  	s25 =	simm.s32 $0x980;
	[sflag:s17] =	ssyncadd.s32 $0xFFFFD800  }
0x111: {  	[tilespmem:s22], [sflag:$0x4] =	stream.indirect.gather [hbm4b:s3+s15], $0x80, s25, s15, $0xb8;
	[tilespmem:$0x1FC80] =	vst v63  }
0x112: {  	_ =	swait.ge [sflag:s23], $0x2800  }
0x113: {  	[sflag:s23] =	ssyncset.done $0x0  }
0x114: {  	s21 =	simm.s32 $0x1800;
	[sflag:s23] =	ssyncadd.s32 $0xFFFFD800  }
0x115: {  	[spmem:s1] =	stream.indirect.scatter.add.f32 [tilespmem:s16], [sflag:$0x5], $0x80, s21, s15, $0xb8;
	[tilespmem:$0x1FC80] =	vst v63  }
0x116: {  	_ =	swait.ge [sflag:s24], $0x2800  }
0x117: {  	[sflag:s24] =	ssyncset.done $0x0  }
0x118: {  	s25 =	simm.s32 $0x1880;
	[sflag:s24] =	ssyncadd.s32 $0xFFFFD800  }
0x119: {  	[spmem:s1] =	stream.indirect.scatter.add.f32 [tilespmem:s18], [sflag:$0x6], $0x80, s25, s15, $0xb8;
	[tilespmem:$0x1FC80] =	vst v63  }
0x11a: {  	_ =	swait.ge [sflag:s26], $0x2800  }
0x11b: {  	[sflag:s26] =	ssyncset.done $0x0  }
0x11c: {  	s21 =	simm.s32 $0x1900;
	[sflag:s26] =	ssyncadd.s32 $0xFFFFD800  }
0x11d: {  	[spmem:s1] =	stream.indirect.scatter.add.f32 [tilespmem:s20], [sflag:$0x7], $0x80, s21, s15, $0xb8;
	[tilespmem:$0x1FC80] =	vst v63  }
0x11e: {  	_ =	swait.ge [sflag:s29], $0x2800  }
0x11f: {  	[sflag:s29] =	ssyncset.done $0x0  }
0x120: {  	s25 =	simm.s32 $0x1980;
	[sflag:s29] =	ssyncadd.s32 $0xFFFFD800  }
0x121: {  	[spmem:s1] =	stream.indirect.scatter.add.f32 [tilespmem:s22], [sflag:$0x8], $0x80, s25, s15, $0xb8;
	[tilespmem:$0x1FC80] =	vst v63  }
0x122: {  	_ =	swait.ge [sflag:s31], $0x2800  }
0x123: {  	[sflag:s31] =	ssyncset.done $0x0  }
0x124: {  	s21 =	simm.s32 $0xA00;
	[sflag:s31] =	ssyncadd.s32 $0xFFFFD800  }
0x125: {  	[tilespmem:s16], [sflag:$0x1] =	stream.indirect.gather [hbm4b:s3+s15], $0x80, s21, s15, $0xb8;
	[tilespmem:$0x1FC80] =	vst v63  }
0x126: {  	_ =	swait.ge [sflag:s8], $0x2800  }
0x127: {  	[sflag:s8] =	ssyncset.done $0x0  }
0x128: {  	s25 =	simm.s32 $0xA80;
	[sflag:s8] =	ssyncadd.s32 $0xFFFFD800  }
0x129: {  	[tilespmem:s18], [sflag:$0x2] =	stream.indirect.gather [hbm4b:s3+s15], $0x80, s25, s15, $0xb8;
	[tilespmem:$0x1FC80] =	vst v63  }
0x12a: {  	_ =	swait.ge [sflag:s10], $0x2800  }
0x12b: {  	[sflag:s10] =	ssyncset.done $0x0  }
0x12c: {  	s21 =	simm.s32 $0xB00;
	[sflag:s10] =	ssyncadd.s32 $0xFFFFD800  }
0x12d: {  	[tilespmem:s20], [sflag:$0x3] =	stream.indirect.gather [hbm4b:s3+s15], $0x80, s21, s15, $0xb8;
	[tilespmem:$0x1FC80] =	vst v63  }
0x12e: {  	_ =	swait.ge [sflag:s17], $0x2800  }
0x12f: {  	[sflag:s17] =	ssyncset.done $0x0  }
0x130: {  	s25 =	simm.s32 $0xB80;
	[sflag:s17] =	ssyncadd.s32 $0xFFFFD800  }
0x131: {  	[tilespmem:s22], [sflag:$0x4] =	stream.indirect.gather [hbm4b:s3+s15], $0x80, s25, s15, $0xb8;
	[tilespmem:$0x1FC80] =	vst v63  }
0x132: {  	_ =	swait.ge [sflag:s23], $0x2800  }
0x133: {  	[sflag:s23] =	ssyncset.done $0x0  }
0x134: {  	s21 =	simm.s32 $0x1A00;
	[sflag:s23] =	ssyncadd.s32 $0xFFFFD800  }
0x135: {  	[spmem:s1] =	stream.indirect.scatter.add.f32 [tilespmem:s16], [sflag:$0x5], $0x80, s21, s15, $0xb8;
	[tilespmem:$0x1FC80] =	vst v63  }
0x136: {  	_ =	swait.ge [sflag:s24], $0x2800  }
0x137: {  	[sflag:s24] =	ssyncset.done $0x0  }
0x138: {  	s25 =	simm.s32 $0x1A80;
	[sflag:s24] =	ssyncadd.s32 $0xFFFFD800  }
0x139: {  	[spmem:s1] =	stream.indirect.scatter.add.f32 [tilespmem:s18], [sflag:$0x6], $0x80, s25, s15, $0xb8;
	[tilespmem:$0x1FC80] =	vst v63  }
0x13a: {  	_ =	swait.ge [sflag:s26], $0x2800  }
0x13b: {  	[sflag:s26] =	ssyncset.done $0x0  }
0x13c: {  	[sflag:s26] =	ssyncadd.s32 $0xFFFFD800  }
0x13d: {  	[spmem:s1] =	stream.indirect.scatter.add.f32 [tilespmem:s20], [sflag:$0x7], $0x80, s28, s15, $0xb8;
	[tilespmem:$0x1FC80] =	vst v63  }
0x13e: {  	_ =	swait.ge [sflag:s29], $0x2800  }
0x13f: {  	[sflag:s29] =	ssyncset.done $0x0  }
0x140: {  	[sflag:s29] =	ssyncadd.s32 $0xFFFFD800  }
0x141: {  	[spmem:s1] =	stream.indirect.scatter.add.f32 [tilespmem:s22], [sflag:$0x8], $0x80, s30, s15, $0xb8;
	[tilespmem:$0x1FC80] =	vst v63  }
0x142: {  	_ =	swait.ge [sflag:s31], $0x2800  }
0x143: {  	[sflag:s31] =	ssyncset.done $0x0  }
0x144: {  	[sflag:s31] =	ssyncadd.s32 $0xFFFFD800  }
0x145: {  	_ =	swait.ge [sflag:s8], $0x2800  }
0x146: {  	[sflag:s8] =	ssyncset.done $0x0  }
0x147: {  	[sflag:s8] =	ssyncadd.s32 $0xFFFFD800  }
0x148: {  	_ =	swait.ge [sflag:s10], $0x2800  }
0x149: {  	[sflag:s10] =	ssyncset.done $0x0  }
0x14a: {  	[sflag:s10] =	ssyncadd.s32 $0xFFFFD800  }
0x14b: {  	_ =	swait.ge [sflag:s17], $0x2800  }
0x14c: {  	[sflag:s17] =	ssyncset.done $0x0  }
0x14d: {  	[sflag:s17] =	ssyncadd.s32 $0xFFFFD800  }
0x14e: {  	[tilespmem:s16], [sflag:$0x1] =	stream.indirect.gather [hbm4b:s3+s15], $0x80, s0, s15, $0xb8;
	[tilespmem:$0x1FC80] =	vst v63  }
0x14f: {  	s11 =	sadd.s32 $0x1, s11;
	_ =	swait.ge [sflag:s23], $0x2800  }
0x150: {  	p2 =	sne.s32 s11, $0xA;
	[sflag:s23] =	ssyncset.done $0x0  }
.Ltmp2:
0x151: {  	[sflag:s23] =	ssyncadd.s32 $0xFFFFD800;
	(pc) =	sbr.rel @p2 .LBB2_4-.Ltmp2, $4  }
0x152: {  	[spmem:s1] =	stream.indirect.scatter.add.f32 [tilespmem:s16], [sflag:$0x5], $0x80, s9, s15, $0xb8;
	[tilespmem:$0x1FC80] =	vst v63  }
0x153: {  	_ =	swait.ge [sflag:s31], $0x2800  }
0x154: {  	[sflag:s31] =	ssyncset.done $0x0  }
0x155: {  	[sflag:s31] =	ssyncadd.s32 $0xFFFFD800  }
0x156: {  	[bflag:$0x0] =	sbarrier.arrive $0xFFFF  }
0x157: {  	s11 =	sshrl.u32 @!p1 s1, $0x3;
	s19 =	simm.s32 @!p1 $0x1C09;
	s21 =	rddreg [dreg:$0x5]  }
0x158: {  	[hbm:s21], [sflag:s19] =	dma.local @!p1 [spmem:s11], $0x27100  }
0x159: {  	s11 =	simm.s32 @!p1 $0x9  }
0x15a: {  	_ =	swait.ge @!p1 [sflag:s11], $0x27100  }
0x15b: {  	s19 =	rddreg [dreg:$0x7]  }
0x15c: {  	s25 =	rddreg [dreg:$0x6];
	s21 =	sadd.s32 $0x1, s19  }
0x15d: {  	p2 =	sne.s32 s21, s25  }
.Ltmp3:
0x15e: {  	_ = 	snop;
	(pc) =	sbr.rel @p2 .LBB2_1-.Ltmp3, $3  }
0x15f: {  	_ =	sdelay $0x1  }
0x160: {  	[sflag:s11] =	ssyncset.done @!p1 $0x0  }
0x161: {  	[sflag:s11] =	ssyncadd.s32 @!p1 $0xFFFD8F00  }
0x162: {  	_ =	sfence.sel $0x180000  }
0x163: {  	[bflag:$0x0] =	sbarrier.arrive $0xFFFF  }
0x164: {  	_ =	strace $0x9000004A  }
0x165: {  	[bflag:$0x2] =	sbarrier.arrive $0xFFFF  }
0x166: {  	s0 =	rddreg [dreg:$0x2]  }
0x167: {  	s0 =	sadd.s32 @!p1 $0x100000, s0  }
0x168: {  	[sflag:s0] =	ssyncadd.tile.s32 @!p1 $0x1;
	_ =	shalt  }
.Lfunc_end2:
_tile_overlayer_lowered:
.L_overlay_start_2:
0x169: {  	(tag) =	ssettag $0x2  }
0x16a: {  	s0 =	rddreg [dreg:$0x0];
	s2 =	stileid.u32  }
0x16b: {  	s1 =	rddreg [dreg:$0x1];
	p0 =	sne.s32 s2, $0x0  }
0x16c: {  	s3 =	rddreg [dreg:$0x2];
	[bflag:$0x3] =	sbarrier.arrive $0xFFFF;
	s2 =	simm.s32 @!p0 $0x1C09  }
0x16d: {  	[timem:s3], [sflag:s2] =	dma.local @!p0 [hbm:s0], s1  }
0x16e: {  	s0 =	simm.s32 @!p0 $0x9  }
0x16f: {  	_ =	swait.ge @!p0 [sflag:s0], s1  }
0x170: {  	s1 =	ssub.s32 @!p0 $0x0, s1;
	[sflag:s0] =	ssyncset.done @!p0 $0x0  }
0x171: {  	[sflag:s0] =	ssyncadd.s32 @!p0 s1  }
0x172: {  	[bflag:$0x3] =	sbarrier.arrive $0xFFFF  }
0x173: {  	_ =	shalt  }

// kernel: kernel.14.cloned.1.call-start
scs
__scs_entry_jumppad:
0x0: {  	(pc) =	sbr.rel $0x88, $3  }
0x1: {  	(tag) =	ssettag $0x0;
	lr =	simm.s32 $0x1  }
0x2: {  	[smem:$0x3F9A] =	sst lr;
	_ =	strace $0xD0000000  }
0x3: {  	_ = 	snop  }
0x4: {  	_ = 	snop  }
0x5: {  	_ = 	snop  }
0x6: {  	_ = 	snop  }
0x7: {  	_ = 	snop  }
__scs_overlays_trampoline_lowered:
0x8: {  	[smem:$0x3FA9] =	sst s0  }
0x9: {  	[smem:$0x3FAA] =	sst s1  }
0xa: {  	[smem:$0x3FAB] =	sst s2  }
0xb: {  	[smem:$0x3FAC] =	sst s3  }
0xc: {  	[smem:$0x3FAD] =	sst s4  }
0xd: {  	[smem:$0x3FAE] =	sst s5  }
0xe: {  	[smem:$0x3FAF] =	sst s6  }
0xf: {  	[smem:$0x3FB0] =	sst s7  }
0x10: {  	[smem:$0x3FB1] =	sst s8  }
0x11: {  	[smem:$0x3FB2] =	sst s9;
	s0 =	simm.s32 @!p0 $0x0  }
0x12: {  	s1 =	sld [smem:$0x3F98];
	s0 =	simm.s32 @p0 $0x1  }
0x13: {  	[smem:$0x3FB3] =	sst s0;
	s0 =	simm.s32 @!p1 $0x0  }
0x14: {  	s2 =	sld [smem:$0x3F97];
	s0 =	simm.s32 @p1 $0x1  }
0x15: {  	[smem:$0x3FB4] =	sst s0;
	s0 =	simm.s32 @!p2 $0x0  }
0x16: {  	s3 =	sld [smem:$0x3FDB];
	s0 =	simm.s32 @p2 $0x1  }
0x17: {  	s4 =	simm.s32 $0x1BF5;
	[smem:$0x3FB6] =	sst s0  }
0x18: {  	s0 =	sld [smem:$0x3F99];
	_ =	swait.ge [sflag:s4], $0x0  }
0x19: {  	s7 =	sld [smem:$0x3F9A]  }
0x1a: {  	s8 =	sadd.s32 $0xFFFFE003, lr  }
0x1b: {  	s9 =	sadd.s32 $0xFFFFFEF7, lr;
	s5 =	simm.s32 $0xFFFFFFFF;
	p2 =	slt.u32 s8, $0xFFFFF086  }
0x1c: {  	p1 =	slt.u32 s9, $0xF7A;
	s5 =	simm.s32 @!p2 $0x0  }
0x1d: {  	s5 =	simm.s32 @p1 $0x1;
	p0 =	seq.s32 s7, s2  }
0x1e: {  	s7 =	smul.u32 @!p0 $0xF7A, s2;
	p2 =	seq.s32 @!p0 s5, $0x0  }
0x1f: {  	s9 =	smul.u32 $0xF7A, s1;
	s8 =	simm.s32 @!p0 $0x1BF5;
	p2 =	por !p2, p0  }
0x20: {  	[sflag:s8] =	ssyncset.s32 @!p0 $0xFFFFF086;
	s6 =	sadd.s32 @!p0 s3, s7;
	s7 =	simm.s32 @!p0 $0x108  }
0x21: {  	s3 =	sadd.s32 s3, s9;
	s6 =	sadd.s32 @!p0 $0x88, s6;
	s7 =	simm.s32 @p2 $0x1082  }
0x22: {  	[simem:s7], [sflag:s8] =	dma.local @!p0 [hbm:s6], $0xF7A  }
0x23: {  	s9 =	sor.u32 $0xD0000000, s2;
	s6 =	simm.s32 $0x108;
	_ =	swait.ge @!p0 [sflag:s8], $0x0  }
0x24: {  	s3 =	sadd.s32 $0x88, s3;
	s6 =	simm.s32 @!p1 $0x1082;
	[sflag:s4] =	ssyncset.s32 $0xFFFFF086  }
0x25: {  	[simem:s6], [sflag:s4] =	dma.local [hbm:s3], $0xF7A  }
0x26: {  	[smem:$0x3F9A] =	sst s1;
	(tag) =	ssettag s2;
	_ =	strace s9  }
0x27: {  	s1 =	sld [smem:$0x3FAA]  }
0x28: {  	s2 =	sld [smem:$0x3FAB]  }
0x29: {  	s4 =	sld [smem:$0x3FAD]  }
0x2a: {  	p0 =	seq.s32 s5, $0x0;
	s5 =	sld [smem:$0x3FAE]  }
0x2b: {  	s6 =	sld [smem:$0x3FAF]  }
0x2c: {  	s7 =	sld [smem:$0x3FB0]  }
0x2d: {  	s3 =	simm.s32 $0x108;
	s8 =	sld [smem:$0x3FB1]  }
0x2e: {  	s3 =	simm.s32 @!p0 $0x1082;
	s9 =	sld [smem:$0x3FB2]  }
0x2f: {  	lr =	sadd.s32 s0, s3;
	s0 =	sld [smem:$0x3FA9]  }
0x30: {  	s3 =	sld [smem:$0x3FAC]  }
0x31: {  	[smem:$0x3FB5] =	sst s10  }
0x32: {  	s10 =	sld [smem:$0x3FB3];
	_ =	sdelay $0x3  }
0x33: {  	p0 =	seq.s32 s10, $0x1;
	s10 =	sld [smem:$0x3FB5];
	_ =	sdelay $0x3  }
0x34: {  	[smem:$0x3FB5] =	sst s10  }
0x35: {  	s10 =	sld [smem:$0x3FB4];
	_ =	sdelay $0x3  }
0x36: {  	p1 =	seq.s32 s10, $0x1;
	s10 =	sld [smem:$0x3FB5];
	_ =	sdelay $0x3  }
0x37: {  	[smem:$0x3FB5] =	sst s10  }
0x38: {  	s10 =	sld [smem:$0x3FB6]  }
0x39: {  	_ = 	snop;
	(pc) =	sbr.ind lr, $3  }
0x3a: {  	_ = 	snop  }
0x3b: {  	_ = 	snop  }
0x3c: {  	p2 =	seq.s32 s10, $0x1;
	s10 =	sld [smem:$0x3FB5]  }
0x3d: {  	_ =	shalt  }
0x3e: {  	_ =	shalt  }
0x3f: {  	_ =	shalt  }
0x40: {  	_ =	shalt  }
0x41: {  	_ =	shalt  }
0x42: {  	_ =	shalt  }
0x43: {  	_ =	shalt  }
0x44: {  	_ =	shalt  }
0x45: {  	_ =	shalt  }
0x46: {  	_ =	shalt  }
0x47: {  	_ =	shalt  }
0x48: {  	_ =	shalt  }
0x49: {  	_ =	shalt  }
0x4a: {  	_ =	shalt  }
0x4b: {  	_ =	shalt  }
0x4c: {  	_ =	shalt  }
0x4d: {  	_ =	shalt  }
0x4e: {  	_ =	shalt  }
0x4f: {  	_ =	shalt  }
0x50: {  	_ =	shalt  }
0x51: {  	_ =	shalt  }
0x52: {  	_ =	shalt  }
0x53: {  	_ =	shalt  }
0x54: {  	_ =	shalt  }
0x55: {  	_ =	shalt  }
0x56: {  	_ =	shalt  }
0x57: {  	_ =	shalt  }
0x58: {  	_ =	shalt  }
0x59: {  	_ =	shalt  }
0x5a: {  	_ =	shalt  }
0x5b: {  	_ =	shalt  }
0x5c: {  	_ =	shalt  }
0x5d: {  	_ =	shalt  }
0x5e: {  	_ =	shalt  }
0x5f: {  	_ =	shalt  }
0x60: {  	_ =	shalt  }
0x61: {  	_ =	shalt  }
0x62: {  	_ =	shalt  }
0x63: {  	_ =	shalt  }
0x64: {  	_ =	shalt  }
0x65: {  	_ =	shalt  }
0x66: {  	_ =	shalt  }
0x67: {  	_ =	shalt  }
0x68: {  	_ =	shalt  }
0x69: {  	_ =	shalt  }
0x6a: {  	_ =	shalt  }
0x6b: {  	_ =	shalt  }
0x6c: {  	_ =	shalt  }
0x6d: {  	_ =	shalt  }
0x6e: {  	_ =	shalt  }
0x6f: {  	_ =	shalt  }
0x70: {  	_ =	shalt  }
0x71: {  	_ =	shalt  }
0x72: {  	_ =	shalt  }
0x73: {  	_ =	shalt  }
0x74: {  	_ =	shalt  }
0x75: {  	_ =	shalt  }
0x76: {  	_ =	shalt  }
0x77: {  	_ =	shalt  }
0x78: {  	_ =	shalt  }
0x79: {  	_ =	shalt  }
0x7a: {  	_ =	shalt  }
0x7b: {  	_ =	shalt  }
0x7c: {  	_ =	shalt  }
0x7d: {  	_ =	shalt  }
0x7e: {  	_ =	shalt  }
0x7f: {  	_ =	shalt  }
0x80: {  	_ =	shalt  }
0x81: {  	_ =	shalt  }
0x82: {  	_ =	shalt  }
0x83: {  	_ =	shalt  }
0x84: {  	_ =	shalt  }
0x85: {  	_ =	shalt  }
0x86: {  	_ =	shalt  }
0x87: {  	_ =	shalt  }
.Lfunc_end0:
.L_simem_size_0:
called_computation.2_lowered:
.L_overlay_start_0:
0x88: {  	s2 =	sld [smem:$0x3FD9]  }
0x89: {  	s3 =	sld [smem:$0x3FFE];
	_ =	sdelay $0x1  }
0x8a: {  	s1 =	srdreg.scid  }
0x8b: {  	s0 =	sand.u32 $0x1, s1  }
0x8c: {  	s16 =	sshll.u32 s0, $0xA;
	s2 =	sadd.s32 s3, s2  }
0x8d: {  	s2 =	sadd.s32 s2, s16  }
0x8e: {  	[smem:$0x3FC1] =	sst s2  }
0x8f: {  	_ = 	snop  }
0x90: {  	(tm) =	ssettm $0x1  }
0x91: {  	s17 =	sld [smem:$0x3FFB];
	_ =	sdelay $0x3  }
0x92: {  	_ =	strace s17  }
0x93: {  	s2 =	sld [smem:$0x3FFC];
	_ =	sdelay $0x3  }
0x94: {  	_ =	strace s2  }
0x95: {  	s2 =	sld [smem:$0x3FFD];
	_ =	sdelay $0x3  }
0x96: {  	_ =	strace s2  }
0x97: {  	_ =	strace $0x8FFFFFFF  }
0x98: {  	s18 =	sld [smem:$0x3FDB];
	_ =	sdelay $0x1  }
0x99: {  	s19 =	simm.s32 $_scs_section_size  }
0x9a: {  	s4 =	simm.s32 $_size__tile_overlayer_lowered;
	s5 =	simm.s32 $_tile_overlayer_lowered  }
0x9b: {  	s22 =	simm.s32 $0x1BFF;
	s21 =	sshll.u32 s5, $0x1;
	s2 =	sadd.s32 s19, s18  }
0x9c: {  	s6 =	simm.s32 $0x0;
	s20 =	sshll.u32 s4, $0x1;
	s4 =	sadd.s32 s21, s2  }
0x9d: {  	[timem:s6], [sflag:s22] =	dma.local [hbm:s4], s20  }
0x9e: {  	_ =	swait.ge [sflag:s22], s20  }
0x9f: {  	s3 =	ssub.s32 $0x0, s20;
	[sflag:s22] =	ssyncset.done $0x0  }
0xa0: {  	[sflag:s22] =	ssyncadd.s32 s3;
	_ =	sdelay $0x1  }
0xa1: {  	s23 =	simm.s32 $0x1B8B  }
0xa2: {  	_ =	swait.ge [sflag:s23], $0x1  }
0xa3: {  	[sflag:s23] =	ssyncset.done $0x0  }
0xa4: {  	s25 =	simm.s32 $0x1B8E;
	s24 =	sld [smem:$0x3FFE];
	[sflag:s23] =	ssyncadd.s32 $0xFFFFFFFF  }
0xa5: {  	s26 =	simm.s32 $execute0_lowered;
	[smem:$0x3FD2] =	sst s25  }
0xa6: {  	s4 =	sshll.u32 s26, $0x1;
	_ =	strace $0x8000004C;
	[dreg:$0x1] =	wrdreg $0xFFFFFFFF  }
0xa7: {  	s28 =	simm.s32 $_size_execute0_lowered;
	s2 =	sadd.s32 s2, s4;
	[dreg:$0x0] =	wrdreg $0x0  }
0xa8: {  	s4 =	sshll.u32 s28, $0x1;
	[dreg:$0x2] =	wrdreg s2  }
0xa9: {  	[dreg:$0x3] =	wrdreg s4  }
0xaa: {  	[dreg:$0x4] =	wrdreg $0xC0  }
0xab: {  	_ =	task [dreg:s6], $0x5FFFF  }
0xac: {  	[dreg:$0x1] =	wrdreg $0xFFFFFFFF  }
0xad: {  	[dreg:$0x0] =	wrdreg $0x60  }
0xae: {  	[dreg:$0x2] =	wrdreg s24  }
0xaf: {  	[dreg:$0x3] =	wrdreg $0xC4000  }
0xb0: {  	[dreg:$0x4] =	wrdreg $0x9  }
0xb1: {  	_ =	task.clear_ibuf [dreg:s6], $0x5FFFF;
	_ =	strace $0x9000004C  }
0xb2: {  	s29 =	simm.s32 $0x9;
	_ =	strace $0x8000004E  }
0xb3: {  	_ =	swait.ge [sflag:s29], $0x1  }
0xb4: {  	[sflag:s29] =	ssyncadd.s32 $0xFFFFFFFF  }
0xb5: {  	_ =	strace $0x9000004E  }
0xb6: {  	_ =	sfence  }
0xb7: {  	s30 =	sld [smem:$0x0];
	_ =	sdelay $0x2  }
0xb8: {  	s31 =	sshll.u32 s1, $0xD;
	s1 =	sshrl.u32 s1, $0x2  }
0xb9: {  	s3 =	sand.u32 $0x4000, s31;
	s1 =	sadd.s32 s1, s30  }
0xba: {  	s0 =	sor.u32 s3, s0;
	s1 =	sshll.u32 s1, $0x11  }
0xbb: {  	s0 =	sor.u32 s1, s0  }
0xbc: {  	s0 =	sadd.s32 $0x8F2B, s0  }
0xbd: {  	[sflag:s0] =	ssyncadd.remote.s32 $0x1  }
0xbe: {  	_ =	sfence.sel $0xFFFF  }
0xbf: {  	[dreg:$0x0] =	wrdreg $0xFFFFFFFF;
	(pc) =	sbr.abs _section_cstart, $3  }
0xc0: {  	[dreg:$0x1] =	wrdreg $0xFFFFFFFF  }
0xc1: {  	_ =	task.clear_ibuf [dreg:s6], $0x2FFFF;
	_ =	strace $0x9FFFFFFF  }
0xc2: {  	(tm) =	ssettm $0x7FFFFFFF  }
0xc3: {  	_ =	shalt  }
tec
execute0_lowered:
.L_overlay_start_1:
0x0: {  	(tag) =	ssettag $0x1  }
0x1: {  	s0 =	srdreg.scid  }
0x2: {  	s4 =	sand.u32 $0x1, s0  }
0x3: {  	s0 =	stileid.u32;
	s2 =	smul.u32 $0x50000, s4  }
0x4: {  	s3 =	smul.u32 $0x5000, s0  }
0x5: {  	s5 =	rddreg [dreg:$0x0]  }
0x6: {  	s1 =	rddreg [dreg:$0x1];
	s3 =	sadd.s32 s3, s2;
	s2 =	simm.s32 $0x0  }
0x7: {  	s24 =	simm.s32 $0x80;
	[smem:$0x7FF] =	sst s2  }
0x8: {  	s25 =	simm.s32 $0x100;
	_ =	strace $0x8000004D;
	[dreg:$0x5] =	wrdreg s24  }
0x9: {  	s26 =	simm.s32 $0x180;
	[dreg:$0x6] =	wrdreg s25  }
0xa: {  	s7 =	simm.s32 $0x1100;
	[dreg:$0x7] =	wrdreg s26  }
0xb: {  	s8 =	simm.s32 $0x1180;
	[dreg:$0x9] =	wrdreg s7  }
0xc: {  	s9 =	simm.s32 $0x200;
	[dreg:$0xa] =	wrdreg s8  }
0xd: {  	s10 =	simm.s32 $0x280;
	[dreg:$0xb] =	wrdreg s9  }
0xe: {  	s11 =	simm.s32 $0x300;
	[dreg:$0xc] =	wrdreg s10  }
0xf: {  	s12 =	simm.s32 $0x380;
	[dreg:$0xd] =	wrdreg s11  }
0x10: {  	s13 =	simm.s32 $0x1200;
	[dreg:$0xe] =	wrdreg s12  }
0x11: {  	s14 =	simm.s32 $0x1280;
	[dreg:$0xf] =	wrdreg s13  }
0x12: {  	s16 =	simm.s32 $0x1380;
	[dreg:$0x10] =	wrdreg s14  }
0x13: {  	s17 =	simm.s32 $0x400;
	[dreg:$0x12] =	wrdreg s16  }
0x14: {  	s18 =	simm.s32 $0x480;
	s20 =	simm.s32 $0x500;
	[dreg:$0x13] =	wrdreg s17  }
0x15: {  	s21 =	simm.s32 $0x580;
	s22 =	simm.s32 $0x1400;
	[dreg:$0x14] =	wrdreg s18  }
0x16: {  	s28 =	simm.s32 $0xB80;
	s29 =	simm.s32 $0x1A00;
	[dreg:$0x15] =	wrdreg s20  }
0x17: {  	s30 =	simm.s32 $0x1A80;
	s31 =	simm.s32 $0x1B00;
	[dreg:$0x16] =	wrdreg s21  }
0x18: {  	s15 =	smul.u32 $0x27100, s4;
	s7 =	simm.s32 $0x1300;
	[dreg:$0x17] =	wrdreg s22  }
0x19: {  	s4 =	ssub.s32 $0x2, s4;
	s24 =	simm.s32 $0x1480;
	[dreg:$0x11] =	wrdreg s7  }
0x1a: {  	p0 =	sne.s32 s0, $0xF;
	s26 =	sadd.s32 $0x138000, s1;
	[dreg:$0x18] =	wrdreg s24  }
0x1b: {  	p1 =	sne.s32 s0, $0x0;
	s25 =	simm.s32 $0x1500;
	[smem:$0x7ED] =	sst s26  }
0x1c: {  	s19 =	sshrl.u32 s4, $0x1;
	s10 =	sadd.s32 $0x138400, s1;
	[dreg:$0x19] =	wrdreg s25  }
0x1d: {  	s3 =	sshrl.u32 s3, $0x3;
	s9 =	simm.s32 $0x1580;
	[smem:$0x7EE] =	sst s10  }
0x1e: {  	s3 =	sadd.s32 s3, s5;
	s11 =	simm.s32 $0x600;
	[dreg:$0x1a] =	wrdreg s9  }
0x1f: {  	s8 =	smul.u32 $0x4E000, s0;
	s12 =	simm.s32 $0x680;
	[dreg:$0x1b] =	wrdreg s11  }
0x20: {  	s14 =	simm.s32 $0x700;
	s16 =	simm.s32 $0x1600;
	[dreg:$0x1c] =	wrdreg s12  }
0x21: {  	s17 =	simm.s32 $0x1680;
	s18 =	simm.s32 $0x1700;
	[dreg:$0x1d] =	wrdreg s14  }
0x22: {  	s20 =	simm.s32 $0x800;
	s21 =	simm.s32 $0x880;
	[dreg:$0x1f] =	wrdreg s16  }
0x23: {  	s22 =	simm.s32 $0x900;
	s0 =	simm.s32 $0x1B80;
	[smem:$0x7F1] =	sst s17  }
0x24: {  	s6 =	sadd.s32 $0xD0800, s3;
	s3 =	sadd.s32 $0xE4800, s3;
	[smem:$0x7F2] =	sst s18  }
0x25: {  	s7 =	ssub.s32 s4, s19;
	s9 =	simm.s32 $0xC000;
	[smem:$0x7F4] =	sst s20  }
0x26: {  	s10 =	simm.s32 $0x9;
	s11 =	simm.s32 $0x1000;
	[smem:$0x7F5] =	sst s21  }
0x27: {  	s12 =	simm.s32 $0x50;
	s19 =	simm.s32 $0x1780;
	[smem:$0x7F6] =	sst s22  }
0x28: {  	s14 =	simm.s32 $0x4800;
	s16 =	simm.s32 $0x9800;
	[dreg:$0x3] =	wrdreg s6  }
0x29: {  	s17 =	simm.s32 $0x1;
	s24 =	simm.s32 $0x1800;
	[dreg:$0x4] =	wrdreg s3  }
0x2a: {  	s18 =	simm.s32 $0x2;
	s25 =	simm.s32 $0x1880;
	[smem:$0x7F3] =	sst s19  }
0x2b: {  	s26 =	simm.s32 $0x1900;
	s20 =	simm.s32 $0x4;
	[smem:$0x7F8] =	sst s24  }
0x2c: {  	s21 =	simm.s32 $0x5;
	s22 =	simm.s32 $0x6;
	[smem:$0x7F9] =	sst s25  }
0x2d: {  	s6 =	simm.s32 $0x1080;
	s3 =	sadd.s32 $0x1C00, s5;
	[smem:$0x7FA] =	sst s26  }
0x2e: {  	s5 =	sadd.s32 s15, s5;
	s13 =	smax.u32 s7, $0x1;
	[dreg:$0x8] =	wrdreg s6  }
0x2f: {  	s23 =	sshrl.u32 s8, $0x2;
	s15 =	simm.s32 $0x780;
	[smem:$0x7F0] =	sst s13  }
0x30: {  	s19 =	simm.s32 $0x3;
	s7 =	simm.s32 $0xA00;
	[dreg:$0x1e] =	wrdreg s15  }
0x31: {  	s24 =	simm.s32 $0x8;
	s8 =	simm.s32 $0x0;
	[smem:$0x7FC] =	sst s7  }
0x32: {  	s25 =	simm.s32 $0xA80;
	s5 =	sadd.s32 $0x28E00, s5;
	[smem:$0x7FD] =	sst s8  }
0x33: {  	s4 =	sadd.s32 s23, s1;
	s23 =	simm.s32 $0x980;
	[smem:$0x7EF] =	sst s5  }
0x34: {  	s26 =	simm.s32 $0xB00;
	s6 =	simm.s32 $0x1980;
	[smem:$0x7F7] =	sst s23  }
0x35: {  	s13 =	simm.s32 $0x2000;
	s15 =	simm.s32 $0x7000;
	[smem:$0x7FB] =	sst s6  }
0x36: {  	v0 =	vimm.f32 $0.0e+00;
	s23 =	simm.s32 $0x7;
	s5 =	simm.s32 $0xC00;
	s6 =	simm.s32 $0x1C00  }
.LBB2_1:
0x37: {  	[tilespmem:$0xC000] =	vst v0  }
0x38: {  	[tilespmem:$0xC010] =	vst v0  }
0x39: {  	[tilespmem:$0xC020] =	vst v0  }
0x3a: {  	[tilespmem:$0xC030] =	vst v0  }
0x3b: {  	[tilespmem:$0xC040] =	vst v0  }
0x3c: {  	[tilespmem:$0xC050] =	vst v0  }
0x3d: {  	[tilespmem:$0xC060] =	vst v0  }
0x3e: {  	[tilespmem:$0xC070] =	vst v0  }
0x3f: {  	[tilespmem:$0xC080] =	vst v0  }
0x40: {  	[tilespmem:$0xC090] =	vst v0  }
0x41: {  	[tilespmem:$0xC0A0] =	vst v0  }
0x42: {  	[tilespmem:$0xC0B0] =	vst v0  }
0x43: {  	[tilespmem:$0xC0C0] =	vst v0  }
0x44: {  	[tilespmem:$0xC0D0] =	vst v0  }
0x45: {  	[tilespmem:$0xC0E0] =	vst v0  }
0x46: {  	[tilespmem:$0xC0F0] =	vst v0  }
0x47: {  	[tilespmem:$0xC100] =	vst v0  }
0x48: {  	[tilespmem:$0xC110] =	vst v0  }
0x49: {  	[tilespmem:$0xC120] =	vst v0  }
0x4a: {  	[tilespmem:$0xC130] =	vst v0  }
0x4b: {  	[tilespmem:$0xC140] =	vst v0  }
0x4c: {  	[tilespmem:$0xC150] =	vst v0  }
0x4d: {  	[tilespmem:$0xC160] =	vst v0  }
0x4e: {  	[tilespmem:$0xC170] =	vst v0  }
0x4f: {  	[tilespmem:$0xC180] =	vst v0  }
0x50: {  	[tilespmem:$0xC190] =	vst v0  }
0x51: {  	[tilespmem:$0xC1A0] =	vst v0  }
0x52: {  	[tilespmem:$0xC1B0] =	vst v0  }
0x53: {  	[tilespmem:$0xC1C0] =	vst v0  }
0x54: {  	[tilespmem:$0xC1D0] =	vst v0  }
0x55: {  	[tilespmem:$0xC1E0] =	vst v0  }
0x56: {  	[tilespmem:$0xC1F0] =	vst v0  }
0x57: {  	[tilespmem:$0xC200] =	vst v0  }
0x58: {  	[tilespmem:$0xC210] =	vst v0  }
0x59: {  	[tilespmem:$0xC220] =	vst v0  }
0x5a: {  	[tilespmem:$0xC230] =	vst v0  }
0x5b: {  	[tilespmem:$0xC240] =	vst v0  }
0x5c: {  	[tilespmem:$0xC250] =	vst v0  }
0x5d: {  	[tilespmem:$0xC260] =	vst v0  }
0x5e: {  	[tilespmem:$0xC270] =	vst v0  }
0x5f: {  	[tilespmem:$0xC280] =	vst v0  }
0x60: {  	[tilespmem:$0xC290] =	vst v0  }
0x61: {  	[tilespmem:$0xC2A0] =	vst v0  }
0x62: {  	[tilespmem:$0xC2B0] =	vst v0  }
0x63: {  	[tilespmem:$0xC2C0] =	vst v0  }
0x64: {  	[tilespmem:$0xC2D0] =	vst v0  }
0x65: {  	[tilespmem:$0xC2E0] =	vst v0  }
0x66: {  	[tilespmem:$0xC2F0] =	vst v0  }
0x67: {  	[tilespmem:$0xC300] =	vst v0  }
0x68: {  	[tilespmem:$0xC310] =	vst v0  }
0x69: {  	[tilespmem:$0xC320] =	vst v0  }
0x6a: {  	[tilespmem:$0xC330] =	vst v0  }
0x6b: {  	[tilespmem:$0xC340] =	vst v0  }
0x6c: {  	[tilespmem:$0xC350] =	vst v0  }
0x6d: {  	[tilespmem:$0xC360] =	vst v0  }
0x6e: {  	[tilespmem:$0xC370] =	vst v0  }
0x6f: {  	[tilespmem:$0xC380] =	vst v0  }
0x70: {  	[tilespmem:$0xC390] =	vst v0  }
0x71: {  	[tilespmem:$0xC3A0] =	vst v0  }
0x72: {  	[tilespmem:$0xC3B0] =	vst v0  }
0x73: {  	[tilespmem:$0xC3C0] =	vst v0  }
0x74: {  	[tilespmem:$0xC3D0] =	vst v0  }
0x75: {  	[tilespmem:$0xC3E0] =	vst v0  }
0x76: {  	[tilespmem:$0xC3F0] =	vst v0;
	s7 =	sadd.s32 $0x0, s4  }
0x77: {  	[spmem:s7] =	stream.linear.scatter [tilespmem:s9], [sflag:$0x9], $0x400, $0x38;
	[tilespmem:$0x1FC80] =	vst v63  }
0x78: {  	s7 =	simm.s32 $0x1000;
	_ =	swait.ge [sflag:s10], $0x400  }
.LBB2_2:
0x79: {  	s8 =	sshra.s32 s7, $0x2;
	[sflag:s10] =	ssyncset.done $0x0;
	p2 =	sne.s32 s7, $0x4D000  }
.Ltmp0:
0x7a: {  	s8 =	sadd.s32 s8, s4;
	[sflag:s10] =	ssyncadd.s32 $0xFFFFFC00;
	(pc) =	sbr.rel @p2 .LBB2_2-.Ltmp0, $3  }
0x7b: {  	[spmem:s8] =	stream.linear.scatter [tilespmem:s9], [sflag:$0x9], $0x400, $0x38;
	[tilespmem:$0x1FC80] =	vst v63  }
0x7c: {  	s7 =	sadd.s32 $0x1000, s7;
	_ =	sdelay $0x1  }
0x7d: {  	_ =	swait.ge [sflag:s10], $0x400  }
0x7e: {  	s8 =	sld [smem:$0x7ED]  }
0x7f: {  	[sflag:s10] =	ssyncset.done $0x0  }
0x80: {  	s7 =	simm.s32 @!p0 $0xC000;
	[sflag:s10] =	ssyncadd.s32 $0xFFFFFC00  }
0x81: {  	[spmem:s8] =	stream.linear.scatter @!p0 [tilespmem:s7], [sflag:$0x9], $0x400, $0x38;
	[tilespmem:$0x1FC80] =	vst v63  }
0x82: {  	s8 =	simm.s32 @!p0 $0x9  }
0x83: {  	_ =	swait.ge @!p0 [sflag:s8], $0x400  }
0x84: {  	s9 =	sld [smem:$0x7EE]  }
0x85: {  	[sflag:s8] =	ssyncset.done @!p0 $0x0  }
0x86: {  	[sflag:s8] =	ssyncadd.s32 @!p0 $0xFFFFFC00  }
0x87: {  	[spmem:s9] =	stream.linear.scatter @!p0 [tilespmem:s7], [sflag:$0x9], $0x400, $0x38;
	[tilespmem:$0x1FC80] =	vst v63  }
0x88: {  	_ =	swait.ge @!p0 [sflag:s8], $0x400  }
0x89: {  	[sflag:s8] =	ssyncset.done @!p0 $0x0  }
0x8a: {  	[sflag:s8] =	ssyncadd.s32 @!p0 $0xFFFFFC00  }
0x8b: {  	[bflag:$0x0] =	sbarrier.arrive $0xFFFF  }
0x8c: {  	s9 =	rddreg [dreg:$0x4]  }
0x8d: {  	s7 =	sadd.s32 $0x0, s9  }
0x8e: {  	[tilespmem:s2], [sflag:$0x9] =	stream.linear.gather [hbm4b:s7+s2], $0xC80, $0x38;
	[tilespmem:$0x1FC80] =	vst v63  }
0x8f: {  	_ =	swait.ge [sflag:s10], $0xC80  }
0x90: {  	s8 =	rddreg [dreg:$0x3];
	[sflag:s10] =	ssyncset.done $0x0  }
0x91: {  	[sflag:s10] =	ssyncadd.s32 $0xFFFFF380;
	s7 =	sadd.s32 $0x0, s8  }
0x92: {  	[tilespmem:s11], [sflag:$0x9] =	stream.linear.gather [hbm4b:s7+s2], $0xC80, $0x38;
	[tilespmem:$0x1FC80] =	vst v63  }
0x93: {  	_ =	swait.ge [sflag:s10], $0xC80  }
0x94: {  	[sflag:s10] =	ssyncset.done $0x0  }
0x95: {  	[sflag:s10] =	ssyncadd.s32 $0xFFFFF380  }
0x96: {  	[tilespmem:s13], [sflag:$0x1] =	stream.indirect.gather [hbm4b:s3+s12], $0x80, s2, s12, $0xb8;
	[tilespmem:$0x1FC80] =	vst v63  }
0x97: {  	s9 =	rddreg [dreg:$0x5]  }
0x98: {  	[tilespmem:s14], [sflag:$0x2] =	stream.indirect.gather [hbm4b:s3+s12], $0x80, s9, s12, $0xb8;
	[tilespmem:$0x1FC80] =	vst v63  }
0x99: {  	s8 =	rddreg [dreg:$0x6]  }
0x9a: {  	[tilespmem:s15], [sflag:$0x3] =	stream.indirect.gather [hbm4b:s3+s12], $0x80, s8, s12, $0xb8;
	[tilespmem:$0x1FC80] =	vst v63  }
0x9b: {  	s9 =	rddreg [dreg:$0x7]  }
0x9c: {  	[tilespmem:s16], [sflag:$0x4] =	stream.indirect.gather [hbm4b:s3+s12], $0x80, s9, s12, $0xb8;
	[tilespmem:$0x1FC80] =	vst v63  }
0x9d: {  	_ =	swait.ge [sflag:s17], $0x2800  }
0x9e: {  	[sflag:s17] =	ssyncset.done $0x0  }
0x9f: {  	[sflag:s17] =	ssyncadd.s32 $0xFFFFD800  }
0xa0: {  	[spmem:s1] =	stream.indirect.scatter.add.f32 [tilespmem:s13], [sflag:$0x5], $0x80, s11, s12, $0xb8;
	[tilespmem:$0x1FC80] =	vst v63  }
0xa1: {  	_ =	swait.ge [sflag:s18], $0x2800  }
0xa2: {  	[sflag:s18] =	ssyncset.done $0x0  }
0xa3: {  	s8 =	rddreg [dreg:$0x8];
	[sflag:s18] =	ssyncadd.s32 $0xFFFFD800  }
0xa4: {  	[spmem:s1] =	stream.indirect.scatter.add.f32 [tilespmem:s14], [sflag:$0x6], $0x80, s8, s12, $0xb8;
	[tilespmem:$0x1FC80] =	vst v63  }
0xa5: {  	_ =	swait.ge [sflag:s19], $0x2800  }
0xa6: {  	[sflag:s19] =	ssyncset.done $0x0  }
0xa7: {  	s9 =	rddreg [dreg:$0x9];
	[sflag:s19] =	ssyncadd.s32 $0xFFFFD800  }
0xa8: {  	[spmem:s1] =	stream.indirect.scatter.add.f32 [tilespmem:s15], [sflag:$0x7], $0x80, s9, s12, $0xb8;
	[tilespmem:$0x1FC80] =	vst v63  }
0xa9: {  	_ =	swait.ge [sflag:s20], $0x2800  }
0xaa: {  	[sflag:s20] =	ssyncset.done $0x0  }
0xab: {  	s8 =	rddreg [dreg:$0xa];
	[sflag:s20] =	ssyncadd.s32 $0xFFFFD800  }
0xac: {  	[spmem:s1] =	stream.indirect.scatter.add.f32 [tilespmem:s16], [sflag:$0x8], $0x80, s8, s12, $0xb8;
	[tilespmem:$0x1FC80] =	vst v63  }
0xad: {  	_ =	swait.ge [sflag:s21], $0x2800  }
0xae: {  	[sflag:s21] =	ssyncset.done $0x0  }
0xaf: {  	s9 =	rddreg [dreg:$0xb];
	[sflag:s21] =	ssyncadd.s32 $0xFFFFD800  }
0xb0: {  	[tilespmem:s13], [sflag:$0x1] =	stream.indirect.gather [hbm4b:s3+s12], $0x80, s9, s12, $0xb8;
	[tilespmem:$0x1FC80] =	vst v63  }
0xb1: {  	_ =	swait.ge [sflag:s22], $0x2800  }
0xb2: {  	[sflag:s22] =	ssyncset.done $0x0  }
0xb3: {  	s8 =	rddreg [dreg:$0xc];
	[sflag:s22] =	ssyncadd.s32 $0xFFFFD800  }
0xb4: {  	[tilespmem:s14], [sflag:$0x2] =	stream.indirect.gather [hbm4b:s3+s12], $0x80, s8, s12, $0xb8;
	[tilespmem:$0x1FC80] =	vst v63  }
0xb5: {  	_ =	swait.ge [sflag:s23], $0x2800  }
0xb6: {  	[sflag:s23] =	ssyncset.done $0x0  }
0xb7: {  	s9 =	rddreg [dreg:$0xd];
	[sflag:s23] =	ssyncadd.s32 $0xFFFFD800  }
0xb8: {  	[tilespmem:s15], [sflag:$0x3] =	stream.indirect.gather [hbm4b:s3+s12], $0x80, s9, s12, $0xb8;
	[tilespmem:$0x1FC80] =	vst v63  }
0xb9: {  	_ =	swait.ge [sflag:s24], $0x2800  }
0xba: {  	[sflag:s24] =	ssyncset.done $0x0  }
0xbb: {  	s8 =	rddreg [dreg:$0xe];
	[sflag:s24] =	ssyncadd.s32 $0xFFFFD800  }
0xbc: {  	[tilespmem:s16], [sflag:$0x4] =	stream.indirect.gather [hbm4b:s3+s12], $0x80, s8, s12, $0xb8;
	[tilespmem:$0x1FC80] =	vst v63  }
0xbd: {  	_ =	swait.ge [sflag:s17], $0x2800  }
0xbe: {  	[sflag:s17] =	ssyncset.done $0x0  }
0xbf: {  	s9 =	rddreg [dreg:$0xf];
	[sflag:s17] =	ssyncadd.s32 $0xFFFFD800  }
0xc0: {  	[spmem:s1] =	stream.indirect.scatter.add.f32 [tilespmem:s13], [sflag:$0x5], $0x80, s9, s12, $0xb8;
	[tilespmem:$0x1FC80] =	vst v63  }
0xc1: {  	_ =	swait.ge [sflag:s18], $0x2800  }
0xc2: {  	[sflag:s18] =	ssyncset.done $0x0  }
0xc3: {  	s8 =	rddreg [dreg:$0x10];
	[sflag:s18] =	ssyncadd.s32 $0xFFFFD800  }
0xc4: {  	[spmem:s1] =	stream.indirect.scatter.add.f32 [tilespmem:s14], [sflag:$0x6], $0x80, s8, s12, $0xb8;
	[tilespmem:$0x1FC80] =	vst v63  }
0xc5: {  	_ =	swait.ge [sflag:s19], $0x2800  }
0xc6: {  	[sflag:s19] =	ssyncset.done $0x0  }
0xc7: {  	s9 =	rddreg [dreg:$0x11];
	[sflag:s19] =	ssyncadd.s32 $0xFFFFD800  }
0xc8: {  	[spmem:s1] =	stream.indirect.scatter.add.f32 [tilespmem:s15], [sflag:$0x7], $0x80, s9, s12, $0xb8;
	[tilespmem:$0x1FC80] =	vst v63  }
0xc9: {  	_ =	swait.ge [sflag:s20], $0x2800  }
0xca: {  	[sflag:s20] =	ssyncset.done $0x0  }
0xcb: {  	s8 =	rddreg [dreg:$0x12];
	[sflag:s20] =	ssyncadd.s32 $0xFFFFD800  }
0xcc: {  	[spmem:s1] =	stream.indirect.scatter.add.f32 [tilespmem:s16], [sflag:$0x8], $0x80, s8, s12, $0xb8;
	[tilespmem:$0x1FC80] =	vst v63  }
0xcd: {  	_ =	swait.ge [sflag:s21], $0x2800  }
0xce: {  	[sflag:s21] =	ssyncset.done $0x0  }
0xcf: {  	s9 =	rddreg [dreg:$0x13];
	[sflag:s21] =	ssyncadd.s32 $0xFFFFD800  }
0xd0: {  	[tilespmem:s13], [sflag:$0x1] =	stream.indirect.gather [hbm4b:s3+s12], $0x80, s9, s12, $0xb8;
	[tilespmem:$0x1FC80] =	vst v63  }
0xd1: {  	_ =	swait.ge [sflag:s22], $0x2800  }
0xd2: {  	[sflag:s22] =	ssyncset.done $0x0  }
0xd3: {  	s8 =	rddreg [dreg:$0x14];
	[sflag:s22] =	ssyncadd.s32 $0xFFFFD800  }
0xd4: {  	[tilespmem:s14], [sflag:$0x2] =	stream.indirect.gather [hbm4b:s3+s12], $0x80, s8, s12, $0xb8;
	[tilespmem:$0x1FC80] =	vst v63  }
0xd5: {  	_ =	swait.ge [sflag:s23], $0x2800  }
0xd6: {  	[sflag:s23] =	ssyncset.done $0x0  }
0xd7: {  	s9 =	rddreg [dreg:$0x15];
	[sflag:s23] =	ssyncadd.s32 $0xFFFFD800  }
0xd8: {  	[tilespmem:s15], [sflag:$0x3] =	stream.indirect.gather [hbm4b:s3+s12], $0x80, s9, s12, $0xb8;
	[tilespmem:$0x1FC80] =	vst v63  }
0xd9: {  	_ =	swait.ge [sflag:s24], $0x2800  }
0xda: {  	[sflag:s24] =	ssyncset.done $0x0  }
0xdb: {  	s8 =	rddreg [dreg:$0x16];
	[sflag:s24] =	ssyncadd.s32 $0xFFFFD800  }
0xdc: {  	[tilespmem:s16], [sflag:$0x4] =	stream.indirect.gather [hbm4b:s3+s12], $0x80, s8, s12, $0xb8;
	[tilespmem:$0x1FC80] =	vst v63  }
0xdd: {  	_ =	swait.ge [sflag:s17], $0x2800  }
0xde: {  	[sflag:s17] =	ssyncset.done $0x0  }
0xdf: {  	s9 =	rddreg [dreg:$0x17];
	[sflag:s17] =	ssyncadd.s32 $0xFFFFD800  }
0xe0: {  	[spmem:s1] =	stream.indirect.scatter.add.f32 [tilespmem:s13], [sflag:$0x5], $0x80, s9, s12, $0xb8;
	[tilespmem:$0x1FC80] =	vst v63  }
0xe1: {  	_ =	swait.ge [sflag:s18], $0x2800  }
0xe2: {  	[sflag:s18] =	ssyncset.done $0x0  }
0xe3: {  	s8 =	rddreg [dreg:$0x18];
	[sflag:s18] =	ssyncadd.s32 $0xFFFFD800  }
0xe4: {  	[spmem:s1] =	stream.indirect.scatter.add.f32 [tilespmem:s14], [sflag:$0x6], $0x80, s8, s12, $0xb8;
	[tilespmem:$0x1FC80] =	vst v63  }
0xe5: {  	_ =	swait.ge [sflag:s19], $0x2800  }
0xe6: {  	[sflag:s19] =	ssyncset.done $0x0  }
0xe7: {  	s9 =	rddreg [dreg:$0x19];
	[sflag:s19] =	ssyncadd.s32 $0xFFFFD800  }
0xe8: {  	[spmem:s1] =	stream.indirect.scatter.add.f32 [tilespmem:s15], [sflag:$0x7], $0x80, s9, s12, $0xb8;
	[tilespmem:$0x1FC80] =	vst v63  }
0xe9: {  	_ =	swait.ge [sflag:s20], $0x2800  }
0xea: {  	[sflag:s20] =	ssyncset.done $0x0  }
0xeb: {  	s8 =	rddreg [dreg:$0x1a];
	[sflag:s20] =	ssyncadd.s32 $0xFFFFD800  }
0xec: {  	[spmem:s1] =	stream.indirect.scatter.add.f32 [tilespmem:s16], [sflag:$0x8], $0x80, s8, s12, $0xb8;
	[tilespmem:$0x1FC80] =	vst v63  }
0xed: {  	_ =	swait.ge [sflag:s21], $0x2800  }
0xee: {  	[sflag:s21] =	ssyncset.done $0x0  }
0xef: {  	s9 =	rddreg [dreg:$0x1b];
	[sflag:s21] =	ssyncadd.s32 $0xFFFFD800  }
0xf0: {  	[tilespmem:s13], [sflag:$0x1] =	stream.indirect.gather [hbm4b:s3+s12], $0x80, s9, s12, $0xb8;
	[tilespmem:$0x1FC80] =	vst v63  }
0xf1: {  	_ =	swait.ge [sflag:s22], $0x2800  }
0xf2: {  	[sflag:s22] =	ssyncset.done $0x0  }
0xf3: {  	s8 =	rddreg [dreg:$0x1c];
	[sflag:s22] =	ssyncadd.s32 $0xFFFFD800  }
0xf4: {  	[tilespmem:s14], [sflag:$0x2] =	stream.indirect.gather [hbm4b:s3+s12], $0x80, s8, s12, $0xb8;
	[tilespmem:$0x1FC80] =	vst v63  }
0xf5: {  	_ =	swait.ge [sflag:s23], $0x2800  }
0xf6: {  	[sflag:s23] =	ssyncset.done $0x0  }
0xf7: {  	s9 =	rddreg [dreg:$0x1d];
	[sflag:s23] =	ssyncadd.s32 $0xFFFFD800  }
0xf8: {  	[tilespmem:s15], [sflag:$0x3] =	stream.indirect.gather [hbm4b:s3+s12], $0x80, s9, s12, $0xb8;
	[tilespmem:$0x1FC80] =	vst v63  }
0xf9: {  	_ =	swait.ge [sflag:s24], $0x2800  }
0xfa: {  	[sflag:s24] =	ssyncset.done $0x0  }
0xfb: {  	s8 =	rddreg [dreg:$0x1e];
	[sflag:s24] =	ssyncadd.s32 $0xFFFFD800  }
0xfc: {  	[tilespmem:s16], [sflag:$0x4] =	stream.indirect.gather [hbm4b:s3+s12], $0x80, s8, s12, $0xb8;
	[tilespmem:$0x1FC80] =	vst v63  }
0xfd: {  	_ =	swait.ge [sflag:s17], $0x2800  }
0xfe: {  	[sflag:s17] =	ssyncset.done $0x0  }
0xff: {  	s9 =	rddreg [dreg:$0x1f];
	[sflag:s17] =	ssyncadd.s32 $0xFFFFD800  }
0x100: {  	[spmem:s1] =	stream.indirect.scatter.add.f32 [tilespmem:s13], [sflag:$0x5], $0x80, s9, s12, $0xb8;
	[tilespmem:$0x1FC80] =	vst v63  }
0x101: {  	_ =	swait.ge [sflag:s18], $0x2800  }
0x102: {  	s8 =	sld [smem:$0x7F1]  }
0x103: {  	[sflag:s18] =	ssyncset.done $0x0  }
0x104: {  	[sflag:s18] =	ssyncadd.s32 $0xFFFFD800  }
0x105: {  	[spmem:s1] =	stream.indirect.scatter.add.f32 [tilespmem:s14], [sflag:$0x6], $0x80, s8, s12, $0xb8;
	[tilespmem:$0x1FC80] =	vst v63  }
0x106: {  	_ =	swait.ge [sflag:s19], $0x2800  }
0x107: {  	s9 =	sld [smem:$0x7F2]  }
0x108: {  	[sflag:s19] =	ssyncset.done $0x0  }
0x109: {  	[sflag:s19] =	ssyncadd.s32 $0xFFFFD800  }
0x10a: {  	[spmem:s1] =	stream.indirect.scatter.add.f32 [tilespmem:s15], [sflag:$0x7], $0x80, s9, s12, $0xb8;
	[tilespmem:$0x1FC80] =	vst v63  }
0x10b: {  	_ =	swait.ge [sflag:s20], $0x2800  }
0x10c: {  	s8 =	sld [smem:$0x7F3]  }
0x10d: {  	[sflag:s20] =	ssyncset.done $0x0  }
0x10e: {  	[sflag:s20] =	ssyncadd.s32 $0xFFFFD800  }
0x10f: {  	[spmem:s1] =	stream.indirect.scatter.add.f32 [tilespmem:s16], [sflag:$0x8], $0x80, s8, s12, $0xb8;
	[tilespmem:$0x1FC80] =	vst v63  }
0x110: {  	_ =	swait.ge [sflag:s21], $0x2800  }
0x111: {  	s9 =	sld [smem:$0x7F4]  }
0x112: {  	[sflag:s21] =	ssyncset.done $0x0  }
0x113: {  	[sflag:s21] =	ssyncadd.s32 $0xFFFFD800  }
0x114: {  	[tilespmem:s13], [sflag:$0x1] =	stream.indirect.gather [hbm4b:s3+s12], $0x80, s9, s12, $0xb8;
	[tilespmem:$0x1FC80] =	vst v63  }
0x115: {  	_ =	swait.ge [sflag:s22], $0x2800  }
0x116: {  	s8 =	sld [smem:$0x7F5]  }
0x117: {  	[sflag:s22] =	ssyncset.done $0x0  }
0x118: {  	[sflag:s22] =	ssyncadd.s32 $0xFFFFD800  }
0x119: {  	[tilespmem:s14], [sflag:$0x2] =	stream.indirect.gather [hbm4b:s3+s12], $0x80, s8, s12, $0xb8;
	[tilespmem:$0x1FC80] =	vst v63  }
0x11a: {  	_ =	swait.ge [sflag:s23], $0x2800  }
0x11b: {  	s9 =	sld [smem:$0x7F6]  }
0x11c: {  	[sflag:s23] =	ssyncset.done $0x0  }
0x11d: {  	[sflag:s23] =	ssyncadd.s32 $0xFFFFD800  }
0x11e: {  	[tilespmem:s15], [sflag:$0x3] =	stream.indirect.gather [hbm4b:s3+s12], $0x80, s9, s12, $0xb8;
	[tilespmem:$0x1FC80] =	vst v63  }
0x11f: {  	_ =	swait.ge [sflag:s24], $0x2800  }
0x120: {  	s8 =	sld [smem:$0x7F7]  }
0x121: {  	[sflag:s24] =	ssyncset.done $0x0  }
0x122: {  	[sflag:s24] =	ssyncadd.s32 $0xFFFFD800  }
0x123: {  	[tilespmem:s16], [sflag:$0x4] =	stream.indirect.gather [hbm4b:s3+s12], $0x80, s8, s12, $0xb8;
	[tilespmem:$0x1FC80] =	vst v63  }
0x124: {  	_ =	swait.ge [sflag:s17], $0x2800  }
0x125: {  	s9 =	sld [smem:$0x7F8]  }
0x126: {  	[sflag:s17] =	ssyncset.done $0x0  }
0x127: {  	[sflag:s17] =	ssyncadd.s32 $0xFFFFD800  }
0x128: {  	[spmem:s1] =	stream.indirect.scatter.add.f32 [tilespmem:s13], [sflag:$0x5], $0x80, s9, s12, $0xb8;
	[tilespmem:$0x1FC80] =	vst v63  }
0x129: {  	_ =	swait.ge [sflag:s18], $0x2800  }
0x12a: {  	s8 =	sld [smem:$0x7F9]  }
0x12b: {  	[sflag:s18] =	ssyncset.done $0x0  }
0x12c: {  	[sflag:s18] =	ssyncadd.s32 $0xFFFFD800  }
0x12d: {  	[spmem:s1] =	stream.indirect.scatter.add.f32 [tilespmem:s14], [sflag:$0x6], $0x80, s8, s12, $0xb8;
	[tilespmem:$0x1FC80] =	vst v63  }
0x12e: {  	_ =	swait.ge [sflag:s19], $0x2800  }
0x12f: {  	s9 =	sld [smem:$0x7FA]  }
0x130: {  	[sflag:s19] =	ssyncset.done $0x0  }
0x131: {  	[sflag:s19] =	ssyncadd.s32 $0xFFFFD800  }
0x132: {  	[spmem:s1] =	stream.indirect.scatter.add.f32 [tilespmem:s15], [sflag:$0x7], $0x80, s9, s12, $0xb8;
	[tilespmem:$0x1FC80] =	vst v63  }
0x133: {  	_ =	swait.ge [sflag:s20], $0x2800  }
0x134: {  	s8 =	sld [smem:$0x7FB]  }
0x135: {  	[sflag:s20] =	ssyncset.done $0x0  }
0x136: {  	[sflag:s20] =	ssyncadd.s32 $0xFFFFD800  }
0x137: {  	[spmem:s1] =	stream.indirect.scatter.add.f32 [tilespmem:s16], [sflag:$0x8], $0x80, s8, s12, $0xb8;
	[tilespmem:$0x1FC80] =	vst v63  }
0x138: {  	_ =	swait.ge [sflag:s21], $0x2800  }
0x139: {  	s9 =	sld [smem:$0x7FC]  }
0x13a: {  	[sflag:s21] =	ssyncset.done $0x0  }
0x13b: {  	[sflag:s21] =	ssyncadd.s32 $0xFFFFD800  }
0x13c: {  	[tilespmem:s13], [sflag:$0x1] =	stream.indirect.gather [hbm4b:s3+s12], $0x80, s9, s12, $0xb8;
	[tilespmem:$0x1FC80] =	vst v63  }
0x13d: {  	_ =	swait.ge [sflag:s22], $0x2800  }
0x13e: {  	[sflag:s22] =	ssyncset.done $0x0  }
0x13f: {  	[sflag:s22] =	ssyncadd.s32 $0xFFFFD800  }
0x140: {  	[tilespmem:s14], [sflag:$0x2] =	stream.indirect.gather [hbm4b:s3+s12], $0x80, s25, s12, $0xb8;
	[tilespmem:$0x1FC80] =	vst v63  }
0x141: {  	_ =	swait.ge [sflag:s23], $0x2800  }
0x142: {  	[sflag:s23] =	ssyncset.done $0x0  }
0x143: {  	[sflag:s23] =	ssyncadd.s32 $0xFFFFD800  }
0x144: {  	[tilespmem:s15], [sflag:$0x3] =	stream.indirect.gather [hbm4b:s3+s12], $0x80, s26, s12, $0xb8;
	[tilespmem:$0x1FC80] =	vst v63  }
0x145: {  	_ =	swait.ge [sflag:s24], $0x2800  }
0x146: {  	[sflag:s24] =	ssyncset.done $0x0  }
0x147: {  	[sflag:s24] =	ssyncadd.s32 $0xFFFFD800  }
0x148: {  	[tilespmem:s16], [sflag:$0x4] =	stream.indirect.gather [hbm4b:s3+s12], $0x80, s28, s12, $0xb8;
	[tilespmem:$0x1FC80] =	vst v63  }
0x149: {  	_ =	swait.ge [sflag:s17], $0x2800  }
0x14a: {  	[sflag:s17] =	ssyncset.done $0x0  }
0x14b: {  	[sflag:s17] =	ssyncadd.s32 $0xFFFFD800  }
0x14c: {  	[spmem:s1] =	stream.indirect.scatter.add.f32 [tilespmem:s13], [sflag:$0x5], $0x80, s29, s12, $0xb8;
	[tilespmem:$0x1FC80] =	vst v63  }
0x14d: {  	_ =	swait.ge [sflag:s18], $0x2800  }
0x14e: {  	[sflag:s18] =	ssyncset.done $0x0  }
0x14f: {  	[sflag:s18] =	ssyncadd.s32 $0xFFFFD800  }
0x150: {  	[spmem:s1] =	stream.indirect.scatter.add.f32 [tilespmem:s14], [sflag:$0x6], $0x80, s30, s12, $0xb8;
	[tilespmem:$0x1FC80] =	vst v63  }
0x151: {  	_ =	swait.ge [sflag:s19], $0x2800  }
0x152: {  	[sflag:s19] =	ssyncset.done $0x0  }
0x153: {  	[sflag:s19] =	ssyncadd.s32 $0xFFFFD800  }
0x154: {  	[spmem:s1] =	stream.indirect.scatter.add.f32 [tilespmem:s15], [sflag:$0x7], $0x80, s31, s12, $0xb8;
	[tilespmem:$0x1FC80] =	vst v63  }
0x155: {  	_ =	swait.ge [sflag:s20], $0x2800  }
0x156: {  	[sflag:s20] =	ssyncset.done $0x0  }
0x157: {  	[sflag:s20] =	ssyncadd.s32 $0xFFFFD800  }
0x158: {  	[spmem:s1] =	stream.indirect.scatter.add.f32 [tilespmem:s16], [sflag:$0x8], $0x80, s0, s12, $0xb8;
	[tilespmem:$0x1FC80] =	vst v63  }
0x159: {  	_ =	swait.ge [sflag:s21], $0x2800  }
0x15a: {  	[sflag:s21] =	ssyncset.done $0x0  }
0x15b: {  	[sflag:s21] =	ssyncadd.s32 $0xFFFFD800  }
0x15c: {  	_ =	swait.ge [sflag:s22], $0x2800  }
0x15d: {  	[sflag:s22] =	ssyncset.done $0x0  }
0x15e: {  	[sflag:s22] =	ssyncadd.s32 $0xFFFFD800  }
0x15f: {  	_ =	swait.ge [sflag:s23], $0x2800  }
0x160: {  	[sflag:s23] =	ssyncset.done $0x0  }
0x161: {  	[sflag:s23] =	ssyncadd.s32 $0xFFFFD800  }
0x162: {  	_ =	swait.ge [sflag:s24], $0x2800  }
0x163: {  	[sflag:s24] =	ssyncset.done $0x0  }
0x164: {  	[sflag:s24] =	ssyncadd.s32 $0xFFFFD800  }
0x165: {  	[tilespmem:s13], [sflag:$0x1] =	stream.indirect.gather [hbm4b:s3+s12], $0x80, s5, s12, $0xb8;
	[tilespmem:$0x1FC80] =	vst v63  }
0x166: {  	_ =	swait.ge [sflag:s17], $0x2800  }
0x167: {  	[sflag:s17] =	ssyncset.done $0x0  }
0x168: {  	[sflag:s17] =	ssyncadd.s32 $0xFFFFD800  }
0x169: {  	[spmem:s1] =	stream.indirect.scatter.add.f32 [tilespmem:s13], [sflag:$0x5], $0x80, s6, s12, $0xb8;
	[tilespmem:$0x1FC80] =	vst v63  }
0x16a: {  	s7 =	simm.s32 $0x400;
	_ =	swait.ge [sflag:s21], $0x2800  }
0x16b: {  	s8 =	simm.s32 $0x200;
	s9 =	rddreg [dreg:$0x4];
	[sflag:s21] =	ssyncset.done $0x0  }
.LBB2_4:
0x16c: {  	[sflag:s21] =	ssyncadd.s32 $0xFFFFD800;
	s9 =	sadd.s32 s8, s9  }
0x16d: {  	[tilespmem:s2], [sflag:$0x9] =	stream.linear.gather [hbm4b:s9+s2], $0xC80, $0x38;
	[tilespmem:$0x1FC80] =	vst v63  }
0x16e: {  	_ =	swait.ge [sflag:s10], $0xC80  }
0x16f: {  	s9 =	rddreg [dreg:$0x3];
	[sflag:s10] =	ssyncset.done $0x0  }
0x170: {  	[sflag:s10] =	ssyncadd.s32 $0xFFFFF380;
	s9 =	sadd.s32 s8, s9  }
0x171: {  	[tilespmem:s11], [sflag:$0x9] =	stream.linear.gather [hbm4b:s9+s2], $0xC80, $0x38;
	[tilespmem:$0x1FC80] =	vst v63  }
0x172: {  	_ =	swait.ge [sflag:s10], $0xC80  }
0x173: {  	[sflag:s10] =	ssyncset.done $0x0  }
0x174: {  	[sflag:s10] =	ssyncadd.s32 $0xFFFFF380  }
0x175: {  	[tilespmem:s13], [sflag:$0x1] =	stream.indirect.gather [hbm4b:s3+s12], $0x80, s2, s12, $0xb8;
	[tilespmem:$0x1FC80] =	vst v63  }
0x176: {  	s25 =	smov.u32 s7;
	s9 =	rddreg [dreg:$0x5]  }
0x177: {  	[tilespmem:s14], [sflag:$0x2] =	stream.indirect.gather [hbm4b:s3+s12], $0x80, s9, s12, $0xb8;
	[tilespmem:$0x1FC80] =	vst v63  }
0x178: {  	s8 =	smov.u32 s25;
	s25 =	rddreg [dreg:$0x6]  }
0x179: {  	[tilespmem:s15], [sflag:$0x3] =	stream.indirect.gather [hbm4b:s3+s12], $0x80, s25, s12, $0xb8;
	[tilespmem:$0x1FC80] =	vst v63  }
0x17a: {  	s9 =	rddreg [dreg:$0x7]  }
0x17b: {  	[tilespmem:s16], [sflag:$0x4] =	stream.indirect.gather [hbm4b:s3+s12], $0x80, s9, s12, $0xb8;
	[tilespmem:$0x1FC80] =	vst v63  }
0x17c: {  	_ =	swait.ge [sflag:s17], $0x2800  }
0x17d: {  	[sflag:s17] =	ssyncset.done $0x0  }
0x17e: {  	[sflag:s17] =	ssyncadd.s32 $0xFFFFD800  }
0x17f: {  	[spmem:s1] =	stream.indirect.scatter.add.f32 [tilespmem:s13], [sflag:$0x5], $0x80, s11, s12, $0xb8;
	[tilespmem:$0x1FC80] =	vst v63  }
0x180: {  	_ =	swait.ge [sflag:s18], $0x2800  }
0x181: {  	[sflag:s18] =	ssyncset.done $0x0  }
0x182: {  	s9 =	rddreg [dreg:$0x8];
	[sflag:s18] =	ssyncadd.s32 $0xFFFFD800  }
0x183: {  	[spmem:s1] =	stream.indirect.scatter.add.f32 [tilespmem:s14], [sflag:$0x6], $0x80, s9, s12, $0xb8;
	[tilespmem:$0x1FC80] =	vst v63  }
0x184: {  	_ =	swait.ge [sflag:s19], $0x2800  }
0x185: {  	[sflag:s19] =	ssyncset.done $0x0  }
0x186: {  	s9 =	rddreg [dreg:$0x9];
	[sflag:s19] =	ssyncadd.s32 $0xFFFFD800  }
0x187: {  	[spmem:s1] =	stream.indirect.scatter.add.f32 [tilespmem:s15], [sflag:$0x7], $0x80, s9, s12, $0xb8;
	[tilespmem:$0x1FC80] =	vst v63  }
0x188: {  	_ =	swait.ge [sflag:s20], $0x2800  }
0x189: {  	[sflag:s20] =	ssyncset.done $0x0  }
0x18a: {  	s9 =	rddreg [dreg:$0xa];
	[sflag:s20] =	ssyncadd.s32 $0xFFFFD800  }
0x18b: {  	[spmem:s1] =	stream.indirect.scatter.add.f32 [tilespmem:s16], [sflag:$0x8], $0x80, s9, s12, $0xb8;
	[tilespmem:$0x1FC80] =	vst v63  }
0x18c: {  	_ =	swait.ge [sflag:s21], $0x2800  }
0x18d: {  	[sflag:s21] =	ssyncset.done $0x0  }
0x18e: {  	s9 =	rddreg [dreg:$0xb];
	[sflag:s21] =	ssyncadd.s32 $0xFFFFD800  }
0x18f: {  	[tilespmem:s13], [sflag:$0x1] =	stream.indirect.gather [hbm4b:s3+s12], $0x80, s9, s12, $0xb8;
	[tilespmem:$0x1FC80] =	vst v63  }
0x190: {  	_ =	swait.ge [sflag:s22], $0x2800  }
0x191: {  	[sflag:s22] =	ssyncset.done $0x0  }
0x192: {  	s9 =	rddreg [dreg:$0xc];
	[sflag:s22] =	ssyncadd.s32 $0xFFFFD800  }
0x193: {  	[tilespmem:s14], [sflag:$0x2] =	stream.indirect.gather [hbm4b:s3+s12], $0x80, s9, s12, $0xb8;
	[tilespmem:$0x1FC80] =	vst v63  }
0x194: {  	_ =	swait.ge [sflag:s23], $0x2800  }
0x195: {  	[sflag:s23] =	ssyncset.done $0x0  }
0x196: {  	s9 =	rddreg [dreg:$0xd];
	[sflag:s23] =	ssyncadd.s32 $0xFFFFD800  }
0x197: {  	[tilespmem:s15], [sflag:$0x3] =	stream.indirect.gather [hbm4b:s3+s12], $0x80, s9, s12, $0xb8;
	[tilespmem:$0x1FC80] =	vst v63  }
0x198: {  	_ =	swait.ge [sflag:s24], $0x2800  }
0x199: {  	[sflag:s24] =	ssyncset.done $0x0  }
0x19a: {  	s9 =	rddreg [dreg:$0xe];
	[sflag:s24] =	ssyncadd.s32 $0xFFFFD800  }
0x19b: {  	[tilespmem:s16], [sflag:$0x4] =	stream.indirect.gather [hbm4b:s3+s12], $0x80, s9, s12, $0xb8;
	[tilespmem:$0x1FC80] =	vst v63  }
0x19c: {  	_ =	swait.ge [sflag:s17], $0x2800  }
0x19d: {  	[sflag:s17] =	ssyncset.done $0x0  }
0x19e: {  	s9 =	rddreg [dreg:$0xf];
	[sflag:s17] =	ssyncadd.s32 $0xFFFFD800  }
0x19f: {  	[spmem:s1] =	stream.indirect.scatter.add.f32 [tilespmem:s13], [sflag:$0x5], $0x80, s9, s12, $0xb8;
	[tilespmem:$0x1FC80] =	vst v63  }
0x1a0: {  	_ =	swait.ge [sflag:s18], $0x2800  }
0x1a1: {  	[sflag:s18] =	ssyncset.done $0x0  }
0x1a2: {  	s9 =	rddreg [dreg:$0x10];
	[sflag:s18] =	ssyncadd.s32 $0xFFFFD800  }
0x1a3: {  	[spmem:s1] =	stream.indirect.scatter.add.f32 [tilespmem:s14], [sflag:$0x6], $0x80, s9, s12, $0xb8;
	[tilespmem:$0x1FC80] =	vst v63  }
0x1a4: {  	_ =	swait.ge [sflag:s19], $0x2800  }
0x1a5: {  	[sflag:s19] =	ssyncset.done $0x0  }
0x1a6: {  	s9 =	rddreg [dreg:$0x11];
	[sflag:s19] =	ssyncadd.s32 $0xFFFFD800  }
0x1a7: {  	[spmem:s1] =	stream.indirect.scatter.add.f32 [tilespmem:s15], [sflag:$0x7], $0x80, s9, s12, $0xb8;
	[tilespmem:$0x1FC80] =	vst v63  }
0x1a8: {  	_ =	swait.ge [sflag:s20], $0x2800  }
0x1a9: {  	[sflag:s20] =	ssyncset.done $0x0  }
0x1aa: {  	s9 =	rddreg [dreg:$0x12];
	[sflag:s20] =	ssyncadd.s32 $0xFFFFD800  }
0x1ab: {  	[spmem:s1] =	stream.indirect.scatter.add.f32 [tilespmem:s16], [sflag:$0x8], $0x80, s9, s12, $0xb8;
	[tilespmem:$0x1FC80] =	vst v63  }
0x1ac: {  	_ =	swait.ge [sflag:s21], $0x2800  }
0x1ad: {  	[sflag:s21] =	ssyncset.done $0x0  }
0x1ae: {  	s9 =	rddreg [dreg:$0x13];
	[sflag:s21] =	ssyncadd.s32 $0xFFFFD800  }
0x1af: {  	[tilespmem:s13], [sflag:$0x1] =	stream.indirect.gather [hbm4b:s3+s12], $0x80, s9, s12, $0xb8;
	[tilespmem:$0x1FC80] =	vst v63  }
0x1b0: {  	_ =	swait.ge [sflag:s22], $0x2800  }
0x1b1: {  	[sflag:s22] =	ssyncset.done $0x0  }
0x1b2: {  	s9 =	rddreg [dreg:$0x14];
	[sflag:s22] =	ssyncadd.s32 $0xFFFFD800  }
0x1b3: {  	[tilespmem:s14], [sflag:$0x2] =	stream.indirect.gather [hbm4b:s3+s12], $0x80, s9, s12, $0xb8;
	[tilespmem:$0x1FC80] =	vst v63  }
0x1b4: {  	_ =	swait.ge [sflag:s23], $0x2800  }
0x1b5: {  	[sflag:s23] =	ssyncset.done $0x0  }
0x1b6: {  	s9 =	rddreg [dreg:$0x15];
	[sflag:s23] =	ssyncadd.s32 $0xFFFFD800  }
0x1b7: {  	[tilespmem:s15], [sflag:$0x3] =	stream.indirect.gather [hbm4b:s3+s12], $0x80, s9, s12, $0xb8;
	[tilespmem:$0x1FC80] =	vst v63  }
0x1b8: {  	_ =	swait.ge [sflag:s24], $0x2800  }
0x1b9: {  	[sflag:s24] =	ssyncset.done $0x0  }
0x1ba: {  	s9 =	rddreg [dreg:$0x16];
	[sflag:s24] =	ssyncadd.s32 $0xFFFFD800  }
0x1bb: {  	[tilespmem:s16], [sflag:$0x4] =	stream.indirect.gather [hbm4b:s3+s12], $0x80, s9, s12, $0xb8;
	[tilespmem:$0x1FC80] =	vst v63  }
0x1bc: {  	_ =	swait.ge [sflag:s17], $0x2800  }
0x1bd: {  	[sflag:s17] =	ssyncset.done $0x0  }
0x1be: {  	s9 =	rddreg [dreg:$0x17];
	[sflag:s17] =	ssyncadd.s32 $0xFFFFD800  }
0x1bf: {  	[spmem:s1] =	stream.indirect.scatter.add.f32 [tilespmem:s13], [sflag:$0x5], $0x80, s9, s12, $0xb8;
	[tilespmem:$0x1FC80] =	vst v63  }
0x1c0: {  	_ =	swait.ge [sflag:s18], $0x2800  }
0x1c1: {  	[sflag:s18] =	ssyncset.done $0x0  }
0x1c2: {  	s9 =	rddreg [dreg:$0x18];
	[sflag:s18] =	ssyncadd.s32 $0xFFFFD800  }
0x1c3: {  	[spmem:s1] =	stream.indirect.scatter.add.f32 [tilespmem:s14], [sflag:$0x6], $0x80, s9, s12, $0xb8;
	[tilespmem:$0x1FC80] =	vst v63  }
0x1c4: {  	_ =	swait.ge [sflag:s19], $0x2800  }
0x1c5: {  	[sflag:s19] =	ssyncset.done $0x0  }
0x1c6: {  	s9 =	rddreg [dreg:$0x19];
	[sflag:s19] =	ssyncadd.s32 $0xFFFFD800  }
0x1c7: {  	[spmem:s1] =	stream.indirect.scatter.add.f32 [tilespmem:s15], [sflag:$0x7], $0x80, s9, s12, $0xb8;
	[tilespmem:$0x1FC80] =	vst v63  }
0x1c8: {  	_ =	swait.ge [sflag:s20], $0x2800  }
0x1c9: {  	[sflag:s20] =	ssyncset.done $0x0  }
0x1ca: {  	s9 =	rddreg [dreg:$0x1a];
	[sflag:s20] =	ssyncadd.s32 $0xFFFFD800  }
0x1cb: {  	[spmem:s1] =	stream.indirect.scatter.add.f32 [tilespmem:s16], [sflag:$0x8], $0x80, s9, s12, $0xb8;
	[tilespmem:$0x1FC80] =	vst v63  }
0x1cc: {  	_ =	swait.ge [sflag:s21], $0x2800  }
0x1cd: {  	[sflag:s21] =	ssyncset.done $0x0  }
0x1ce: {  	s9 =	rddreg [dreg:$0x1b];
	[sflag:s21] =	ssyncadd.s32 $0xFFFFD800  }
0x1cf: {  	[tilespmem:s13], [sflag:$0x1] =	stream.indirect.gather [hbm4b:s3+s12], $0x80, s9, s12, $0xb8;
	[tilespmem:$0x1FC80] =	vst v63  }
0x1d0: {  	_ =	swait.ge [sflag:s22], $0x2800  }
0x1d1: {  	[sflag:s22] =	ssyncset.done $0x0  }
0x1d2: {  	s9 =	rddreg [dreg:$0x1c];
	[sflag:s22] =	ssyncadd.s32 $0xFFFFD800  }
0x1d3: {  	[tilespmem:s14], [sflag:$0x2] =	stream.indirect.gather [hbm4b:s3+s12], $0x80, s9, s12, $0xb8;
	[tilespmem:$0x1FC80] =	vst v63  }
0x1d4: {  	_ =	swait.ge [sflag:s23], $0x2800  }
0x1d5: {  	[sflag:s23] =	ssyncset.done $0x0  }
0x1d6: {  	s9 =	rddreg [dreg:$0x1d];
	[sflag:s23] =	ssyncadd.s32 $0xFFFFD800  }
0x1d7: {  	[tilespmem:s15], [sflag:$0x3] =	stream.indirect.gather [hbm4b:s3+s12], $0x80, s9, s12, $0xb8;
	[tilespmem:$0x1FC80] =	vst v63  }
0x1d8: {  	_ =	swait.ge [sflag:s24], $0x2800  }
0x1d9: {  	[sflag:s24] =	ssyncset.done $0x0  }
0x1da: {  	s9 =	rddreg [dreg:$0x1e];
	[sflag:s24] =	ssyncadd.s32 $0xFFFFD800  }
0x1db: {  	[tilespmem:s16], [sflag:$0x4] =	stream.indirect.gather [hbm4b:s3+s12], $0x80, s9, s12, $0xb8;
	[tilespmem:$0x1FC80] =	vst v63  }
0x1dc: {  	_ =	swait.ge [sflag:s17], $0x2800  }
0x1dd: {  	[sflag:s17] =	ssyncset.done $0x0  }
0x1de: {  	s9 =	rddreg [dreg:$0x1f];
	[sflag:s17] =	ssyncadd.s32 $0xFFFFD800  }
0x1df: {  	[spmem:s1] =	stream.indirect.scatter.add.f32 [tilespmem:s13], [sflag:$0x5], $0x80, s9, s12, $0xb8;
	[tilespmem:$0x1FC80] =	vst v63  }
0x1e0: {  	_ =	swait.ge [sflag:s18], $0x2800  }
0x1e1: {  	s9 =	sld [smem:$0x7F1]  }
0x1e2: {  	[sflag:s18] =	ssyncset.done $0x0  }
0x1e3: {  	[sflag:s18] =	ssyncadd.s32 $0xFFFFD800  }
0x1e4: {  	[spmem:s1] =	stream.indirect.scatter.add.f32 [tilespmem:s14], [sflag:$0x6], $0x80, s9, s12, $0xb8;
	[tilespmem:$0x1FC80] =	vst v63  }
0x1e5: {  	_ =	swait.ge [sflag:s19], $0x2800  }
0x1e6: {  	s9 =	sld [smem:$0x7F2]  }
0x1e7: {  	[sflag:s19] =	ssyncset.done $0x0  }
0x1e8: {  	[sflag:s19] =	ssyncadd.s32 $0xFFFFD800  }
0x1e9: {  	[spmem:s1] =	stream.indirect.scatter.add.f32 [tilespmem:s15], [sflag:$0x7], $0x80, s9, s12, $0xb8;
	[tilespmem:$0x1FC80] =	vst v63  }
0x1ea: {  	_ =	swait.ge [sflag:s20], $0x2800  }
0x1eb: {  	s9 =	sld [smem:$0x7F3]  }
0x1ec: {  	[sflag:s20] =	ssyncset.done $0x0  }
0x1ed: {  	[sflag:s20] =	ssyncadd.s32 $0xFFFFD800  }
0x1ee: {  	[spmem:s1] =	stream.indirect.scatter.add.f32 [tilespmem:s16], [sflag:$0x8], $0x80, s9, s12, $0xb8;
	[tilespmem:$0x1FC80] =	vst v63  }
0x1ef: {  	_ =	swait.ge [sflag:s21], $0x2800  }
0x1f0: {  	s9 =	sld [smem:$0x7F4]  }
0x1f1: {  	[sflag:s21] =	ssyncset.done $0x0  }
0x1f2: {  	[sflag:s21] =	ssyncadd.s32 $0xFFFFD800  }
0x1f3: {  	[tilespmem:s13], [sflag:$0x1] =	stream.indirect.gather [hbm4b:s3+s12], $0x80, s9, s12, $0xb8;
	[tilespmem:$0x1FC80] =	vst v63  }
0x1f4: {  	_ =	swait.ge [sflag:s22], $0x2800  }
0x1f5: {  	s9 =	sld [smem:$0x7F5]  }
0x1f6: {  	[sflag:s22] =	ssyncset.done $0x0  }
0x1f7: {  	[sflag:s22] =	ssyncadd.s32 $0xFFFFD800  }
0x1f8: {  	[tilespmem:s14], [sflag:$0x2] =	stream.indirect.gather [hbm4b:s3+s12], $0x80, s9, s12, $0xb8;
	[tilespmem:$0x1FC80] =	vst v63  }
0x1f9: {  	_ =	swait.ge [sflag:s23], $0x2800  }
0x1fa: {  	s9 =	sld [smem:$0x7F6]  }
0x1fb: {  	[sflag:s23] =	ssyncset.done $0x0  }
0x1fc: {  	[sflag:s23] =	ssyncadd.s32 $0xFFFFD800  }
0x1fd: {  	[tilespmem:s15], [sflag:$0x3] =	stream.indirect.gather [hbm4b:s3+s12], $0x80, s9, s12, $0xb8;
	[tilespmem:$0x1FC80] =	vst v63  }
0x1fe: {  	_ =	swait.ge [sflag:s24], $0x2800  }
0x1ff: {  	s9 =	sld [smem:$0x7F7]  }
0x200: {  	[sflag:s24] =	ssyncset.done $0x0  }
0x201: {  	[sflag:s24] =	ssyncadd.s32 $0xFFFFD800  }
0x202: {  	[tilespmem:s16], [sflag:$0x4] =	stream.indirect.gather [hbm4b:s3+s12], $0x80, s9, s12, $0xb8;
	[tilespmem:$0x1FC80] =	vst v63  }
0x203: {  	_ =	swait.ge [sflag:s17], $0x2800  }
0x204: {  	s9 =	sld [smem:$0x7F8]  }
0x205: {  	[sflag:s17] =	ssyncset.done $0x0  }
0x206: {  	[sflag:s17] =	ssyncadd.s32 $0xFFFFD800  }
0x207: {  	[spmem:s1] =	stream.indirect.scatter.add.f32 [tilespmem:s13], [sflag:$0x5], $0x80, s9, s12, $0xb8;
	[tilespmem:$0x1FC80] =	vst v63  }
0x208: {  	_ =	swait.ge [sflag:s18], $0x2800  }
0x209: {  	s9 =	sld [smem:$0x7F9]  }
0x20a: {  	[sflag:s18] =	ssyncset.done $0x0  }
0x20b: {  	[sflag:s18] =	ssyncadd.s32 $0xFFFFD800  }
0x20c: {  	[spmem:s1] =	stream.indirect.scatter.add.f32 [tilespmem:s14], [sflag:$0x6], $0x80, s9, s12, $0xb8;
	[tilespmem:$0x1FC80] =	vst v63  }
0x20d: {  	_ =	swait.ge [sflag:s19], $0x2800  }
0x20e: {  	s9 =	sld [smem:$0x7FA]  }
0x20f: {  	[sflag:s19] =	ssyncset.done $0x0  }
0x210: {  	[sflag:s19] =	ssyncadd.s32 $0xFFFFD800  }
0x211: {  	[spmem:s1] =	stream.indirect.scatter.add.f32 [tilespmem:s15], [sflag:$0x7], $0x80, s9, s12, $0xb8;
	[tilespmem:$0x1FC80] =	vst v63  }
0x212: {  	_ =	swait.ge [sflag:s20], $0x2800  }
0x213: {  	s9 =	sld [smem:$0x7FB]  }
0x214: {  	[sflag:s20] =	ssyncset.done $0x0  }
0x215: {  	[sflag:s20] =	ssyncadd.s32 $0xFFFFD800  }
0x216: {  	[spmem:s1] =	stream.indirect.scatter.add.f32 [tilespmem:s16], [sflag:$0x8], $0x80, s9, s12, $0xb8;
	[tilespmem:$0x1FC80] =	vst v63  }
0x217: {  	_ =	swait.ge [sflag:s21], $0x2800  }
0x218: {  	s9 =	sld [smem:$0x7FC]  }
0x219: {  	[sflag:s21] =	ssyncset.done $0x0  }
0x21a: {  	[sflag:s21] =	ssyncadd.s32 $0xFFFFD800  }
0x21b: {  	[tilespmem:s13], [sflag:$0x1] =	stream.indirect.gather [hbm4b:s3+s12], $0x80, s9, s12, $0xb8;
	[tilespmem:$0x1FC80] =	vst v63  }
0x21c: {  	_ =	swait.ge [sflag:s22], $0x2800  }
0x21d: {  	[sflag:s22] =	ssyncset.done $0x0  }
0x21e: {  	s25 =	simm.s32 $0xA80;
	[sflag:s22] =	ssyncadd.s32 $0xFFFFD800  }
0x21f: {  	[tilespmem:s14], [sflag:$0x2] =	stream.indirect.gather [hbm4b:s3+s12], $0x80, s25, s12, $0xb8;
	[tilespmem:$0x1FC80] =	vst v63  }
0x220: {  	_ =	swait.ge [sflag:s23], $0x2800  }
0x221: {  	[sflag:s23] =	ssyncset.done $0x0  }
0x222: {  	[sflag:s23] =	ssyncadd.s32 $0xFFFFD800  }
0x223: {  	[tilespmem:s15], [sflag:$0x3] =	stream.indirect.gather [hbm4b:s3+s12], $0x80, s26, s12, $0xb8;
	[tilespmem:$0x1FC80] =	vst v63  }
0x224: {  	_ =	swait.ge [sflag:s24], $0x2800  }
0x225: {  	[sflag:s24] =	ssyncset.done $0x0  }
0x226: {  	[sflag:s24] =	ssyncadd.s32 $0xFFFFD800  }
0x227: {  	[tilespmem:s16], [sflag:$0x4] =	stream.indirect.gather [hbm4b:s3+s12], $0x80, s28, s12, $0xb8;
	[tilespmem:$0x1FC80] =	vst v63  }
0x228: {  	_ =	swait.ge [sflag:s17], $0x2800  }
0x229: {  	[sflag:s17] =	ssyncset.done $0x0  }
0x22a: {  	[sflag:s17] =	ssyncadd.s32 $0xFFFFD800  }
0x22b: {  	[spmem:s1] =	stream.indirect.scatter.add.f32 [tilespmem:s13], [sflag:$0x5], $0x80, s29, s12, $0xb8;
	[tilespmem:$0x1FC80] =	vst v63  }
0x22c: {  	_ =	swait.ge [sflag:s18], $0x2800  }
0x22d: {  	[sflag:s18] =	ssyncset.done $0x0  }
0x22e: {  	[sflag:s18] =	ssyncadd.s32 $0xFFFFD800  }
0x22f: {  	[spmem:s1] =	stream.indirect.scatter.add.f32 [tilespmem:s14], [sflag:$0x6], $0x80, s30, s12, $0xb8;
	[tilespmem:$0x1FC80] =	vst v63  }
0x230: {  	_ =	swait.ge [sflag:s19], $0x2800  }
0x231: {  	[sflag:s19] =	ssyncset.done $0x0  }
0x232: {  	[sflag:s19] =	ssyncadd.s32 $0xFFFFD800  }
0x233: {  	[spmem:s1] =	stream.indirect.scatter.add.f32 [tilespmem:s15], [sflag:$0x7], $0x80, s31, s12, $0xb8;
	[tilespmem:$0x1FC80] =	vst v63  }
0x234: {  	_ =	swait.ge [sflag:s20], $0x2800  }
0x235: {  	[sflag:s20] =	ssyncset.done $0x0  }
0x236: {  	[sflag:s20] =	ssyncadd.s32 $0xFFFFD800  }
0x237: {  	[spmem:s1] =	stream.indirect.scatter.add.f32 [tilespmem:s16], [sflag:$0x8], $0x80, s0, s12, $0xb8;
	[tilespmem:$0x1FC80] =	vst v63  }
0x238: {  	_ =	swait.ge [sflag:s21], $0x2800  }
0x239: {  	[sflag:s21] =	ssyncset.done $0x0  }
0x23a: {  	[sflag:s21] =	ssyncadd.s32 $0xFFFFD800  }
0x23b: {  	_ =	swait.ge [sflag:s22], $0x2800  }
0x23c: {  	[sflag:s22] =	ssyncset.done $0x0  }
0x23d: {  	[sflag:s22] =	ssyncadd.s32 $0xFFFFD800  }
0x23e: {  	_ =	swait.ge [sflag:s23], $0x2800  }
0x23f: {  	[sflag:s23] =	ssyncset.done $0x0  }
0x240: {  	[sflag:s23] =	ssyncadd.s32 $0xFFFFD800  }
0x241: {  	_ =	swait.ge [sflag:s24], $0x2800  }
0x242: {  	[sflag:s24] =	ssyncset.done $0x0  }
0x243: {  	[sflag:s24] =	ssyncadd.s32 $0xFFFFD800  }
0x244: {  	[tilespmem:s13], [sflag:$0x1] =	stream.indirect.gather [hbm4b:s3+s12], $0x80, s5, s12, $0xb8;
	[tilespmem:$0x1FC80] =	vst v63  }
0x245: {  	p2 =	sne.s32 s7, $0x800;
	_ =	swait.ge [sflag:s17], $0x2800  }
.Ltmp1:
0x246: {  	[sflag:s17] =	ssyncset.done $0x0;
	(pc) =	sbr.rel @p2 .LBB2_4-.Ltmp1, $4  }
0x247: {  	[sflag:s17] =	ssyncadd.s32 $0xFFFFD800  }
0x248: {  	[spmem:s1] =	stream.indirect.scatter.add.f32 [tilespmem:s13], [sflag:$0x5], $0x80, s6, s12, $0xb8;
	[tilespmem:$0x1FC80] =	vst v63  }
0x249: {  	_ =	swait.ge [sflag:s21], $0x2800  }
0x24a: {  	s7 =	sadd.s32 $0x200, s7;
	s9 =	rddreg [dreg:$0x4];
	[sflag:s21] =	ssyncset.done $0x0  }
0x24b: {  	[sflag:s21] =	ssyncadd.s32 $0xFFFFD800;
	s7 =	sadd.s32 s8, s9  }
0x24c: {  	[tilespmem:s2], [sflag:$0x9] =	stream.linear.gather [hbm4b:s7+s2], $0xC80, $0x38;
	[tilespmem:$0x1FC80] =	vst v63  }
0x24d: {  	_ =	swait.ge [sflag:s10], $0xC80  }
0x24e: {  	s9 =	rddreg [dreg:$0x3];
	[sflag:s10] =	ssyncset.done $0x0  }
0x24f: {  	[sflag:s10] =	ssyncadd.s32 $0xFFFFF380;
	s7 =	sadd.s32 s8, s9  }
0x250: {  	[tilespmem:s11], [sflag:$0x9] =	stream.linear.gather [hbm4b:s7+s2], $0xC80, $0x38;
	[tilespmem:$0x1FC80] =	vst v63  }
0x251: {  	_ =	swait.ge [sflag:s10], $0xC80  }
0x252: {  	[sflag:s10] =	ssyncset.done $0x0  }
0x253: {  	[sflag:s10] =	ssyncadd.s32 $0xFFFFF380  }
0x254: {  	[tilespmem:s13], [sflag:$0x1] =	stream.indirect.gather [hbm4b:s3+s12], $0x80, s2, s12, $0xb8;
	[tilespmem:$0x1FC80] =	vst v63  }
0x255: {  	s9 =	rddreg [dreg:$0x5]  }
0x256: {  	[tilespmem:s14], [sflag:$0x2] =	stream.indirect.gather [hbm4b:s3+s12], $0x80, s9, s12, $0xb8;
	[tilespmem:$0x1FC80] =	vst v63  }
0x257: {  	s8 =	rddreg [dreg:$0x6]  }
0x258: {  	[tilespmem:s15], [sflag:$0x3] =	stream.indirect.gather [hbm4b:s3+s12], $0x80, s8, s12, $0xb8;
	[tilespmem:$0x1FC80] =	vst v63  }
0x259: {  	s9 =	rddreg [dreg:$0x7]  }
0x25a: {  	[tilespmem:s16], [sflag:$0x4] =	stream.indirect.gather [hbm4b:s3+s12], $0x80, s9, s12, $0xb8;
	[tilespmem:$0x1FC80] =	vst v63  }
0x25b: {  	_ =	swait.ge [sflag:s17], $0x2800  }
0x25c: {  	[sflag:s17] =	ssyncset.done $0x0  }
0x25d: {  	[sflag:s17] =	ssyncadd.s32 $0xFFFFD800  }
0x25e: {  	[spmem:s1] =	stream.indirect.scatter.add.f32 [tilespmem:s13], [sflag:$0x5], $0x80, s11, s12, $0xb8;
	[tilespmem:$0x1FC80] =	vst v63  }
0x25f: {  	_ =	swait.ge [sflag:s18], $0x2800  }
0x260: {  	[sflag:s18] =	ssyncset.done $0x0  }
0x261: {  	s8 =	rddreg [dreg:$0x8];
	[sflag:s18] =	ssyncadd.s32 $0xFFFFD800  }
0x262: {  	[spmem:s1] =	stream.indirect.scatter.add.f32 [tilespmem:s14], [sflag:$0x6], $0x80, s8, s12, $0xb8;
	[tilespmem:$0x1FC80] =	vst v63  }
0x263: {  	_ =	swait.ge [sflag:s19], $0x2800  }
0x264: {  	[sflag:s19] =	ssyncset.done $0x0  }
0x265: {  	s9 =	rddreg [dreg:$0x9];
	[sflag:s19] =	ssyncadd.s32 $0xFFFFD800  }
0x266: {  	[spmem:s1] =	stream.indirect.scatter.add.f32 [tilespmem:s15], [sflag:$0x7], $0x80, s9, s12, $0xb8;
	[tilespmem:$0x1FC80] =	vst v63  }
0x267: {  	_ =	swait.ge [sflag:s20], $0x2800  }
0x268: {  	[sflag:s20] =	ssyncset.done $0x0  }
0x269: {  	s8 =	rddreg [dreg:$0xa];
	[sflag:s20] =	ssyncadd.s32 $0xFFFFD800  }
0x26a: {  	[spmem:s1] =	stream.indirect.scatter.add.f32 [tilespmem:s16], [sflag:$0x8], $0x80, s8, s12, $0xb8;
	[tilespmem:$0x1FC80] =	vst v63  }
0x26b: {  	_ =	swait.ge [sflag:s21], $0x2800  }
0x26c: {  	[sflag:s21] =	ssyncset.done $0x0  }
0x26d: {  	s9 =	rddreg [dreg:$0xb];
	[sflag:s21] =	ssyncadd.s32 $0xFFFFD800  }
0x26e: {  	[tilespmem:s13], [sflag:$0x1] =	stream.indirect.gather [hbm4b:s3+s12], $0x80, s9, s12, $0xb8;
	[tilespmem:$0x1FC80] =	vst v63  }
0x26f: {  	_ =	swait.ge [sflag:s22], $0x2800  }
0x270: {  	[sflag:s22] =	ssyncset.done $0x0  }
0x271: {  	s8 =	rddreg [dreg:$0xc];
	[sflag:s22] =	ssyncadd.s32 $0xFFFFD800  }
0x272: {  	[tilespmem:s14], [sflag:$0x2] =	stream.indirect.gather [hbm4b:s3+s12], $0x80, s8, s12, $0xb8;
	[tilespmem:$0x1FC80] =	vst v63  }
0x273: {  	_ =	swait.ge [sflag:s23], $0x2800  }
0x274: {  	[sflag:s23] =	ssyncset.done $0x0  }
0x275: {  	s9 =	rddreg [dreg:$0xd];
	[sflag:s23] =	ssyncadd.s32 $0xFFFFD800  }
0x276: {  	[tilespmem:s15], [sflag:$0x3] =	stream.indirect.gather [hbm4b:s3+s12], $0x80, s9, s12, $0xb8;
	[tilespmem:$0x1FC80] =	vst v63  }
0x277: {  	_ =	swait.ge [sflag:s24], $0x2800  }
0x278: {  	[sflag:s24] =	ssyncset.done $0x0  }
0x279: {  	s8 =	rddreg [dreg:$0xe];
	[sflag:s24] =	ssyncadd.s32 $0xFFFFD800  }
0x27a: {  	[tilespmem:s16], [sflag:$0x4] =	stream.indirect.gather [hbm4b:s3+s12], $0x80, s8, s12, $0xb8;
	[tilespmem:$0x1FC80] =	vst v63  }
0x27b: {  	_ =	swait.ge [sflag:s17], $0x2800  }
0x27c: {  	[sflag:s17] =	ssyncset.done $0x0  }
0x27d: {  	s9 =	rddreg [dreg:$0xf];
	[sflag:s17] =	ssyncadd.s32 $0xFFFFD800  }
0x27e: {  	[spmem:s1] =	stream.indirect.scatter.add.f32 [tilespmem:s13], [sflag:$0x5], $0x80, s9, s12, $0xb8;
	[tilespmem:$0x1FC80] =	vst v63  }
0x27f: {  	_ =	swait.ge [sflag:s18], $0x2800  }
0x280: {  	[sflag:s18] =	ssyncset.done $0x0  }
0x281: {  	s8 =	rddreg [dreg:$0x10];
	[sflag:s18] =	ssyncadd.s32 $0xFFFFD800  }
0x282: {  	[spmem:s1] =	stream.indirect.scatter.add.f32 [tilespmem:s14], [sflag:$0x6], $0x80, s8, s12, $0xb8;
	[tilespmem:$0x1FC80] =	vst v63  }
0x283: {  	_ =	swait.ge [sflag:s19], $0x2800  }
0x284: {  	[sflag:s19] =	ssyncset.done $0x0  }
0x285: {  	s9 =	rddreg [dreg:$0x11];
	[sflag:s19] =	ssyncadd.s32 $0xFFFFD800  }
0x286: {  	[spmem:s1] =	stream.indirect.scatter.add.f32 [tilespmem:s15], [sflag:$0x7], $0x80, s9, s12, $0xb8;
	[tilespmem:$0x1FC80] =	vst v63  }
0x287: {  	_ =	swait.ge [sflag:s20], $0x2800  }
0x288: {  	[sflag:s20] =	ssyncset.done $0x0  }
0x289: {  	s8 =	rddreg [dreg:$0x12];
	[sflag:s20] =	ssyncadd.s32 $0xFFFFD800  }
0x28a: {  	[spmem:s1] =	stream.indirect.scatter.add.f32 [tilespmem:s16], [sflag:$0x8], $0x80, s8, s12, $0xb8;
	[tilespmem:$0x1FC80] =	vst v63  }
0x28b: {  	_ =	swait.ge [sflag:s21], $0x2800  }
0x28c: {  	[sflag:s21] =	ssyncset.done $0x0  }
0x28d: {  	s9 =	rddreg [dreg:$0x13];
	[sflag:s21] =	ssyncadd.s32 $0xFFFFD800  }
0x28e: {  	[tilespmem:s13], [sflag:$0x1] =	stream.indirect.gather [hbm4b:s3+s12], $0x80, s9, s12, $0xb8;
	[tilespmem:$0x1FC80] =	vst v63  }
0x28f: {  	_ =	swait.ge [sflag:s22], $0x2800  }
0x290: {  	[sflag:s22] =	ssyncset.done $0x0  }
0x291: {  	s8 =	rddreg [dreg:$0x14];
	[sflag:s22] =	ssyncadd.s32 $0xFFFFD800  }
0x292: {  	[tilespmem:s14], [sflag:$0x2] =	stream.indirect.gather [hbm4b:s3+s12], $0x80, s8, s12, $0xb8;
	[tilespmem:$0x1FC80] =	vst v63  }
0x293: {  	_ =	swait.ge [sflag:s23], $0x2800  }
0x294: {  	[sflag:s23] =	ssyncset.done $0x0  }
0x295: {  	s9 =	rddreg [dreg:$0x15];
	[sflag:s23] =	ssyncadd.s32 $0xFFFFD800  }
0x296: {  	[tilespmem:s15], [sflag:$0x3] =	stream.indirect.gather [hbm4b:s3+s12], $0x80, s9, s12, $0xb8;
	[tilespmem:$0x1FC80] =	vst v63  }
0x297: {  	_ =	swait.ge [sflag:s24], $0x2800  }
0x298: {  	[sflag:s24] =	ssyncset.done $0x0  }
0x299: {  	s8 =	rddreg [dreg:$0x16];
	[sflag:s24] =	ssyncadd.s32 $0xFFFFD800  }
0x29a: {  	[tilespmem:s16], [sflag:$0x4] =	stream.indirect.gather [hbm4b:s3+s12], $0x80, s8, s12, $0xb8;
	[tilespmem:$0x1FC80] =	vst v63  }
0x29b: {  	_ =	swait.ge [sflag:s17], $0x2800  }
0x29c: {  	[sflag:s17] =	ssyncset.done $0x0  }
0x29d: {  	s9 =	rddreg [dreg:$0x17];
	[sflag:s17] =	ssyncadd.s32 $0xFFFFD800  }
0x29e: {  	[spmem:s1] =	stream.indirect.scatter.add.f32 [tilespmem:s13], [sflag:$0x5], $0x80, s9, s12, $0xb8;
	[tilespmem:$0x1FC80] =	vst v63  }
0x29f: {  	_ =	swait.ge [sflag:s18], $0x2800  }
0x2a0: {  	[sflag:s18] =	ssyncset.done $0x0  }
0x2a1: {  	s8 =	rddreg [dreg:$0x18];
	[sflag:s18] =	ssyncadd.s32 $0xFFFFD800  }
0x2a2: {  	[spmem:s1] =	stream.indirect.scatter.add.f32 [tilespmem:s14], [sflag:$0x6], $0x80, s8, s12, $0xb8;
	[tilespmem:$0x1FC80] =	vst v63  }
0x2a3: {  	_ =	swait.ge [sflag:s19], $0x2800  }
0x2a4: {  	[sflag:s19] =	ssyncset.done $0x0  }
0x2a5: {  	s9 =	rddreg [dreg:$0x19];
	[sflag:s19] =	ssyncadd.s32 $0xFFFFD800  }
0x2a6: {  	[spmem:s1] =	stream.indirect.scatter.add.f32 [tilespmem:s15], [sflag:$0x7], $0x80, s9, s12, $0xb8;
	[tilespmem:$0x1FC80] =	vst v63  }
0x2a7: {  	_ =	swait.ge [sflag:s20], $0x2800  }
0x2a8: {  	[sflag:s20] =	ssyncset.done $0x0  }
0x2a9: {  	s8 =	rddreg [dreg:$0x1a];
	[sflag:s20] =	ssyncadd.s32 $0xFFFFD800  }
0x2aa: {  	[spmem:s1] =	stream.indirect.scatter.add.f32 [tilespmem:s16], [sflag:$0x8], $0x80, s8, s12, $0xb8;
	[tilespmem:$0x1FC80] =	vst v63  }
0x2ab: {  	_ =	swait.ge [sflag:s21], $0x2800  }
0x2ac: {  	[sflag:s21] =	ssyncset.done $0x0  }
0x2ad: {  	s9 =	rddreg [dreg:$0x1b];
	[sflag:s21] =	ssyncadd.s32 $0xFFFFD800  }
0x2ae: {  	[tilespmem:s13], [sflag:$0x1] =	stream.indirect.gather [hbm4b:s3+s12], $0x80, s9, s12, $0xb8;
	[tilespmem:$0x1FC80] =	vst v63  }
0x2af: {  	_ =	swait.ge [sflag:s22], $0x2800  }
0x2b0: {  	[sflag:s22] =	ssyncset.done $0x0  }
0x2b1: {  	s8 =	rddreg [dreg:$0x1c];
	[sflag:s22] =	ssyncadd.s32 $0xFFFFD800  }
0x2b2: {  	[tilespmem:s14], [sflag:$0x2] =	stream.indirect.gather [hbm4b:s3+s12], $0x80, s8, s12, $0xb8;
	[tilespmem:$0x1FC80] =	vst v63  }
0x2b3: {  	_ =	swait.ge [sflag:s23], $0x2800  }
0x2b4: {  	[sflag:s23] =	ssyncset.done $0x0  }
0x2b5: {  	s9 =	rddreg [dreg:$0x1d];
	[sflag:s23] =	ssyncadd.s32 $0xFFFFD800  }
0x2b6: {  	[tilespmem:s15], [sflag:$0x3] =	stream.indirect.gather [hbm4b:s3+s12], $0x80, s9, s12, $0xb8;
	[tilespmem:$0x1FC80] =	vst v63  }
0x2b7: {  	_ =	swait.ge [sflag:s24], $0x2800  }
0x2b8: {  	[sflag:s24] =	ssyncset.done $0x0  }
0x2b9: {  	s8 =	rddreg [dreg:$0x1e];
	[sflag:s24] =	ssyncadd.s32 $0xFFFFD800  }
0x2ba: {  	[tilespmem:s16], [sflag:$0x4] =	stream.indirect.gather [hbm4b:s3+s12], $0x80, s8, s12, $0xb8;
	[tilespmem:$0x1FC80] =	vst v63  }
0x2bb: {  	_ =	swait.ge [sflag:s17], $0x2800  }
0x2bc: {  	[sflag:s17] =	ssyncset.done $0x0  }
0x2bd: {  	s9 =	rddreg [dreg:$0x1f];
	[sflag:s17] =	ssyncadd.s32 $0xFFFFD800  }
0x2be: {  	[spmem:s1] =	stream.indirect.scatter.add.f32 [tilespmem:s13], [sflag:$0x5], $0x80, s9, s12, $0xb8;
	[tilespmem:$0x1FC80] =	vst v63  }
0x2bf: {  	_ =	swait.ge [sflag:s18], $0x2800  }
0x2c0: {  	s8 =	sld [smem:$0x7F1]  }
0x2c1: {  	[sflag:s18] =	ssyncset.done $0x0  }
0x2c2: {  	[sflag:s18] =	ssyncadd.s32 $0xFFFFD800  }
0x2c3: {  	[spmem:s1] =	stream.indirect.scatter.add.f32 [tilespmem:s14], [sflag:$0x6], $0x80, s8, s12, $0xb8;
	[tilespmem:$0x1FC80] =	vst v63  }
0x2c4: {  	_ =	swait.ge [sflag:s19], $0x2800  }
0x2c5: {  	s9 =	sld [smem:$0x7F2]  }
0x2c6: {  	[sflag:s19] =	ssyncset.done $0x0  }
0x2c7: {  	[sflag:s19] =	ssyncadd.s32 $0xFFFFD800  }
0x2c8: {  	[spmem:s1] =	stream.indirect.scatter.add.f32 [tilespmem:s15], [sflag:$0x7], $0x80, s9, s12, $0xb8;
	[tilespmem:$0x1FC80] =	vst v63  }
0x2c9: {  	_ =	swait.ge [sflag:s20], $0x2800  }
0x2ca: {  	s8 =	sld [smem:$0x7F3]  }
0x2cb: {  	[sflag:s20] =	ssyncset.done $0x0  }
0x2cc: {  	[sflag:s20] =	ssyncadd.s32 $0xFFFFD800  }
0x2cd: {  	[spmem:s1] =	stream.indirect.scatter.add.f32 [tilespmem:s16], [sflag:$0x8], $0x80, s8, s12, $0xb8;
	[tilespmem:$0x1FC80] =	vst v63  }
0x2ce: {  	_ =	swait.ge [sflag:s21], $0x2800  }
0x2cf: {  	s9 =	sld [smem:$0x7F4]  }
0x2d0: {  	[sflag:s21] =	ssyncset.done $0x0  }
0x2d1: {  	[sflag:s21] =	ssyncadd.s32 $0xFFFFD800  }
0x2d2: {  	[tilespmem:s13], [sflag:$0x1] =	stream.indirect.gather [hbm4b:s3+s12], $0x80, s9, s12, $0xb8;
	[tilespmem:$0x1FC80] =	vst v63  }
0x2d3: {  	_ =	swait.ge [sflag:s22], $0x2800  }
0x2d4: {  	s8 =	sld [smem:$0x7F5]  }
0x2d5: {  	[sflag:s22] =	ssyncset.done $0x0  }
0x2d6: {  	[sflag:s22] =	ssyncadd.s32 $0xFFFFD800  }
0x2d7: {  	[tilespmem:s14], [sflag:$0x2] =	stream.indirect.gather [hbm4b:s3+s12], $0x80, s8, s12, $0xb8;
	[tilespmem:$0x1FC80] =	vst v63  }
0x2d8: {  	_ =	swait.ge [sflag:s23], $0x2800  }
0x2d9: {  	s9 =	sld [smem:$0x7F6]  }
0x2da: {  	[sflag:s23] =	ssyncset.done $0x0  }
0x2db: {  	[sflag:s23] =	ssyncadd.s32 $0xFFFFD800  }
0x2dc: {  	[tilespmem:s15], [sflag:$0x3] =	stream.indirect.gather [hbm4b:s3+s12], $0x80, s9, s12, $0xb8;
	[tilespmem:$0x1FC80] =	vst v63  }
0x2dd: {  	_ =	swait.ge [sflag:s24], $0x2800  }
0x2de: {  	s8 =	sld [smem:$0x7F7]  }
0x2df: {  	[sflag:s24] =	ssyncset.done $0x0  }
0x2e0: {  	[sflag:s24] =	ssyncadd.s32 $0xFFFFD800  }
0x2e1: {  	[tilespmem:s16], [sflag:$0x4] =	stream.indirect.gather [hbm4b:s3+s12], $0x80, s8, s12, $0xb8;
	[tilespmem:$0x1FC80] =	vst v63  }
0x2e2: {  	_ =	swait.ge [sflag:s17], $0x2800  }
0x2e3: {  	s9 =	sld [smem:$0x7F8]  }
0x2e4: {  	[sflag:s17] =	ssyncset.done $0x0  }
0x2e5: {  	[sflag:s17] =	ssyncadd.s32 $0xFFFFD800  }
0x2e6: {  	[spmem:s1] =	stream.indirect.scatter.add.f32 [tilespmem:s13], [sflag:$0x5], $0x80, s9, s12, $0xb8;
	[tilespmem:$0x1FC80] =	vst v63  }
0x2e7: {  	_ =	swait.ge [sflag:s18], $0x2800  }
0x2e8: {  	s8 =	sld [smem:$0x7F9]  }
0x2e9: {  	[sflag:s18] =	ssyncset.done $0x0  }
0x2ea: {  	[sflag:s18] =	ssyncadd.s32 $0xFFFFD800  }
0x2eb: {  	[spmem:s1] =	stream.indirect.scatter.add.f32 [tilespmem:s14], [sflag:$0x6], $0x80, s8, s12, $0xb8;
	[tilespmem:$0x1FC80] =	vst v63  }
0x2ec: {  	_ =	swait.ge [sflag:s19], $0x2800  }
0x2ed: {  	s9 =	sld [smem:$0x7FA]  }
0x2ee: {  	[sflag:s19] =	ssyncset.done $0x0  }
0x2ef: {  	[sflag:s19] =	ssyncadd.s32 $0xFFFFD800  }
0x2f0: {  	[spmem:s1] =	stream.indirect.scatter.add.f32 [tilespmem:s15], [sflag:$0x7], $0x80, s9, s12, $0xb8;
	[tilespmem:$0x1FC80] =	vst v63  }
0x2f1: {  	_ =	swait.ge [sflag:s20], $0x2800  }
0x2f2: {  	s8 =	sld [smem:$0x7FB]  }
0x2f3: {  	[sflag:s20] =	ssyncset.done $0x0  }
0x2f4: {  	[sflag:s20] =	ssyncadd.s32 $0xFFFFD800  }
0x2f5: {  	[spmem:s1] =	stream.indirect.scatter.add.f32 [tilespmem:s16], [sflag:$0x8], $0x80, s8, s12, $0xb8;
	[tilespmem:$0x1FC80] =	vst v63  }
0x2f6: {  	_ =	swait.ge [sflag:s21], $0x2800  }
0x2f7: {  	s9 =	sld [smem:$0x7FC]  }
0x2f8: {  	[sflag:s21] =	ssyncset.done $0x0  }
0x2f9: {  	[sflag:s21] =	ssyncadd.s32 $0xFFFFD800  }
0x2fa: {  	[tilespmem:s13], [sflag:$0x1] =	stream.indirect.gather [hbm4b:s3+s12], $0x80, s9, s12, $0xb8;
	[tilespmem:$0x1FC80] =	vst v63  }
0x2fb: {  	_ =	swait.ge [sflag:s22], $0x2800  }
0x2fc: {  	[sflag:s22] =	ssyncset.done $0x0  }
0x2fd: {  	[sflag:s22] =	ssyncadd.s32 $0xFFFFD800  }
0x2fe: {  	[tilespmem:s14], [sflag:$0x2] =	stream.indirect.gather [hbm4b:s3+s12], $0x80, s25, s12, $0xb8;
	[tilespmem:$0x1FC80] =	vst v63  }
0x2ff: {  	_ =	swait.ge [sflag:s23], $0x2800  }
0x300: {  	[sflag:s23] =	ssyncset.done $0x0  }
0x301: {  	[sflag:s23] =	ssyncadd.s32 $0xFFFFD800  }
0x302: {  	[tilespmem:s15], [sflag:$0x3] =	stream.indirect.gather [hbm4b:s3+s12], $0x80, s26, s12, $0xb8;
	[tilespmem:$0x1FC80] =	vst v63  }
0x303: {  	_ =	swait.ge [sflag:s24], $0x2800  }
0x304: {  	[sflag:s24] =	ssyncset.done $0x0  }
0x305: {  	[sflag:s24] =	ssyncadd.s32 $0xFFFFD800  }
0x306: {  	[tilespmem:s16], [sflag:$0x4] =	stream.indirect.gather [hbm4b:s3+s12], $0x80, s28, s12, $0xb8;
	[tilespmem:$0x1FC80] =	vst v63  }
0x307: {  	_ =	swait.ge [sflag:s17], $0x2800  }
0x308: {  	[sflag:s17] =	ssyncset.done $0x0  }
0x309: {  	[sflag:s17] =	ssyncadd.s32 $0xFFFFD800  }
0x30a: {  	[spmem:s1] =	stream.indirect.scatter.add.f32 [tilespmem:s13], [sflag:$0x5], $0x80, s29, s12, $0xb8;
	[tilespmem:$0x1FC80] =	vst v63  }
0x30b: {  	_ =	swait.ge [sflag:s18], $0x2800  }
0x30c: {  	[sflag:s18] =	ssyncset.done $0x0  }
0x30d: {  	[sflag:s18] =	ssyncadd.s32 $0xFFFFD800  }
0x30e: {  	[spmem:s1] =	stream.indirect.scatter.add.f32 [tilespmem:s14], [sflag:$0x6], $0x80, s30, s12, $0xb8;
	[tilespmem:$0x1FC80] =	vst v63  }
0x30f: {  	_ =	swait.ge [sflag:s19], $0x2800  }
0x310: {  	[sflag:s19] =	ssyncset.done $0x0  }
0x311: {  	[sflag:s19] =	ssyncadd.s32 $0xFFFFD800  }
0x312: {  	[spmem:s1] =	stream.indirect.scatter.add.f32 [tilespmem:s15], [sflag:$0x7], $0x80, s31, s12, $0xb8;
	[tilespmem:$0x1FC80] =	vst v63  }
0x313: {  	_ =	swait.ge [sflag:s20], $0x2800  }
0x314: {  	[sflag:s20] =	ssyncset.done $0x0  }
0x315: {  	[sflag:s20] =	ssyncadd.s32 $0xFFFFD800  }
0x316: {  	[spmem:s1] =	stream.indirect.scatter.add.f32 [tilespmem:s16], [sflag:$0x8], $0x80, s0, s12, $0xb8;
	[tilespmem:$0x1FC80] =	vst v63  }
0x317: {  	_ =	swait.ge [sflag:s21], $0x2800  }
0x318: {  	[sflag:s21] =	ssyncset.done $0x0  }
0x319: {  	[sflag:s21] =	ssyncadd.s32 $0xFFFFD800  }
0x31a: {  	_ =	swait.ge [sflag:s22], $0x2800  }
0x31b: {  	[sflag:s22] =	ssyncset.done $0x0  }
0x31c: {  	[sflag:s22] =	ssyncadd.s32 $0xFFFFD800  }
0x31d: {  	_ =	swait.ge [sflag:s23], $0x2800  }
0x31e: {  	[sflag:s23] =	ssyncset.done $0x0  }
0x31f: {  	[sflag:s23] =	ssyncadd.s32 $0xFFFFD800  }
0x320: {  	_ =	swait.ge [sflag:s24], $0x2800  }
0x321: {  	[sflag:s24] =	ssyncset.done $0x0  }
0x322: {  	[sflag:s24] =	ssyncadd.s32 $0xFFFFD800  }
0x323: {  	[tilespmem:s13], [sflag:$0x1] =	stream.indirect.gather [hbm4b:s3+s12], $0x80, s5, s12, $0xb8;
	[tilespmem:$0x1FC80] =	vst v63  }
0x324: {  	_ =	swait.ge [sflag:s17], $0x2800  }
0x325: {  	[sflag:s17] =	ssyncset.done $0x0  }
0x326: {  	[sflag:s17] =	ssyncadd.s32 $0xFFFFD800  }
0x327: {  	[spmem:s1] =	stream.indirect.scatter.add.f32 [tilespmem:s13], [sflag:$0x5], $0x80, s6, s12, $0xb8;
	[tilespmem:$0x1FC80] =	vst v63  }
0x328: {  	_ =	swait.ge [sflag:s21], $0x2800  }
0x329: {  	[sflag:s21] =	ssyncset.done $0x0  }
0x32a: {  	[sflag:s21] =	ssyncadd.s32 $0xFFFFD800  }
0x32b: {  	[bflag:$0x0] =	sbarrier.arrive $0xFFFF  }
0x32c: {  	s9 =	sld [smem:$0x7EF];
	_ =	sdelay $0x1  }
0x32d: {  	s7 =	sshrl.u32 @!p1 s1, $0x3;
	s8 =	simm.s32 @!p1 $0x1C09  }
0x32e: {  	[hbm:s9], [sflag:s8] =	dma.local @!p1 [spmem:s7], $0x27100  }
0x32f: {  	s7 =	simm.s32 @!p1 $0x9  }
0x330: {  	_ =	swait.ge @!p1 [sflag:s7], $0x27100  }
0x331: {  	s8 =	sld [smem:$0x7FD];
	_ =	sdelay $0x2  }
0x332: {  	s9 =	sadd.s32 $0x1, s8;
	s8 =	sld [smem:$0x7F0];
	_ =	sdelay $0x2  }
0x333: {  	p2 =	sne.s32 s9, s8  }
.Ltmp2:
0x334: {  	_ = 	snop;
	(pc) =	sbr.rel @p2 .LBB2_1-.Ltmp2, $3  }
0x335: {  	_ =	sdelay $0x1  }
0x336: {  	[sflag:s7] =	ssyncset.done @!p1 $0x0  }
0x337: {  	[sflag:s7] =	ssyncadd.s32 @!p1 $0xFFFD8F00;
	[smem:$0x7FD] =	sst s9;
	s9 =	simm.s32 $0xC000  }
0x338: {  	_ =	sfence.sel $0x180000  }
0x339: {  	[bflag:$0x0] =	sbarrier.arrive $0xFFFF  }
0x33a: {  	_ =	strace $0x9000004D  }
0x33b: {  	[bflag:$0x2] =	sbarrier.arrive $0xFFFF  }
0x33c: {  	s0 =	rddreg [dreg:$0x2]  }
0x33d: {  	s0 =	sadd.s32 @!p1 $0x100000, s0  }
0x33e: {  	[sflag:s0] =	ssyncadd.tile.s32 @!p1 $0x1;
	_ =	shalt  }
.Lfunc_end2:
_tile_overlayer_lowered:
.L_overlay_start_2:
0x33f: {  	(tag) =	ssettag $0x2  }
0x340: {  	s0 =	rddreg [dreg:$0x0];
	s2 =	stileid.u32  }
0x341: {  	s1 =	rddreg [dreg:$0x1];
	p0 =	sne.s32 s2, $0x0  }
0x342: {  	s3 =	rddreg [dreg:$0x2];
	[bflag:$0x3] =	sbarrier.arrive $0xFFFF;
	s2 =	simm.s32 @!p0 $0x1C09  }
0x343: {  	[timem:s3], [sflag:s2] =	dma.local @!p0 [hbm:s0], s1  }
0x344: {  	s0 =	simm.s32 @!p0 $0x9  }
0x345: {  	_ =	swait.ge @!p0 [sflag:s0], s1  }
0x346: {  	s1 =	ssub.s32 @!p0 $0x0, s1;
	[sflag:s0] =	ssyncset.done @!p0 $0x0  }
0x347: {  	[sflag:s0] =	ssyncadd.s32 @!p0 s1  }
0x348: {  	[bflag:$0x3] =	sbarrier.arrive $0xFFFF  }
0x349: {  	_ =	shalt  }

// kernel: kernel.8.cloned.1.call-start
scs
__scs_entry_jumppad:
0x0: {  	(pc) =	sbr.rel $0x88, $3  }
0x1: {  	(tag) =	ssettag $0x0;
	lr =	simm.s32 $0x1  }
0x2: {  	[smem:$0x3F9A] =	sst lr;
	_ =	strace $0xD0000000  }
0x3: {  	_ = 	snop  }
0x4: {  	_ = 	snop  }
0x5: {  	_ = 	snop  }
0x6: {  	_ = 	snop  }
0x7: {  	_ = 	snop  }
__scs_overlays_trampoline_lowered:
0x8: {  	[smem:$0x3FA9] =	sst s0  }
0x9: {  	[smem:$0x3FAA] =	sst s1  }
0xa: {  	[smem:$0x3FAB] =	sst s2  }
0xb: {  	[smem:$0x3FAC] =	sst s3  }
0xc: {  	[smem:$0x3FAD] =	sst s4  }
0xd: {  	[smem:$0x3FAE] =	sst s5  }
0xe: {  	[smem:$0x3FAF] =	sst s6  }
0xf: {  	[smem:$0x3FB0] =	sst s7  }
0x10: {  	[smem:$0x3FB1] =	sst s8  }
0x11: {  	[smem:$0x3FB2] =	sst s9;
	s0 =	simm.s32 @!p0 $0x0  }
0x12: {  	s1 =	sld [smem:$0x3F98];
	s0 =	simm.s32 @p0 $0x1  }
0x13: {  	[smem:$0x3FB3] =	sst s0;
	s0 =	simm.s32 @!p1 $0x0  }
0x14: {  	s2 =	sld [smem:$0x3F97];
	s0 =	simm.s32 @p1 $0x1  }
0x15: {  	[smem:$0x3FB4] =	sst s0;
	s0 =	simm.s32 @!p2 $0x0  }
0x16: {  	s3 =	sld [smem:$0x3FDB];
	s0 =	simm.s32 @p2 $0x1  }
0x17: {  	s4 =	simm.s32 $0x1BF5;
	[smem:$0x3FB6] =	sst s0  }
0x18: {  	s0 =	sld [smem:$0x3F99];
	_ =	swait.ge [sflag:s4], $0x0  }
0x19: {  	s7 =	sld [smem:$0x3F9A]  }
0x1a: {  	s8 =	sadd.s32 $0xFFFFE003, lr  }
0x1b: {  	s9 =	sadd.s32 $0xFFFFFEF7, lr;
	s5 =	simm.s32 $0xFFFFFFFF;
	p2 =	slt.u32 s8, $0xFFFFF086  }
0x1c: {  	p1 =	slt.u32 s9, $0xF7A;
	s5 =	simm.s32 @!p2 $0x0  }
0x1d: {  	s5 =	simm.s32 @p1 $0x1;
	p0 =	seq.s32 s7, s2  }
0x1e: {  	s7 =	smul.u32 @!p0 $0xF7A, s2;
	p2 =	seq.s32 @!p0 s5, $0x0  }
0x1f: {  	s9 =	smul.u32 $0xF7A, s1;
	s8 =	simm.s32 @!p0 $0x1BF5;
	p2 =	por !p2, p0  }
0x20: {  	[sflag:s8] =	ssyncset.s32 @!p0 $0xFFFFF086;
	s6 =	sadd.s32 @!p0 s3, s7;
	s7 =	simm.s32 @!p0 $0x108  }
0x21: {  	s3 =	sadd.s32 s3, s9;
	s6 =	sadd.s32 @!p0 $0x88, s6;
	s7 =	simm.s32 @p2 $0x1082  }
0x22: {  	[simem:s7], [sflag:s8] =	dma.local @!p0 [hbm:s6], $0xF7A  }
0x23: {  	s9 =	sor.u32 $0xD0000000, s2;
	s6 =	simm.s32 $0x108;
	_ =	swait.ge @!p0 [sflag:s8], $0x0  }
0x24: {  	s3 =	sadd.s32 $0x88, s3;
	s6 =	simm.s32 @!p1 $0x1082;
	[sflag:s4] =	ssyncset.s32 $0xFFFFF086  }
0x25: {  	[simem:s6], [sflag:s4] =	dma.local [hbm:s3], $0xF7A  }
0x26: {  	[smem:$0x3F9A] =	sst s1;
	(tag) =	ssettag s2;
	_ =	strace s9  }
0x27: {  	s1 =	sld [smem:$0x3FAA]  }
0x28: {  	s2 =	sld [smem:$0x3FAB]  }
0x29: {  	s4 =	sld [smem:$0x3FAD]  }
0x2a: {  	p0 =	seq.s32 s5, $0x0;
	s5 =	sld [smem:$0x3FAE]  }
0x2b: {  	s6 =	sld [smem:$0x3FAF]  }
0x2c: {  	s7 =	sld [smem:$0x3FB0]  }
0x2d: {  	s3 =	simm.s32 $0x108;
	s8 =	sld [smem:$0x3FB1]  }
0x2e: {  	s3 =	simm.s32 @!p0 $0x1082;
	s9 =	sld [smem:$0x3FB2]  }
0x2f: {  	lr =	sadd.s32 s0, s3;
	s0 =	sld [smem:$0x3FA9]  }
0x30: {  	s3 =	sld [smem:$0x3FAC]  }
0x31: {  	[smem:$0x3FB5] =	sst s10  }
0x32: {  	s10 =	sld [smem:$0x3FB3];
	_ =	sdelay $0x3  }
0x33: {  	p0 =	seq.s32 s10, $0x1;
	s10 =	sld [smem:$0x3FB5];
	_ =	sdelay $0x3  }
0x34: {  	[smem:$0x3FB5] =	sst s10  }
0x35: {  	s10 =	sld [smem:$0x3FB4];
	_ =	sdelay $0x3  }
0x36: {  	p1 =	seq.s32 s10, $0x1;
	s10 =	sld [smem:$0x3FB5];
	_ =	sdelay $0x3  }
0x37: {  	[smem:$0x3FB5] =	sst s10  }
0x38: {  	s10 =	sld [smem:$0x3FB6]  }
0x39: {  	_ = 	snop;
	(pc) =	sbr.ind lr, $3  }
0x3a: {  	_ = 	snop  }
0x3b: {  	_ = 	snop  }
0x3c: {  	p2 =	seq.s32 s10, $0x1;
	s10 =	sld [smem:$0x3FB5]  }
0x3d: {  	_ =	shalt  }
0x3e: {  	_ =	shalt  }
0x3f: {  	_ =	shalt  }
0x40: {  	_ =	shalt  }
0x41: {  	_ =	shalt  }
0x42: {  	_ =	shalt  }
0x43: {  	_ =	shalt  }
0x44: {  	_ =	shalt  }
0x45: {  	_ =	shalt  }
0x46: {  	_ =	shalt  }
0x47: {  	_ =	shalt  }
0x48: {  	_ =	shalt  }
0x49: {  	_ =	shalt  }
0x4a: {  	_ =	shalt  }
0x4b: {  	_ =	shalt  }
0x4c: {  	_ =	shalt  }
0x4d: {  	_ =	shalt  }
0x4e: {  	_ =	shalt  }
0x4f: {  	_ =	shalt  }
0x50: {  	_ =	shalt  }
0x51: {  	_ =	shalt  }
0x52: {  	_ =	shalt  }
0x53: {  	_ =	shalt  }
0x54: {  	_ =	shalt  }
0x55: {  	_ =	shalt  }
0x56: {  	_ =	shalt  }
0x57: {  	_ =	shalt  }
0x58: {  	_ =	shalt  }
0x59: {  	_ =	shalt  }
0x5a: {  	_ =	shalt  }
0x5b: {  	_ =	shalt  }
0x5c: {  	_ =	shalt  }
0x5d: {  	_ =	shalt  }
0x5e: {  	_ =	shalt  }
0x5f: {  	_ =	shalt  }
0x60: {  	_ =	shalt  }
0x61: {  	_ =	shalt  }
0x62: {  	_ =	shalt  }
0x63: {  	_ =	shalt  }
0x64: {  	_ =	shalt  }
0x65: {  	_ =	shalt  }
0x66: {  	_ =	shalt  }
0x67: {  	_ =	shalt  }
0x68: {  	_ =	shalt  }
0x69: {  	_ =	shalt  }
0x6a: {  	_ =	shalt  }
0x6b: {  	_ =	shalt  }
0x6c: {  	_ =	shalt  }
0x6d: {  	_ =	shalt  }
0x6e: {  	_ =	shalt  }
0x6f: {  	_ =	shalt  }
0x70: {  	_ =	shalt  }
0x71: {  	_ =	shalt  }
0x72: {  	_ =	shalt  }
0x73: {  	_ =	shalt  }
0x74: {  	_ =	shalt  }
0x75: {  	_ =	shalt  }
0x76: {  	_ =	shalt  }
0x77: {  	_ =	shalt  }
0x78: {  	_ =	shalt  }
0x79: {  	_ =	shalt  }
0x7a: {  	_ =	shalt  }
0x7b: {  	_ =	shalt  }
0x7c: {  	_ =	shalt  }
0x7d: {  	_ =	shalt  }
0x7e: {  	_ =	shalt  }
0x7f: {  	_ =	shalt  }
0x80: {  	_ =	shalt  }
0x81: {  	_ =	shalt  }
0x82: {  	_ =	shalt  }
0x83: {  	_ =	shalt  }
0x84: {  	_ =	shalt  }
0x85: {  	_ =	shalt  }
0x86: {  	_ =	shalt  }
0x87: {  	_ =	shalt  }
.Lfunc_end0:
.L_simem_size_0:
called_computation_lowered:
.L_overlay_start_0:
0x88: {  	s2 =	sld [smem:$0x3FD9]  }
0x89: {  	s3 =	sld [smem:$0x3FFE];
	_ =	sdelay $0x1  }
0x8a: {  	s1 =	srdreg.scid  }
0x8b: {  	s0 =	sand.u32 $0x1, s1  }
0x8c: {  	s16 =	sshll.u32 s0, $0xA;
	s2 =	sadd.s32 s3, s2  }
0x8d: {  	s2 =	sadd.s32 s2, s16  }
0x8e: {  	[smem:$0x3FC1] =	sst s2  }
0x8f: {  	_ = 	snop  }
0x90: {  	(tm) =	ssettm $0x1  }
0x91: {  	s17 =	sld [smem:$0x3FFB];
	_ =	sdelay $0x3  }
0x92: {  	_ =	strace s17  }
0x93: {  	s2 =	sld [smem:$0x3FFC];
	_ =	sdelay $0x3  }
0x94: {  	_ =	strace s2  }
0x95: {  	s2 =	sld [smem:$0x3FFD];
	_ =	sdelay $0x3  }
0x96: {  	_ =	strace s2  }
0x97: {  	_ =	strace $0x8FFFFFFF  }
0x98: {  	s18 =	sld [smem:$0x3FDB];
	_ =	sdelay $0x1  }
0x99: {  	s19 =	simm.s32 $_scs_section_size  }
0x9a: {  	s4 =	simm.s32 $_size__tile_overlayer_lowered;
	s5 =	simm.s32 $_tile_overlayer_lowered  }
0x9b: {  	s22 =	simm.s32 $0x1BFF;
	s21 =	sshll.u32 s5, $0x1;
	s2 =	sadd.s32 s19, s18  }
0x9c: {  	s6 =	simm.s32 $0x0;
	s20 =	sshll.u32 s4, $0x1;
	s4 =	sadd.s32 s21, s2  }
0x9d: {  	[timem:s6], [sflag:s22] =	dma.local [hbm:s4], s20  }
0x9e: {  	_ =	swait.ge [sflag:s22], s20  }
0x9f: {  	s3 =	ssub.s32 $0x0, s20;
	[sflag:s22] =	ssyncset.done $0x0  }
0xa0: {  	[sflag:s22] =	ssyncadd.s32 s3;
	_ =	sdelay $0x1  }
0xa1: {  	s23 =	simm.s32 $0x1B8B  }
0xa2: {  	_ =	swait.ge [sflag:s23], $0x1  }
0xa3: {  	[sflag:s23] =	ssyncset.done $0x0  }
0xa4: {  	s25 =	simm.s32 $0x1B8E;
	s24 =	sld [smem:$0x3FFE];
	[sflag:s23] =	ssyncadd.s32 $0xFFFFFFFF  }
0xa5: {  	s26 =	simm.s32 $execute0_lowered;
	[smem:$0x3FD2] =	sst s25  }
0xa6: {  	s4 =	sshll.u32 s26, $0x1;
	_ =	strace $0x80000046;
	[dreg:$0x1] =	wrdreg $0xFFFFFFFF  }
0xa7: {  	s28 =	simm.s32 $_size_execute0_lowered;
	s2 =	sadd.s32 s2, s4;
	[dreg:$0x0] =	wrdreg $0x0  }
0xa8: {  	s4 =	sshll.u32 s28, $0x1;
	[dreg:$0x2] =	wrdreg s2  }
0xa9: {  	[dreg:$0x3] =	wrdreg s4  }
0xaa: {  	[dreg:$0x4] =	wrdreg $0xC0  }
0xab: {  	_ =	task [dreg:s6], $0x5FFFF  }
0xac: {  	[dreg:$0x1] =	wrdreg $0xFFFFFFFF  }
0xad: {  	[dreg:$0x0] =	wrdreg $0x60  }
0xae: {  	[dreg:$0x2] =	wrdreg s24  }
0xaf: {  	[dreg:$0x3] =	wrdreg $0x50000  }
0xb0: {  	[dreg:$0x4] =	wrdreg $0x9  }
0xb1: {  	_ =	task.clear_ibuf [dreg:s6], $0x5FFFF;
	_ =	strace $0x90000046  }
0xb2: {  	s29 =	simm.s32 $0x9;
	_ =	strace $0x80000048  }
0xb3: {  	_ =	swait.ge [sflag:s29], $0x1  }
0xb4: {  	[sflag:s29] =	ssyncadd.s32 $0xFFFFFFFF  }
0xb5: {  	_ =	strace $0x90000048  }
0xb6: {  	_ =	sfence  }
0xb7: {  	s30 =	sld [smem:$0x0];
	_ =	sdelay $0x2  }
0xb8: {  	s31 =	sshll.u32 s1, $0xD;
	s1 =	sshrl.u32 s1, $0x2  }
0xb9: {  	s3 =	sand.u32 $0x4000, s31;
	s1 =	sadd.s32 s1, s30  }
0xba: {  	s0 =	sor.u32 s3, s0;
	s1 =	sshll.u32 s1, $0x11  }
0xbb: {  	s0 =	sor.u32 s1, s0  }
0xbc: {  	s0 =	sadd.s32 $0x8F2B, s0  }
0xbd: {  	[sflag:s0] =	ssyncadd.remote.s32 $0x1  }
0xbe: {  	_ =	sfence.sel $0xFFFF  }
0xbf: {  	[dreg:$0x0] =	wrdreg $0xFFFFFFFF;
	(pc) =	sbr.abs _section_cstart, $3  }
0xc0: {  	[dreg:$0x1] =	wrdreg $0xFFFFFFFF  }
0xc1: {  	_ =	task.clear_ibuf [dreg:s6], $0x2FFFF;
	_ =	strace $0x9FFFFFFF  }
0xc2: {  	(tm) =	ssettm $0x7FFFFFFF  }
0xc3: {  	_ =	shalt  }
tec
execute0_lowered:
.L_overlay_start_1:
0x0: {  	(tag) =	ssettag $0x1  }
0x1: {  	s0 =	srdreg.scid  }
0x2: {  	s6 =	stileid.u32;
	s4 =	rddreg [dreg:$0x0];
	s3 =	sand.u32 $0x1, s0  }
0x3: {  	s1 =	rddreg [dreg:$0x1];
	s2 =	simm.s32 $0x0;
	s0 =	sshll.u32 s3, $0x4  }
0x4: {  	s8 =	simm.s32 $0x1;
	s9 =	simm.s32 $0x2780;
	s0 =	sor.u32 s6, s0  }
0x5: {  	s10 =	simm.s32 $0x50;
	s11 =	simm.s32 $0x4F80;
	s0 =	sshrl.u32 s0, $0x3  }
0x6: {  	s7 =	sshll.u32 s6, $0x7;
	[smem:$0x7FF] =	sst s2;
	s5 =	smul.u32 $0x13C00, s0  }
0x7: {  	p0 =	sne.s32 s6, $0x0;
	s7 =	sand.u32 $0x380, s7;
	s30 =	smul.u32 $0x500, s3  }
0x8: {  	s3 =	ssub.s32 $0x2, s3;
	s12 =	sshrl.u32 @!p0 s1, $0x3;
	s5 =	sor.u32 s7, s5  }
0x9: {  	s31 =	sshrl.u32 s3, $0x1;
	s6 =	simm.s32 $0x80;
	s5 =	sshrl.u32 s5, $0x3  }
0xa: {  	v0 =	vlaneseq.u32;
	s0 =	rddreg [dreg:$0x2];
	_ =	strace $0x80000047;
	s5 =	sadd.s32 s5, s4  }
0xb: {  	v1 =	vimm.f32 $0.0e+00;
	v6 =	vimm.f32 $1.000000000e+00;
	v2 =	vor.u32 $0x10, v0;
	s7 =	ssub.s32 s3, s31;
	s4 =	sadd.s32 s30, s4;
	s3 =	sadd.s32 $0x1C00, s5  }
0xc: {  	v3 =	vor.u32 $0x20, v0;
	v4 =	vor.u32 $0x30, v0;
	v5 =	vor.u32 $0x40, v0;
	s4 =	sadd.s32 $0xBA00, s4;
	s5 =	smax.u32 s7, $0x1;
	s7 =	simm.s32 $0x400  }
.LBB2_1:
0xd: {  	s13 =	simm.s32 $0x70;
	s14 =	simm.s32 $0x3C0  }
.LBB2_2:
0xe: {  	p1 =	sne.s32 s14, $0x9FC0;
	[tilespmem:s13+$0x2780] =	vst v1  }
0xf: {  	[tilespmem:s13+$0x2710] =	vst v1  }
0x10: {  	[tilespmem:s13+$0x2720] =	vst v1  }
.Ltmp0:
0x11: {  	[tilespmem:s13+$0x2730] =	vst v1;
	(pc) =	sbr.rel @p1 .LBB2_2-.Ltmp0, $4  }
0x12: {  	[tilespmem:s13+$0x2740] =	vst v1  }
0x13: {  	[tilespmem:s13+$0x2750] =	vst v1  }
0x14: {  	[tilespmem:s13+$0x2760] =	vst v1  }
0x15: {  	[tilespmem:s13+$0x2770] =	vst v1;
	s13 =	sshra.s32 s14, $0x2;
	s14 =	sadd.s32 $0x200, s14  }
0x16: {  	[tilespmem:s13+$0x2780] =	vst v1  }
0x17: {  	[tilespmem:s13+$0x2710] =	vst v1  }
0x18: {  	[tilespmem:s13+$0x2720] =	vst v1  }
0x19: {  	[tilespmem:s13+$0x2730] =	vst v1  }
0x1a: {  	[tilespmem:s13+$0x2740] =	vst v1  }
0x1b: {  	[tilespmem:s13+$0x2750] =	vst v1  }
0x1c: {  	[tilespmem:s13+$0x2760] =	vst v1  }
0x1d: {  	[tilespmem:s13+$0x2770] =	vst v1  }
0x1e: {  	[tilespmem:$0x4F80] =	vst v0  }
0x1f: {  	[tilespmem:$0x4F90] =	vst v2  }
0x20: {  	[tilespmem:$0x4FA0] =	vst v3  }
0x21: {  	[tilespmem:$0x4FB0] =	vst v4  }
0x22: {  	[tilespmem:$0x4FC0] =	vst v5  }
0x23: {  	s13 =	simm.s32 @!p0 $0x2780;
	[bflag:$0x0] =	sbarrier.arrive $0xFFFF  }
0x24: {  	[spmem:s1] =	stream.linear.scatter @!p0 [tilespmem:s13], [sflag:$0x1], $0x2800, $0x38;
	[tilespmem:$0x5280] =	vst v63  }
0x25: {  	s13 =	simm.s32 @!p0 $0x1  }
0x26: {  	_ =	swait.ge @!p0 [sflag:s13], $0x2800  }
0x27: {  	[sflag:s13] =	ssyncset.done @!p0 $0x0  }
0x28: {  	s31 =	simm.s32 $0x0;
	[sflag:s13] =	ssyncadd.s32 @!p0 $0xFFFFD800  }
0x29: {  	[tilespmem:s31], [sflag:$0x1] =	stream.strided.gather [hbm4b:s3+s6], $0x2780, s7, s6, $0x38;
	[tilespmem:$0x5280] =	vst v63  }
0x2a: {  	_ =	swait.ge [sflag:s8], $0x2780  }
0x2b: {  	[sflag:s8] =	ssyncset.done $0x0  }
0x2c: {  	[sflag:s8] =	ssyncadd.s32 $0xFFFFD880  }
0x2d: {  	s14 =	simm.s32 $0x0;
	s13 =	simm.s32 $0x40;
	[bflag:$0x0] =	sbarrier.arrive $0xFFFF  }
.LBB2_4:
0x2e: {  	p1 =	sne.s32 s13, $0x9C00;
	v7 =	vld [tilespmem:s14+$0x0];
	_ =	sdelay $0x3  }
.Ltmp1:
0x2f: {  	(pc) =	sbr.rel @p1 .LBB2_4-.Ltmp1, $2  }
0x30: {  	_ =	sdelay $0x2  }
0x31: {  	s14 =	sshra.s32 s13, $0x2;
	s13 =	sadd.s32 $0x40, s13;
	[tilespmem:v7+s9+$0x0] =	vst.idx.add.f32.msk $0xffff, v6  }
0x32: {  	v7 =	vld [tilespmem:s14+$0x0];
	_ =	sdelay $0x7  }
0x33: {  	[tilespmem:v7+s9+$0x0] =	vst.idx.add.f32.msk $0xffff, v6  }
0x34: {  	[bflag:$0x0] =	sbarrier.arrive $0xFFFF  }
0x35: {  	[spmem:s1] =	stream.indirect.scatter.add.f32 [tilespmem:s9], [sflag:$0x1], $0x80, s11, s10, $0xb8;
	[tilespmem:$0x5280] =	vst v63  }
0x36: {  	_ =	swait.ge [sflag:s8], $0x2800  }
0x37: {  	[sflag:s8] =	ssyncset.done $0x0  }
0x38: {  	s2 =	sadd.s32 $0x1, s2;
	[sflag:s8] =	ssyncadd.s32 $0xFFFFD800  }
0x39: {  	s13 =	simm.s32 @!p0 $0x1C01;
	p1 =	sne.s32 s2, s5;
	[bflag:$0x0] =	sbarrier.arrive $0xFFFF  }
0x3a: {  	[hbm:s4], [sflag:s13] =	dma.local @!p0 [spmem:s12], $0x500  }
.Ltmp2:
0x3b: {  	_ = 	snop;
	(pc) =	sbr.rel @p1 .LBB2_1-.Ltmp2, $4  }
0x3c: {  	s13 =	simm.s32 @!p0 $0x1  }
0x3d: {  	_ =	swait.ge @!p0 [sflag:s13], $0x500  }
0x3e: {  	[sflag:s13] =	ssyncset.done @!p0 $0x0  }
0x3f: {  	[sflag:s13] =	ssyncadd.s32 @!p0 $0xFFFFFB00  }
0x40: {  	_ =	sfence.sel $0x180000  }
0x41: {  	[bflag:$0x0] =	sbarrier.arrive $0xFFFF  }
0x42: {  	_ =	strace $0x90000047  }
0x43: {  	s0 =	sadd.s32 @!p0 $0x100000, s0;
	[bflag:$0x2] =	sbarrier.arrive $0xFFFF  }
0x44: {  	[sflag:s0] =	ssyncadd.tile.s32 @!p0 $0x1;
	_ =	shalt  }
.Lfunc_end2:
_tile_overlayer_lowered:
.L_overlay_start_2:
0x45: {  	(tag) =	ssettag $0x2  }
0x46: {  	s0 =	rddreg [dreg:$0x0];
	s2 =	stileid.u32  }
0x47: {  	s1 =	rddreg [dreg:$0x1];
	p0 =	sne.s32 s2, $0x0  }
0x48: {  	s3 =	rddreg [dreg:$0x2];
	[bflag:$0x3] =	sbarrier.arrive $0xFFFF;
	s2 =	simm.s32 @!p0 $0x1C01  }
0x49: {  	[timem:s3], [sflag:s2] =	dma.local @!p0 [hbm:s0], s1  }
0x4a: {  	s0 =	simm.s32 @!p0 $0x1  }
0x4b: {  	_ =	swait.ge @!p0 [sflag:s0], s1  }
0x4c: {  	s1 =	ssub.s32 @!p0 $0x0, s1;
	[sflag:s0] =	ssyncset.done @!p0 $0x0  }
0x4d: {  	[sflag:s0] =	ssyncadd.s32 @!p0 s1  }
0x4e: {  	[bflag:$0x3] =	sbarrier.arrive $0xFFFF  }
0x4f: {  	_ =	shalt  }

</sc_bundles>
